<compile_context>
chip_gen: v7x
topology: tpu7x:2x2x1
jax: 0.10.2.dev20260603
libtpu: 0.0.44.dev20260713+nightly
codegen_flags: <defaults>
</compile_context>

<pallas_src>
import jax
import jax.numpy as jnp
from jax import lax
from jax.experimental import pallas as pl
from jax.experimental.pallas import tpu as pltpu
from jax.experimental.pallas import tpu_sc as plsc

KE = 14.3996454784255
C12 = 1.0
R_MIN = 0.2
SCALE = 1.0
A0 = 0.52917721092
INV_A = 1.0 / (0.88534 * A0)
KES = KE * SCALE

NC = 2
NS = 16
L = 16
NW = NC * NS

NPAD = 100352
ROWS = 50176
CH = 8
RPT = ROWS // NW
NCHUNK = RPT // CH
SLICE = NPAD // NS

PHI_N = 512
PHI_INV_H = PHI_N / 16.0
PHI_CLAMP = float(PHI_N - 2)

RN = 1024
R_INV_H = RN / 0.8
R_CLAMP = float(RN - 2)
F1_LEN = RN + 8


def _pack_bf16_pair(hi_f32, lo_f32):
    hb = lax.bitcast_convert_type(hi_f32.astype(jnp.bfloat16), jnp.uint16)
    lb = lax.bitcast_convert_type(lo_f32.astype(jnp.bfloat16), jnp.uint16)
    packed = jnp.left_shift(hb.astype(jnp.uint32), 16) | lb.astype(jnp.uint32)
    return lax.bitcast_convert_type(packed, jnp.float32)


def _table_body(attrs_ref, w_ref, tab_ref, phil_ref):
    a = attrs_ref[...]
    w = w_ref[...]
    z = jnp.sum(a * w, axis=0)
    zp = jnp.exp(jnp.float32(0.23) * jnp.log(z))
    tab_ref[...] = _pack_bf16_pair(z, zp)

    x = lax.broadcasted_iota(jnp.int32, (PHI_N + 1,), 0).astype(jnp.float32) * (
        1.0 / PHI_INV_H)
    phi = (0.1818 * jnp.exp(-3.2 * x)
           + 0.5099 * jnp.exp(-0.9423 * x)
           + 0.2802 * jnp.exp(-0.4029 * x)
           + 0.02817 * jnp.exp(-0.2016 * x))
    phil_ref[...] = _pack_bf16_pair(phi[:PHI_N], phi[1:] - phi[:PHI_N])


def _merge_body(p_ref, out_ref):
    p = p_ref[...]
    out_ref[...] = p[0] + p[1]


def _sc_body(table_hbm, phil_hbm, len_hbm, src_hbm, dst_hbm, rmax_hbm, out_hbm,
             table_v, phil_v, len_v, src_v, dst_v, v_v, rmax_v, acc_sh,
             sem_in, sem_sc):
    cid = lax.axis_index("c")
    sid = lax.axis_index("s")
    wid = cid * NS + sid

    zeros = jnp.zeros((L,), jnp.float32)

    def zbody(k, c):
        table_v[pl.ds(k * L, L)] = zeros
        return c

    lax.fori_loop(0, SLICE // L, zbody, 0)
    pltpu.sync_copy(table_v.at[pl.ds(0, SLICE)],
                    acc_sh.at[pl.ds(sid * SLICE, SLICE)])

    pltpu.sync_copy(table_hbm, table_v)
    pltpu.sync_copy(phil_hbm, phil_v)
    pltpu.sync_copy(rmax_hbm, rmax_v)
    plsc.subcore_barrier()

    inv_rmax = 1.0 / rmax_v[...]
    mask_hi = jnp.int32(-65536)
    row_base = wid * RPT

    def issue_input(ci, buf):
        r0 = row_base + ci * CH
        pltpu.async_copy(len_hbm.at[pl.ds(r0, CH), :], len_v.at[buf], sem_in)
        pltpu.async_copy(src_hbm.at[pl.ds(r0, CH), :], src_v.at[buf], sem_in)
        pltpu.async_copy(dst_hbm.at[pl.ds(r0, CH), :], dst_v.at[buf], sem_in)

    def wait_input(ci, buf):
        r0 = row_base + ci * CH
        pltpu.make_async_copy(len_hbm.at[pl.ds(r0, CH), :], len_v.at[buf],
                              sem_in).wait()
        pltpu.make_async_copy(src_hbm.at[pl.ds(r0, CH), :], src_v.at[buf],
                              sem_in).wait()
        pltpu.make_async_copy(dst_hbm.at[pl.ds(r0, CH), :], dst_v.at[buf],
                              sem_in).wait()

    def drain_scatters(buf):
        for j in range(CH):
            pltpu.make_async_copy(v_v.at[buf, j],
                                  acc_sh.at[src_v.at[buf, j]],
                                  sem_sc).wait()
            pltpu.make_async_copy(v_v.at[buf, j],
                                  acc_sh.at[dst_v.at[buf, j]],
                                  sem_sc).wait()

    issue_input(0, 0)

    def chunk(ci, carry):
        cur = lax.rem(ci, 3)
        nxt = lax.rem(ci + 1, 3)
        wait_input(ci, cur)

        @pl.when(ci >= 2)
        def _():
            drain_scatters(nxt)

        @pl.when(ci + 1 < NCHUNK)
        def _():
            issue_input(ci + 1, nxt)

        def jbody(j, c):
            for l in range(128 // L):
                sl = pl.ds(l * L, L)
                r = jnp.maximum(len_v[cur, j, sl], R_MIN)
                si = src_v[cur, j, sl]
                di = dst_v[cur, j, sl]
                bs = plsc.bitcast(plsc.load_gather(table_v, [si]), jnp.int32)
                bd = plsc.bitcast(plsc.load_gather(table_v, [di]), jnp.int32)
                Zi = plsc.bitcast(bs & mask_hi, jnp.float32)
                Zj = plsc.bitcast(bd & mask_hi, jnp.float32)
                Zpi = plsc.bitcast(jnp.left_shift(bs, 16), jnp.float32)
                Zpj = plsc.bitcast(jnp.left_shift(bd, 16), jnp.float32)

                xx = r * (Zpi + Zpj) * (INV_A * PHI_INV_H)
                kp = jnp.minimum(xx, PHI_CLAMP).astype(jnp.int32)
                fp = jnp.minimum(xx - kp.astype(jnp.float32), 1.0)
                bl = plsc.bitcast(plsc.load_gather(phil_v, [kp]), jnp.int32)
                pv = plsc.bitcast(bl & mask_hi, jnp.float32)
                dv = plsc.bitcast(jnp.left_shift(bl, 16), jnp.float32)
                phi = pv + fp * dv

                invr = 1.0 / r
                x01 = jnp.minimum(r * inv_rmax, 1.0)
                um = 1.0 - x01
                u2 = um * um
                cut = u2 * u2 * u2
                vz = (KES * (Zi * Zj)) * phi * invr * cut
                ir2 = invr * invr
                ir4 = ir2 * ir2
                ir8 = ir4 * ir4
                ir12 = ir8 * ir4
                t = jnp.clip((0.8 - r) * 10.0, 0.0, 1.0)
                sm = t * t * (3.0 - 2.0 * t)
                v12 = (C12 * ir12) * cut * sm
                v_v[cur, j, sl] = 0.25 * (vz + v12)
            return c

        lax.fori_loop(0, CH, jbody, 0)
        for j in range(CH):
            pltpu.async_copy(v_v.at[cur, j], acc_sh.at[src_v.at[cur, j]],
                             sem_sc, add=True)
            pltpu.async_copy(v_v.at[cur, j], acc_sh.at[dst_v.at[cur, j]],
                             sem_sc, add=True)
        return carry

    lax.fori_loop(0, NCHUNK, chunk, 0)
    drain_scatters((NCHUNK - 2) % 3)
    drain_scatters((NCHUNK - 1) % 3)

    plsc.subcore_barrier()
    pltpu.sync_copy(acc_sh.at[pl.ds(sid * SLICE, SLICE)],
                    table_v.at[pl.ds(0, SLICE)])
    pltpu.sync_copy(table_v.at[pl.ds(0, SLICE)],
                    out_hbm.at[cid, pl.ds(sid * SLICE, SLICE)])


def kernel(lengths, node_attrs, edge_index, atomic_numbers, r_max):
    n_nodes = node_attrs.shape[0]
    n_elem = node_attrs.shape[1]
    e = lengths.shape[0]
    pad_e = ROWS * 128 - e

    lengths_p = jnp.concatenate(
        [lengths.astype(jnp.float32), jnp.ones((pad_e,), jnp.float32)]
    ).reshape(ROWS, 128)
    padidx = jnp.full((pad_e,), NPAD - 1, jnp.int32)
    src_p = jnp.concatenate([edge_index[0].astype(jnp.int32), padidx]).reshape(ROWS, 128)
    dst_p = jnp.concatenate([edge_index[1].astype(jnp.int32), padidx]).reshape(ROWS, 128)

    attrs_t = jnp.pad(node_attrs.astype(jnp.float32),
                      ((0, NPAD - n_nodes), (0, 0))).T
    w2 = atomic_numbers.astype(jnp.float32).reshape(n_elem, 1)
    rmax16 = jnp.broadcast_to(r_max.astype(jnp.float32).reshape(1), (L,))

    table, philut = pl.pallas_call(
        _table_body,
        out_shape=[jax.ShapeDtypeStruct((NPAD,), jnp.float32),
                   jax.ShapeDtypeStruct((PHI_N,), jnp.float32)],
    )(attrs_t, w2)

    sc_fn = pl.kernel(
        _sc_body,
        out_type=jax.ShapeDtypeStruct((NC, NPAD), jnp.float32),
        mesh=plsc.VectorSubcoreMesh(core_axis_name="c", subcore_axis_name="s"),
        compiler_params=pltpu.CompilerParams(needs_layout_passes=False),
        scratch_types=[
            pltpu.VMEM((NPAD,), jnp.float32),
            pltpu.VMEM((PHI_N,), jnp.float32),
            pltpu.VMEM((3, CH, 128), jnp.float32),
            pltpu.VMEM((3, CH, 128), jnp.int32),
            pltpu.VMEM((3, CH, 128), jnp.int32),
            pltpu.VMEM((3, CH, 128), jnp.float32),
            pltpu.VMEM((L,), jnp.float32),
            pltpu.VMEM_SHARED((NPAD,), jnp.float32),
            pltpu.SemaphoreType.DMA,
            pltpu.SemaphoreType.DMA,
        ],
    )
    partials = sc_fn(table, philut, lengths_p, src_p, dst_p, rmax16)

    out_full = pl.pallas_call(
        _merge_body,
        out_shape=jax.ShapeDtypeStruct((NPAD,), jnp.float32),
    )(partials)
    return out_full[:n_nodes]

# --- scband reference (transcript-rebuilt; emitter-appended) ---
"""Pipeline reference for scband-pair-repulsion-switch-50036368999024 (READ-ONLY COPY).

The authoritative reference and input builder live on the scoring server;
editing this copy changes nothing except your own understanding.
"""

import jax, jax.numpy as jnp
import numpy as np

KE = 14.3996454784255
P = 6
C12 = 1.0
R_MIN = 0.2
R12_CUTOFF = 0.8
R12_SWITCH_WIDTH = 0.1
SCALE = 1.0
A0 = 0.52917721092
ZBL_A = jnp.array([0.1818, 0.5099, 0.2802, 0.02817], dtype=jnp.float32)
ZBL_B = jnp.array([3.2, 0.9423, 0.4029, 0.2016], dtype=jnp.float32)

N_NODES = 100000
N_EDGES = 6400000
N_ELEM = 10


def _poly_cutoff(r, r_max):
    x = jnp.clip(r / r_max, 0.0, 1.0)
    return (1.0 - x) ** P


def _zbl_edge_energy(r, Zi, Zj, r_max):
    a = 0.88534 * A0 / (Zi ** 0.23 + Zj ** 0.23)
    x = r / a
    phi = (ZBL_A[0] * jnp.exp(-ZBL_B[0] * x)
           + ZBL_A[1] * jnp.exp(-ZBL_B[1] * x)
           + ZBL_A[2] * jnp.exp(-ZBL_B[2] * x)
           + ZBL_A[3] * jnp.exp(-ZBL_B[3] * x))
    V = KE * Zi * Zj * (phi / r) * SCALE
    return V * _poly_cutoff(r, r_max)


def _r12_edge_energy(r, r_max):
    V = C12 / (r ** 12)
    V = V * _poly_cutoff(r, r_max)
    # r12_cutoff > 0 and switch width > 0 -> smoothstep extra cutoff
    t = jnp.clip((R12_CUTOFF - r) / max(R12_SWITCH_WIDTH, 1e-12), 0.0, 1.0)
    smooth = t * t * (3.0 - 2.0 * t)
    return V * smooth


def setup_inputs(seed: int = 0) -> dict:
    key = jax.random.key(seed)
    k1, k2, k3 = jax.random.split(key, 3)
    lengths = jax.random.uniform(k1, (N_EDGES,), dtype=jnp.float32)
    node_attrs = jax.random.uniform(k2, (N_NODES, N_ELEM), dtype=jnp.float32)
    edge_index = jax.random.randint(k3, (2, N_EDGES), 0, N_NODES)
    atomic_numbers = jnp.arange(N_ELEM)
    r_max = jnp.ones((1,), dtype=jnp.float32)
    return {"lengths": lengths, "node_attrs": node_attrs, "edge_index": edge_index,
            "atomic_numbers": atomic_numbers, "r_max": r_max}


def reference(lengths, node_attrs, edge_index, atomic_numbers, r_max):
    r = jnp.maximum(lengths, R_MIN)
    src = edge_index[0]
    dst = edge_index[1]
    # node atomic numbers from (soft) one-hot
    Z_node = (node_attrs * atomic_numbers.astype(node_attrs.dtype)[None, :]).sum(axis=1)
    Zi = Z_node[src]
    Zj = Z_node[dst]
    V_edge = _zbl_edge_energy(r, Zi, Zj, r_max) + _r12_edge_energy(r, r_max)
    # assume_directed_double=True -> halve, then split half to src, half to dst
    V_edge = 0.5 * V_edge
    half = 0.5 * V_edge
    n_nodes = node_attrs.shape[0]
    node_E = (jax.ops.segment_sum(half, src, num_segments=n_nodes)
              + jax.ops.segment_sum(half, dst, num_segments=n_nodes))
    return node_E

if __name__ == "__main__":
    import jax
    _d = setup_inputs()
    print(jax.jit(kernel)(*tuple(_d.values())))

</pallas_src>

<mosaic_0001>
#map = affine_map<(d0, d1) -> (0)>
#map1 = affine_map<(d0, d1) -> (0, 0)>
module attributes {stable_mosaic.version = 14 : i64} {
  func.func @_sc_body(%arg0: i32, %arg1: i32, %arg2: memref<100352xf32, #tpu.memory_space<hbm>>, %arg3: memref<512xf32, #tpu.memory_space<hbm>>, %arg4: memref<50176x128xf32, #tpu.memory_space<hbm>>, %arg5: memref<50176x128xi32, #tpu.memory_space<hbm>>, %arg6: memref<50176x128xi32, #tpu.memory_space<hbm>>, %arg7: memref<16xf32, #tpu.memory_space<hbm>>, %arg8: memref<2x100352xf32, #tpu.memory_space<hbm>>, %arg9: memref<100352xf32, #tpu.memory_space<vmem>>, %arg10: memref<512xf32, #tpu.memory_space<vmem>>, %arg11: memref<3x8x128xf32, #tpu.memory_space<vmem>>, %arg12: memref<3x8x128xi32, #tpu.memory_space<vmem>>, %arg13: memref<3x8x128xi32, #tpu.memory_space<vmem>>, %arg14: memref<3x8x128xf32, #tpu.memory_space<vmem>>, %arg15: memref<16xf32, #tpu.memory_space<vmem>>, %arg16: memref<100352xf32, #tpu.memory_space<vmem_shared>>, %arg17: memref<!tpu.dma_semaphore, #tpu.memory_space<semaphore_mem>>, %arg18: memref<!tpu.dma_semaphore, #tpu.memory_space<semaphore_mem>>) attributes {dimension_semantics = [#tpu.dimension_semantics<core_parallel>, #tpu.dimension_semantics<subcore_parallel>], iteration_bounds = array<i64: 2, 16>, scalar_prefetch = 0 : i64, scratch_operands = 10 : i64, tpu.core_type = #tpu.core_type<sc_vector_subcore>, window_params = [{transform_indices = #map}, {transform_indices = #map}, {transform_indices = #map1}, {transform_indices = #map1}, {transform_indices = #map1}, {transform_indices = #map}, {transform_indices = #map1}]} {
    %mul3A = arith.constant 16 : i32
    %mul3A_0 = arith.muli %arg0, %mul3A : i32
    %add3A = arith.addi %mul3A_0, %arg1 : i32
    %broadcast_in_dim3A = arith.constant 0.000000e+00 : f32
    %broadcast_in_dim3A_1 = vector.broadcast %broadcast_in_dim3A : f32 to vector<16xf32>
    %scan3A = arith.constant 0 : i32
    %scan3A_2 = arith.constant 0 : i32
    %scan3A_3 = arith.constant 392 : i32
    %scan3A_4 = arith.addi %scan3A_2, %scan3A_3 : i32
    %scan3A_5 = arith.constant 1 : i32
    scf.for %scan3A_449 = %scan3A_2 to %scan3A_4 step %scan3A_5  : i32 {
      %mul3A_450 = arith.constant 16 : i32
      %mul3A_451 = arith.muli %scan3A_449, %mul3A_450 : i32
      %swap3A = arith.index_cast %mul3A_451 : i32 to index
      %swap3A_452 = tpu.vector_load %arg9[%swap3A] {strides = array<i32>} : memref<100352xf32, #tpu.memory_space<vmem>>, vector<16xf32>,
      tpu.vector_store %arg9[%swap3A], %broadcast_in_dim3A_1 {strides = array<i32>} : memref<100352xf32, #tpu.memory_space<vmem>>, vector<16xf32>,
    }
    %scan3A_6 = arith.constant 392 : i32
    %mul3A_7 = arith.constant 6272 : i32
    %mul3A_8 = arith.muli %arg1, %mul3A_7 : i32
    "tpu.region"() ({
      %run_scoped3A = tpu.sem_alloc : memref<!tpu.dma_semaphore, #tpu.memory_space<semaphore_mem>>
      %dma_start3A_449 = arith.constant 0 : i32
      %dma_start3A_450 = tpu.memref_slice %arg9[%dma_start3A_449] : memref<100352xf32, #tpu.memory_space<vmem>> -> memref<6272xf32, #tpu.memory_space<vmem>>
      %dma_start3A_451 = tpu.memref_slice %arg16[%mul3A_8] : memref<100352xf32, #tpu.memory_space<vmem_shared>> -> memref<6272xf32, #tpu.memory_space<vmem_shared>>
      %dma_start3A_452 = tpu.memref_slice %arg16[%mul3A_8] : memref<100352xf32, #tpu.memory_space<vmem_shared>> -> memref<6272xf32, #tpu.memory_space<vmem_shared>>
      %dma_start3A_453 = arith.constant 0 : i32
      %dma_start3A_454 = tpu.memref_slice %arg9[%dma_start3A_453] : memref<100352xf32, #tpu.memory_space<vmem>> -> memref<6272xf32, #tpu.memory_space<vmem>>
      tpu.enqueue_dma source(%dma_start3A_454 : memref<6272xf32, #tpu.memory_space<vmem>>) target(%dma_start3A_452 : memref<6272xf32, #tpu.memory_space<vmem_shared>>) target_semaphore(%run_scoped3A : memref<!tpu.dma_semaphore, #tpu.memory_space<semaphore_mem>>)
      %dma_wait3A_455 = arith.constant 0 : i32
      %dma_wait3A_456 = tpu.memref_slice %arg9[%dma_wait3A_455] : memref<100352xf32, #tpu.memory_space<vmem>> -> memref<6272xf32, #tpu.memory_space<vmem>>
      %dma_wait3A_457 = tpu.memref_slice %arg16[%mul3A_8] : memref<100352xf32, #tpu.memory_space<vmem_shared>> -> memref<6272xf32, #tpu.memory_space<vmem_shared>>
      %dma_wait3A_458 = tpu.memref_slice %arg16[%mul3A_8] : memref<100352xf32, #tpu.memory_space<vmem_shared>> -> memref<6272xf32, #tpu.memory_space<vmem_shared>>
      %dma_wait3A_459 = arith.constant 0 : i32
      %dma_wait3A_460 = tpu.memref_slice %arg9[%dma_wait3A_459] : memref<100352xf32, #tpu.memory_space<vmem>> -> memref<6272xf32, #tpu.memory_space<vmem>>
      tpu.wait_dma2 semaphore(%run_scoped3A : memref<!tpu.dma_semaphore, #tpu.memory_space<semaphore_mem>>) src(%dma_wait3A_460 : memref<6272xf32, #tpu.memory_space<vmem>>) dst(%dma_wait3A_458 : memref<6272xf32, #tpu.memory_space<vmem_shared>>)
      tpu.yield
    }) : () -> ()
    "tpu.region"() ({
      %run_scoped3A = tpu.sem_alloc : memref<!tpu.dma_semaphore, #tpu.memory_space<semaphore_mem>>
      tpu.enqueue_dma source(%arg2 : memref<100352xf32, #tpu.memory_space<hbm>>) target(%arg9 : memref<100352xf32, #tpu.memory_space<vmem>>) target_semaphore(%run_scoped3A : memref<!tpu.dma_semaphore, #tpu.memory_space<semaphore_mem>>)
      tpu.wait_dma2 semaphore(%run_scoped3A : memref<!tpu.dma_semaphore, #tpu.memory_space<semaphore_mem>>) src(%arg2 : memref<100352xf32, #tpu.memory_space<hbm>>) dst(%arg9 : memref<100352xf32, #tpu.memory_space<vmem>>)
      tpu.yield
    }) : () -> ()
    "tpu.region"() ({
      %run_scoped3A = tpu.sem_alloc : memref<!tpu.dma_semaphore, #tpu.memory_space<semaphore_mem>>
      tpu.enqueue_dma source(%arg3 : memref<512xf32, #tpu.memory_space<hbm>>) target(%arg10 : memref<512xf32, #tpu.memory_space<vmem>>) target_semaphore(%run_scoped3A : memref<!tpu.dma_semaphore, #tpu.memory_space<semaphore_mem>>)
      tpu.wait_dma2 semaphore(%run_scoped3A : memref<!tpu.dma_semaphore, #tpu.memory_space<semaphore_mem>>) src(%arg3 : memref<512xf32, #tpu.memory_space<hbm>>) dst(%arg10 : memref<512xf32, #tpu.memory_space<vmem>>)
      tpu.yield
    }) : () -> ()
    "tpu.region"() ({
      %run_scoped3A = tpu.sem_alloc : memref<!tpu.dma_semaphore, #tpu.memory_space<semaphore_mem>>
      tpu.enqueue_dma source(%arg7 : memref<16xf32, #tpu.memory_space<hbm>>) target(%arg15 : memref<16xf32, #tpu.memory_space<vmem>>) target_semaphore(%run_scoped3A : memref<!tpu.dma_semaphore, #tpu.memory_space<semaphore_mem>>)
      tpu.wait_dma2 semaphore(%run_scoped3A : memref<!tpu.dma_semaphore, #tpu.memory_space<semaphore_mem>>) src(%arg7 : memref<16xf32, #tpu.memory_space<hbm>>) dst(%arg15 : memref<16xf32, #tpu.memory_space<vmem>>)
      tpu.yield
    }) : () -> ()
    %barrier3A = arith.constant 0 : index
    tpu.barrier barrier_id(%barrier3A)
    %get3A = arith.constant 0 : index
    %get3A_9 = tpu.vector_load %arg15[%get3A] {strides = array<i32>} : memref<16xf32, #tpu.memory_space<vmem>>, vector<16xf32>,
    %div3A = arith.constant 1.000000e+00 : f32
    %div3A_10 = vector.broadcast %div3A : f32 to vector<16xf32>
    %div3A_11 = arith.divf %div3A_10, %get3A_9 : vector<16xf32>
    %mul3A_12 = arith.constant 1568 : i32
    %mul3A_13 = arith.muli %add3A, %mul3A_12 : i32
    %add3A_14 = arith.constant 0 : i32
    %add3A_15 = arith.addi %mul3A_13, %add3A_14 : i32
    %dma_start3A = arith.constant 0 : i32
    %dma_start3A_16 = arith.constant 0 : i32
    %dma_start3A_17 = arith.constant 0 : i32
    %dma_start3A_18 = tpu.memref_slice %arg11[%dma_start3A, %dma_start3A_16, %dma_start3A_17] : memref<3x8x128xf32, #tpu.memory_space<vmem>> -> memref<1x8x128xf32, #tpu.memory_space<vmem>>
    %dma_start3A_19 = tpu.memref_squeeze %dma_start3A_18 : memref<1x8x128xf32, #tpu.memory_space<vmem>> -> memref<8x128xf32, #tpu.memory_space<vmem>>
    %dma_start3A_20 = arith.constant 0 : i32
    %dma_start3A_21 = tpu.memref_slice %arg4[%add3A_15, %dma_start3A_20] : memref<50176x128xf32, #tpu.memory_space<hbm>> -> memref<8x128xf32, #tpu.memory_space<hbm>>
    %dma_start3A_22 = arith.constant 0 : i32
    %dma_start3A_23 = arith.constant 0 : i32
    %dma_start3A_24 = tpu.memref_slice %arg11[%dma_start3A, %dma_start3A_22, %dma_start3A_23] : memref<3x8x128xf32, #tpu.memory_space<vmem>> -> memref<1x8x128xf32, #tpu.memory_space<vmem>>
    %dma_start3A_25 = tpu.memref_squeeze %dma_start3A_24 : memref<1x8x128xf32, #tpu.memory_space<vmem>> -> memref<8x128xf32, #tpu.memory_space<vmem>>
    %dma_start3A_26 = arith.constant 0 : i32
    %dma_start3A_27 = tpu.memref_slice %arg4[%add3A_15, %dma_start3A_26] : memref<50176x128xf32, #tpu.memory_space<hbm>> -> memref<8x128xf32, #tpu.memory_space<hbm>>
    tpu.enqueue_dma source(%dma_start3A_27 : memref<8x128xf32, #tpu.memory_space<hbm>>) target(%dma_start3A_25 : memref<8x128xf32, #tpu.memory_space<vmem>>) target_semaphore(%arg17 : memref<!tpu.dma_semaphore, #tpu.memory_space<semaphore_mem>>)
    %dma_start3A_28 = arith.constant 0 : i32
    %dma_start3A_29 = arith.constant 0 : i32
    %dma_start3A_30 = arith.constant 0 : i32
    %dma_start3A_31 = tpu.memref_slice %arg12[%dma_start3A_28, %dma_start3A_29, %dma_start3A_30] : memref<3x8x128xi32, #tpu.memory_space<vmem>> -> memref<1x8x128xi32, #tpu.memory_space<vmem>>
    %dma_start3A_32 = tpu.memref_squeeze %dma_start3A_31 : memref<1x8x128xi32, #tpu.memory_space<vmem>> -> memref<8x128xi32, #tpu.memory_space<vmem>>
    %dma_start3A_33 = arith.constant 0 : i32
    %dma_start3A_34 = tpu.memref_slice %arg5[%add3A_15, %dma_start3A_33] : memref<50176x128xi32, #tpu.memory_space<hbm>> -> memref<8x128xi32, #tpu.memory_space<hbm>>
    %dma_start3A_35 = arith.constant 0 : i32
    %dma_start3A_36 = arith.constant 0 : i32
    %dma_start3A_37 = tpu.memref_slice %arg12[%dma_start3A_28, %dma_start3A_35, %dma_start3A_36] : memref<3x8x128xi32, #tpu.memory_space<vmem>> -> memref<1x8x128xi32, #tpu.memory_space<vmem>>
    %dma_start3A_38 = tpu.memref_squeeze %dma_start3A_37 : memref<1x8x128xi32, #tpu.memory_space<vmem>> -> memref<8x128xi32, #tpu.memory_space<vmem>>
    %dma_start3A_39 = arith.constant 0 : i32
    %dma_start3A_40 = tpu.memref_slice %arg5[%add3A_15, %dma_start3A_39] : memref<50176x128xi32, #tpu.memory_space<hbm>> -> memref<8x128xi32, #tpu.memory_space<hbm>>
    tpu.enqueue_dma source(%dma_start3A_40 : memref<8x128xi32, #tpu.memory_space<hbm>>) target(%dma_start3A_38 : memref<8x128xi32, #tpu.memory_space<vmem>>) target_semaphore(%arg17 : memref<!tpu.dma_semaphore, #tpu.memory_space<semaphore_mem>>)
    %dma_start3A_41 = arith.constant 0 : i32
    %dma_start3A_42 = arith.constant 0 : i32
    %dma_start3A_43 = arith.constant 0 : i32
    %dma_start3A_44 = tpu.memref_slice %arg13[%dma_start3A_41, %dma_start3A_42, %dma_start3A_43] : memref<3x8x128xi32, #tpu.memory_space<vmem>> -> memref<1x8x128xi32, #tpu.memory_space<vmem>>
    %dma_start3A_45 = tpu.memref_squeeze %dma_start3A_44 : memref<1x8x128xi32, #tpu.memory_space<vmem>> -> memref<8x128xi32, #tpu.memory_space<vmem>>
    %dma_start3A_46 = arith.constant 0 : i32
    %dma_start3A_47 = tpu.memref_slice %arg6[%add3A_15, %dma_start3A_46] : memref<50176x128xi32, #tpu.memory_space<hbm>> -> memref<8x128xi32, #tpu.memory_space<hbm>>
    %dma_start3A_48 = arith.constant 0 : i32
    %dma_start3A_49 = arith.constant 0 : i32
    %dma_start3A_50 = tpu.memref_slice %arg13[%dma_start3A_41, %dma_start3A_48, %dma_start3A_49] : memref<3x8x128xi32, #tpu.memory_space<vmem>> -> memref<1x8x128xi32, #tpu.memory_space<vmem>>
    %dma_start3A_51 = tpu.memref_squeeze %dma_start3A_50 : memref<1x8x128xi32, #tpu.memory_space<vmem>> -> memref<8x128xi32, #tpu.memory_space<vmem>>
    %dma_start3A_52 = arith.constant 0 : i32
    %dma_start3A_53 = tpu.memref_slice %arg6[%add3A_15, %dma_start3A_52] : memref<50176x128xi32, #tpu.memory_space<hbm>> -> memref<8x128xi32, #tpu.memory_space<hbm>>
    tpu.enqueue_dma source(%dma_start3A_53 : memref<8x128xi32, #tpu.memory_space<hbm>>) target(%dma_start3A_51 : memref<8x128xi32, #tpu.memory_space<vmem>>) target_semaphore(%arg17 : memref<!tpu.dma_semaphore, #tpu.memory_space<semaphore_mem>>)
    %scan3A_54 = arith.constant 0 : i32
    %scan3A_55 = arith.constant -65536 : i32
    %scan3A_56 = arith.constant 0 : i32
    %scan3A_57 = arith.constant 196 : i32
    %scan3A_58 = arith.addi %scan3A_56, %scan3A_57 : i32
    %scan3A_59 = arith.constant 1 : i32
    scf.for %scan3A_449 = %scan3A_56 to %scan3A_58 step %scan3A_59  : i32 {
      %rem3A = arith.constant 3 : i32
      %rem3A_450 = arith.remsi %scan3A_449, %rem3A : i32
      %add3A_451 = arith.constant 1 : i32
      %add3A_452 = arith.addi %scan3A_449, %add3A_451 : i32
      %rem3A_453 = arith.constant 3 : i32
      %rem3A_454 = arith.remsi %add3A_452, %rem3A_453 : i32
      %mul3A_455 = arith.constant 8 : i32
      %mul3A_456 = arith.muli %scan3A_449, %mul3A_455 : i32
      %add3A_457 = arith.addi %mul3A_13, %mul3A_456 : i32
      %dma_wait3A_458 = arith.constant 0 : i32
      %dma_wait3A_459 = arith.constant 0 : i32
      %dma_wait3A_460 = tpu.memref_slice %arg11[%rem3A_450, %dma_wait3A_458, %dma_wait3A_459] : memref<3x8x128xf32, #tpu.memory_space<vmem>> -> memref<1x8x128xf32, #tpu.memory_space<vmem>>
      %dma_wait3A_461 = tpu.memref_squeeze %dma_wait3A_460 : memref<1x8x128xf32, #tpu.memory_space<vmem>> -> memref<8x128xf32, #tpu.memory_space<vmem>>
      %dma_wait3A_462 = arith.constant 0 : i32
      %dma_wait3A_463 = tpu.memref_slice %arg4[%add3A_457, %dma_wait3A_462] : memref<50176x128xf32, #tpu.memory_space<hbm>> -> memref<8x128xf32, #tpu.memory_space<hbm>>
      %dma_wait3A_464 = arith.constant 0 : i32
      %dma_wait3A_465 = arith.constant 0 : i32
      %dma_wait3A_466 = tpu.memref_slice %arg11[%rem3A_450, %dma_wait3A_464, %dma_wait3A_465] : memref<3x8x128xf32, #tpu.memory_space<vmem>> -> memref<1x8x128xf32, #tpu.memory_space<vmem>>
      %dma_wait3A_467 = tpu.memref_squeeze %dma_wait3A_466 : memref<1x8x128xf32, #tpu.memory_space<vmem>> -> memref<8x128xf32, #tpu.memory_space<vmem>>
      %dma_wait3A_468 = arith.constant 0 : i32
      %dma_wait3A_469 = tpu.memref_slice %arg4[%add3A_457, %dma_wait3A_468] : memref<50176x128xf32, #tpu.memory_space<hbm>> -> memref<8x128xf32, #tpu.memory_space<hbm>>
      tpu.wait_dma2 semaphore(%arg17 : memref<!tpu.dma_semaphore, #tpu.memory_space<semaphore_mem>>) src(%dma_wait3A_469 : memref<8x128xf32, #tpu.memory_space<hbm>>) dst(%dma_wait3A_467 : memref<8x128xf32, #tpu.memory_space<vmem>>)
      %dma_wait3A_470 = arith.constant 0 : i32
      %dma_wait3A_471 = arith.constant 0 : i32
      %dma_wait3A_472 = tpu.memref_slice %arg12[%rem3A_450, %dma_wait3A_470, %dma_wait3A_471] : memref<3x8x128xi32, #tpu.memory_space<vmem>> -> memref<1x8x128xi32, #tpu.memory_space<vmem>>
      %dma_wait3A_473 = tpu.memref_squeeze %dma_wait3A_472 : memref<1x8x128xi32, #tpu.memory_space<vmem>> -> memref<8x128xi32, #tpu.memory_space<vmem>>
      %dma_wait3A_474 = arith.constant 0 : i32
      %dma_wait3A_475 = tpu.memref_slice %arg5[%add3A_457, %dma_wait3A_474] : memref<50176x128xi32, #tpu.memory_space<hbm>> -> memref<8x128xi32, #tpu.memory_space<hbm>>
      %dma_wait3A_476 = arith.constant 0 : i32
      %dma_wait3A_477 = arith.constant 0 : i32
      %dma_wait3A_478 = tpu.memref_slice %arg12[%rem3A_450, %dma_wait3A_476, %dma_wait3A_477] : memref<3x8x128xi32, #tpu.memory_space<vmem>> -> memref<1x8x128xi32, #tpu.memory_space<vmem>>
      %dma_wait3A_479 = tpu.memref_squeeze %dma_wait3A_478 : memref<1x8x128xi32, #tpu.memory_space<vmem>> -> memref<8x128xi32, #tpu.memory_space<vmem>>
      %dma_wait3A_480 = arith.constant 0 : i32
      %dma_wait3A_481 = tpu.memref_slice %arg5[%add3A_457, %dma_wait3A_480] : memref<50176x128xi32, #tpu.memory_space<hbm>> -> memref<8x128xi32, #tpu.memory_space<hbm>>
      tpu.wait_dma2 semaphore(%arg17 : memref<!tpu.dma_semaphore, #tpu.memory_space<semaphore_mem>>) src(%dma_wait3A_481 : memref<8x128xi32, #tpu.memory_space<hbm>>) dst(%dma_wait3A_479 : memref<8x128xi32, #tpu.memory_space<vmem>>)
      %dma_wait3A_482 = arith.constant 0 : i32
      %dma_wait3A_483 = arith.constant 0 : i32
      %dma_wait3A_484 = tpu.memref_slice %arg13[%rem3A_450, %dma_wait3A_482, %dma_wait3A_483] : memref<3x8x128xi32, #tpu.memory_space<vmem>> -> memref<1x8x128xi32, #tpu.memory_space<vmem>>
      %dma_wait3A_485 = tpu.memref_squeeze %dma_wait3A_484 : memref<1x8x128xi32, #tpu.memory_space<vmem>> -> memref<8x128xi32, #tpu.memory_space<vmem>>
      %dma_wait3A_486 = arith.constant 0 : i32
      %dma_wait3A_487 = tpu.memref_slice %arg6[%add3A_457, %dma_wait3A_486] : memref<50176x128xi32, #tpu.memory_space<hbm>> -> memref<8x128xi32, #tpu.memory_space<hbm>>
      %dma_wait3A_488 = arith.constant 0 : i32
      %dma_wait3A_489 = arith.constant 0 : i32
      %dma_wait3A_490 = tpu.memref_slice %arg13[%rem3A_450, %dma_wait3A_488, %dma_wait3A_489] : memref<3x8x128xi32, #tpu.memory_space<vmem>> -> memref<1x8x128xi32, #tpu.memory_space<vmem>>
      %dma_wait3A_491 = tpu.memref_squeeze %dma_wait3A_490 : memref<1x8x128xi32, #tpu.memory_space<vmem>> -> memref<8x128xi32, #tpu.memory_space<vmem>>
      %dma_wait3A_492 = arith.constant 0 : i32
      %dma_wait3A_493 = tpu.memref_slice %arg6[%add3A_457, %dma_wait3A_492] : memref<50176x128xi32, #tpu.memory_space<hbm>> -> memref<8x128xi32, #tpu.memory_space<hbm>>
      tpu.wait_dma2 semaphore(%arg17 : memref<!tpu.dma_semaphore, #tpu.memory_space<semaphore_mem>>) src(%dma_wait3A_493 : memref<8x128xi32, #tpu.memory_space<hbm>>) dst(%dma_wait3A_491 : memref<8x128xi32, #tpu.memory_space<vmem>>)
      %ge3A = arith.constant 2 : i32
      %ge3A_494 = arith.cmpi sge, %scan3A_449, %ge3A : i32
      %convert_element_type3A = arith.extui %ge3A_494 : i1 to i32
      %cond3A = arith.constant 0 : i32
      %cond3A_495 = arith.cmpi ne, %convert_element_type3A, %cond3A : i32
      scf.if %cond3A_495 {
        %dma_wait3A_668 = arith.constant 0 : i32
        %dma_wait3A_669 = arith.constant 0 : i32
        %dma_wait3A_670 = arith.constant 0 : i32
        %dma_wait3A_671 = tpu.memref_slice %arg14[%rem3A_454, %dma_wait3A_668, %dma_wait3A_670] : memref<3x8x128xf32, #tpu.memory_space<vmem>> -> memref<1x1x128xf32, #tpu.memory_space<vmem>>
        %dma_wait3A_672 = tpu.memref_squeeze %dma_wait3A_671 : memref<1x1x128xf32, #tpu.memory_space<vmem>> -> memref<128xf32, #tpu.memory_space<vmem>>
        %dma_wait3A_673 = arith.constant 0 : i32
        %dma_wait3A_674 = tpu.memref_slice %arg12[%rem3A_454, %dma_wait3A_669, %dma_wait3A_673] : memref<3x8x128xi32, #tpu.memory_space<vmem>> -> memref<1x1x128xi32, #tpu.memory_space<vmem>>
        %dma_wait3A_675 = tpu.memref_squeeze %dma_wait3A_674 : memref<1x1x128xi32, #tpu.memory_space<vmem>> -> memref<128xi32, #tpu.memory_space<vmem>>
        %dma_wait3A_676 = arith.constant 0 : i32
        %dma_wait3A_677 = tpu.memref_slice %arg16[%dma_wait3A_676] : memref<100352xf32, #tpu.memory_space<vmem_shared>> -> memref<100352xf32, #tpu.memory_space<vmem_shared>>
        tpu.wait_indirect_dma semaphore(%arg18 : memref<!tpu.dma_semaphore, #tpu.memory_space<semaphore_mem>>) src(%dma_wait3A_672 : memref<128xf32, #tpu.memory_space<vmem>>) dst(%dma_wait3A_677 : memref<100352xf32, #tpu.memory_space<vmem_shared>>)
        %dma_wait3A_678 = arith.constant 0 : i32
        %dma_wait3A_679 = arith.constant 0 : i32
        %dma_wait3A_680 = arith.constant 0 : i32
        %dma_wait3A_681 = tpu.memref_slice %arg14[%rem3A_454, %dma_wait3A_678, %dma_wait3A_680] : memref<3x8x128xf32, #tpu.memory_space<vmem>> -> memref<1x1x128xf32, #tpu.memory_space<vmem>>
        %dma_wait3A_682 = tpu.memref_squeeze %dma_wait3A_681 : memref<1x1x128xf32, #tpu.memory_space<vmem>> -> memref<128xf32, #tpu.memory_space<vmem>>
        %dma_wait3A_683 = arith.constant 0 : i32
        %dma_wait3A_684 = tpu.memref_slice %arg13[%rem3A_454, %dma_wait3A_679, %dma_wait3A_683] : memref<3x8x128xi32, #tpu.memory_space<vmem>> -> memref<1x1x128xi32, #tpu.memory_space<vmem>>
        %dma_wait3A_685 = tpu.memref_squeeze %dma_wait3A_684 : memref<1x1x128xi32, #tpu.memory_space<vmem>> -> memref<128xi32, #tpu.memory_space<vmem>>
        %dma_wait3A_686 = arith.constant 0 : i32
        %dma_wait3A_687 = tpu.memref_slice %arg16[%dma_wait3A_686] : memref<100352xf32, #tpu.memory_space<vmem_shared>> -> memref<100352xf32, #tpu.memory_space<vmem_shared>>
        tpu.wait_indirect_dma semaphore(%arg18 : memref<!tpu.dma_semaphore, #tpu.memory_space<semaphore_mem>>) src(%dma_wait3A_682 : memref<128xf32, #tpu.memory_space<vmem>>) dst(%dma_wait3A_687 : memref<100352xf32, #tpu.memory_space<vmem_shared>>)
        %dma_wait3A_688 = arith.constant 1 : i32
        %dma_wait3A_689 = arith.constant 1 : i32
        %dma_wait3A_690 = arith.constant 0 : i32
        %dma_wait3A_691 = tpu.memref_slice %arg14[%rem3A_454, %dma_wait3A_688, %dma_wait3A_690] : memref<3x8x128xf32, #tpu.memory_space<vmem>> -> memref<1x1x128xf32, #tpu.memory_space<vmem>>
        %dma_wait3A_692 = tpu.memref_squeeze %dma_wait3A_691 : memref<1x1x128xf32, #tpu.memory_space<vmem>> -> memref<128xf32, #tpu.memory_space<vmem>>
        %dma_wait3A_693 = arith.constant 0 : i32
        %dma_wait3A_694 = tpu.memref_slice %arg12[%rem3A_454, %dma_wait3A_689, %dma_wait3A_693] : memref<3x8x128xi32, #tpu.memory_space<vmem>> -> memref<1x1x128xi32, #tpu.memory_space<vmem>>
        %dma_wait3A_695 = tpu.memref_squeeze %dma_wait3A_694 : memref<1x1x128xi32, #tpu.memory_space<vmem>> -> memref<128xi32, #tpu.memory_space<vmem>>
        %dma_wait3A_696 = arith.constant 0 : i32
        %dma_wait3A_697 = tpu.memref_slice %arg16[%dma_wait3A_696] : memref<100352xf32, #tpu.memory_space<vmem_shared>> -> memref<100352xf32, #tpu.memory_space<vmem_shared>>
        tpu.wait_indirect_dma semaphore(%arg18 : memref<!tpu.dma_semaphore, #tpu.memory_space<semaphore_mem>>) src(%dma_wait3A_692 : memref<128xf32, #tpu.memory_space<vmem>>) dst(%dma_wait3A_697 : memref<100352xf32, #tpu.memory_space<vmem_shared>>)
        %dma_wait3A_698 = arith.constant 1 : i32
        %dma_wait3A_699 = arith.constant 1 : i32
        %dma_wait3A_700 = arith.constant 0 : i32
        %dma_wait3A_701 = tpu.memref_slice %arg14[%rem3A_454, %dma_wait3A_698, %dma_wait3A_700] : memref<3x8x128xf32, #tpu.memory_space<vmem>> -> memref<1x1x128xf32, #tpu.memory_space<vmem>>
        %dma_wait3A_702 = tpu.memref_squeeze %dma_wait3A_701 : memref<1x1x128xf32, #tpu.memory_space<vmem>> -> memref<128xf32, #tpu.memory_space<vmem>>
        %dma_wait3A_703 = arith.constant 0 : i32
        %dma_wait3A_704 = tpu.memref_slice %arg13[%rem3A_454, %dma_wait3A_699, %dma_wait3A_703] : memref<3x8x128xi32, #tpu.memory_space<vmem>> -> memref<1x1x128xi32, #tpu.memory_space<vmem>>
        %dma_wait3A_705 = tpu.memref_squeeze %dma_wait3A_704 : memref<1x1x128xi32, #tpu.memory_space<vmem>> -> memref<128xi32, #tpu.memory_space<vmem>>
        %dma_wait3A_706 = arith.constant 0 : i32
        %dma_wait3A_707 = tpu.memref_slice %arg16[%dma_wait3A_706] : memref<100352xf32, #tpu.memory_space<vmem_shared>> -> memref<100352xf32, #tpu.memory_space<vmem_shared>>
        tpu.wait_indirect_dma semaphore(%arg18 : memref<!tpu.dma_semaphore, #tpu.memory_space<semaphore_mem>>) src(%dma_wait3A_702 : memref<128xf32, #tpu.memory_space<vmem>>) dst(%dma_wait3A_707 : memref<100352xf32, #tpu.memory_space<vmem_shared>>)
        %dma_wait3A_708 = arith.constant 2 : i32
        %dma_wait3A_709 = arith.constant 2 : i32
        %dma_wait3A_710 = arith.constant 0 : i32
        %dma_wait3A_711 = tpu.memref_slice %arg14[%rem3A_454, %dma_wait3A_708, %dma_wait3A_710] : memref<3x8x128xf32, #tpu.memory_space<vmem>> -> memref<1x1x128xf32, #tpu.memory_space<vmem>>
        %dma_wait3A_712 = tpu.memref_squeeze %dma_wait3A_711 : memref<1x1x128xf32, #tpu.memory_space<vmem>> -> memref<128xf32, #tpu.memory_space<vmem>>
        %dma_wait3A_713 = arith.constant 0 : i32
        %dma_wait3A_714 = tpu.memref_slice %arg12[%rem3A_454, %dma_wait3A_709, %dma_wait3A_713] : memref<3x8x128xi32, #tpu.memory_space<vmem>> -> memref<1x1x128xi32, #tpu.memory_space<vmem>>
        %dma_wait3A_715 = tpu.memref_squeeze %dma_wait3A_714 : memref<1x1x128xi32, #tpu.memory_space<vmem>> -> memref<128xi32, #tpu.memory_space<vmem>>
        %dma_wait3A_716 = arith.constant 0 : i32
        %dma_wait3A_717 = tpu.memref_slice %arg16[%dma_wait3A_716] : memref<100352xf32, #tpu.memory_space<vmem_shared>> -> memref<100352xf32, #tpu.memory_space<vmem_shared>>
        tpu.wait_indirect_dma semaphore(%arg18 : memref<!tpu.dma_semaphore, #tpu.memory_space<semaphore_mem>>) src(%dma_wait3A_712 : memref<128xf32, #tpu.memory_space<vmem>>) dst(%dma_wait3A_717 : memref<100352xf32, #tpu.memory_space<vmem_shared>>)
        %dma_wait3A_718 = arith.constant 2 : i32
        %dma_wait3A_719 = arith.constant 2 : i32
        %dma_wait3A_720 = arith.constant 0 : i32
        %dma_wait3A_721 = tpu.memref_slice %arg14[%rem3A_454, %dma_wait3A_718, %dma_wait3A_720] : memref<3x8x128xf32, #tpu.memory_space<vmem>> -> memref<1x1x128xf32, #tpu.memory_space<vmem>>
        %dma_wait3A_722 = tpu.memref_squeeze %dma_wait3A_721 : memref<1x1x128xf32, #tpu.memory_space<vmem>> -> memref<128xf32, #tpu.memory_space<vmem>>
        %dma_wait3A_723 = arith.constant 0 : i32
        %dma_wait3A_724 = tpu.memref_slice %arg13[%rem3A_454, %dma_wait3A_719, %dma_wait3A_723] : memref<3x8x128xi32, #tpu.memory_space<vmem>> -> memref<1x1x128xi32, #tpu.memory_space<vmem>>
        %dma_wait3A_725 = tpu.memref_squeeze %dma_wait3A_724 : memref<1x1x128xi32, #tpu.memory_space<vmem>> -> memref<128xi32, #tpu.memory_space<vmem>>
        %dma_wait3A_726 = arith.constant 0 : i32
        %dma_wait3A_727 = tpu.memref_slice %arg16[%dma_wait3A_726] : memref<100352xf32, #tpu.memory_space<vmem_shared>> -> memref<100352xf32, #tpu.memory_space<vmem_shared>>
        tpu.wait_indirect_dma semaphore(%arg18 : memref<!tpu.dma_semaphore, #tpu.memory_space<semaphore_mem>>) src(%dma_wait3A_722 : memref<128xf32, #tpu.memory_space<vmem>>) dst(%dma_wait3A_727 : memref<100352xf32, #tpu.memory_space<vmem_shared>>)
        %dma_wait3A_728 = arith.constant 3 : i32
        %dma_wait3A_729 = arith.constant 3 : i32
        %dma_wait3A_730 = arith.constant 0 : i32
        %dma_wait3A_731 = tpu.memref_slice %arg14[%rem3A_454, %dma_wait3A_728, %dma_wait3A_730] : memref<3x8x128xf32, #tpu.memory_space<vmem>> -> memref<1x1x128xf32, #tpu.memory_space<vmem>>
        %dma_wait3A_732 = tpu.memref_squeeze %dma_wait3A_731 : memref<1x1x128xf32, #tpu.memory_space<vmem>> -> memref<128xf32, #tpu.memory_space<vmem>>
        %dma_wait3A_733 = arith.constant 0 : i32
        %dma_wait3A_734 = tpu.memref_slice %arg12[%rem3A_454, %dma_wait3A_729, %dma_wait3A_733] : memref<3x8x128xi32, #tpu.memory_space<vmem>> -> memref<1x1x128xi32, #tpu.memory_space<vmem>>
        %dma_wait3A_735 = tpu.memref_squeeze %dma_wait3A_734 : memref<1x1x128xi32, #tpu.memory_space<vmem>> -> memref<128xi32, #tpu.memory_space<vmem>>
        %dma_wait3A_736 = arith.constant 0 : i32
        %dma_wait3A_737 = tpu.memref_slice %arg16[%dma_wait3A_736] : memref<100352xf32, #tpu.memory_space<vmem_shared>> -> memref<100352xf32, #tpu.memory_space<vmem_shared>>
        tpu.wait_indirect_dma semaphore(%arg18 : memref<!tpu.dma_semaphore, #tpu.memory_space<semaphore_mem>>) src(%dma_wait3A_732 : memref<128xf32, #tpu.memory_space<vmem>>) dst(%dma_wait3A_737 : memref<100352xf32, #tpu.memory_space<vmem_shared>>)
        %dma_wait3A_738 = arith.constant 3 : i32
        %dma_wait3A_739 = arith.constant 3 : i32
        %dma_wait3A_740 = arith.constant 0 : i32
        %dma_wait3A_741 = tpu.memref_slice %arg14[%rem3A_454, %dma_wait3A_738, %dma_wait3A_740] : memref<3x8x128xf32, #tpu.memory_space<vmem>> -> memref<1x1x128xf32, #tpu.memory_space<vmem>>
        %dma_wait3A_742 = tpu.memref_squeeze %dma_wait3A_741 : memref<1x1x128xf32, #tpu.memory_space<vmem>> -> memref<128xf32, #tpu.memory_space<vmem>>
        %dma_wait3A_743 = arith.constant 0 : i32
        %dma_wait3A_744 = tpu.memref_slice %arg13[%rem3A_454, %dma_wait3A_739, %dma_wait3A_743] : memref<3x8x128xi32, #tpu.memory_space<vmem>> -> memref<1x1x128xi32, #tpu.memory_space<vmem>>
        %dma_wait3A_745 = tpu.memref_squeeze %dma_wait3A_744 : memref<1x1x128xi32, #tpu.memory_space<vmem>> -> memref<128xi32, #tpu.memory_space<vmem>>
        %dma_wait3A_746 = arith.constant 0 : i32
        %dma_wait3A_747 = tpu.memref_slice %arg16[%dma_wait3A_746] : memref<100352xf32, #tpu.memory_space<vmem_shared>> -> memref<100352xf32, #tpu.memory_space<vmem_shared>>
        tpu.wait_indirect_dma semaphore(%arg18 : memref<!tpu.dma_semaphore, #tpu.memory_space<semaphore_mem>>) src(%dma_wait3A_742 : memref<128xf32, #tpu.memory_space<vmem>>) dst(%dma_wait3A_747 : memref<100352xf32, #tpu.memory_space<vmem_shared>>)
        %dma_wait3A_748 = arith.constant 4 : i32
        %dma_wait3A_749 = arith.constant 4 : i32
        %dma_wait3A_750 = arith.constant 0 : i32
        %dma_wait3A_751 = tpu.memref_slice %arg14[%rem3A_454, %dma_wait3A_748, %dma_wait3A_750] : memref<3x8x128xf32, #tpu.memory_space<vmem>> -> memref<1x1x128xf32, #tpu.memory_space<vmem>>
        %dma_wait3A_752 = tpu.memref_squeeze %dma_wait3A_751 : memref<1x1x128xf32, #tpu.memory_space<vmem>> -> memref<128xf32, #tpu.memory_space<vmem>>
        %dma_wait3A_753 = arith.constant 0 : i32
        %dma_wait3A_754 = tpu.memref_slice %arg12[%rem3A_454, %dma_wait3A_749, %dma_wait3A_753] : memref<3x8x128xi32, #tpu.memory_space<vmem>> -> memref<1x1x128xi32, #tpu.memory_space<vmem>>
        %dma_wait3A_755 = tpu.memref_squeeze %dma_wait3A_754 : memref<1x1x128xi32, #tpu.memory_space<vmem>> -> memref<128xi32, #tpu.memory_space<vmem>>
        %dma_wait3A_756 = arith.constant 0 : i32
        %dma_wait3A_757 = tpu.memref_slice %arg16[%dma_wait3A_756] : memref<100352xf32, #tpu.memory_space<vmem_shared>> -> memref<100352xf32, #tpu.memory_space<vmem_shared>>
        tpu.wait_indirect_dma semaphore(%arg18 : memref<!tpu.dma_semaphore, #tpu.memory_space<semaphore_mem>>) src(%dma_wait3A_752 : memref<128xf32, #tpu.memory_space<vmem>>) dst(%dma_wait3A_757 : memref<100352xf32, #tpu.memory_space<vmem_shared>>)
        %dma_wait3A_758 = arith.constant 4 : i32
        %dma_wait3A_759 = arith.constant 4 : i32
        %dma_wait3A_760 = arith.constant 0 : i32
        %dma_wait3A_761 = tpu.memref_slice %arg14[%rem3A_454, %dma_wait3A_758, %dma_wait3A_760] : memref<3x8x128xf32, #tpu.memory_space<vmem>> -> memref<1x1x128xf32, #tpu.memory_space<vmem>>
        %dma_wait3A_762 = tpu.memref_squeeze %dma_wait3A_761 : memref<1x1x128xf32, #tpu.memory_space<vmem>> -> memref<128xf32, #tpu.memory_space<vmem>>
        %dma_wait3A_763 = arith.constant 0 : i32
        %dma_wait3A_764 = tpu.memref_slice %arg13[%rem3A_454, %dma_wait3A_759, %dma_wait3A_763] : memref<3x8x128xi32, #tpu.memory_space<vmem>> -> memref<1x1x128xi32, #tpu.memory_space<vmem>>
        %dma_wait3A_765 = tpu.memref_squeeze %dma_wait3A_764 : memref<1x1x128xi32, #tpu.memory_space<vmem>> -> memref<128xi32, #tpu.memory_space<vmem>>
        %dma_wait3A_766 = arith.constant 0 : i32
        %dma_wait3A_767 = tpu.memref_slice %arg16[%dma_wait3A_766] : memref<100352xf32, #tpu.memory_space<vmem_shared>> -> memref<100352xf32, #tpu.memory_space<vmem_shared>>
        tpu.wait_indirect_dma semaphore(%arg18 : memref<!tpu.dma_semaphore, #tpu.memory_space<semaphore_mem>>) src(%dma_wait3A_762 : memref<128xf32, #tpu.memory_space<vmem>>) dst(%dma_wait3A_767 : memref<100352xf32, #tpu.memory_space<vmem_shared>>)
        %dma_wait3A_768 = arith.constant 5 : i32
        %dma_wait3A_769 = arith.constant 5 : i32
        %dma_wait3A_770 = arith.constant 0 : i32
        %dma_wait3A_771 = tpu.memref_slice %arg14[%rem3A_454, %dma_wait3A_768, %dma_wait3A_770] : memref<3x8x128xf32, #tpu.memory_space<vmem>> -> memref<1x1x128xf32, #tpu.memory_space<vmem>>
        %dma_wait3A_772 = tpu.memref_squeeze %dma_wait3A_771 : memref<1x1x128xf32, #tpu.memory_space<vmem>> -> memref<128xf32, #tpu.memory_space<vmem>>
        %dma_wait3A_773 = arith.constant 0 : i32
        %dma_wait3A_774 = tpu.memref_slice %arg12[%rem3A_454, %dma_wait3A_769, %dma_wait3A_773] : memref<3x8x128xi32, #tpu.memory_space<vmem>> -> memref<1x1x128xi32, #tpu.memory_space<vmem>>
        %dma_wait3A_775 = tpu.memref_squeeze %dma_wait3A_774 : memref<1x1x128xi32, #tpu.memory_space<vmem>> -> memref<128xi32, #tpu.memory_space<vmem>>
        %dma_wait3A_776 = arith.constant 0 : i32
        %dma_wait3A_777 = tpu.memref_slice %arg16[%dma_wait3A_776] : memref<100352xf32, #tpu.memory_space<vmem_shared>> -> memref<100352xf32, #tpu.memory_space<vmem_shared>>
        tpu.wait_indirect_dma semaphore(%arg18 : memref<!tpu.dma_semaphore, #tpu.memory_space<semaphore_mem>>) src(%dma_wait3A_772 : memref<128xf32, #tpu.memory_space<vmem>>) dst(%dma_wait3A_777 : memref<100352xf32, #tpu.memory_space<vmem_shared>>)
        %dma_wait3A_778 = arith.constant 5 : i32
        %dma_wait3A_779 = arith.constant 5 : i32
        %dma_wait3A_780 = arith.constant 0 : i32
        %dma_wait3A_781 = tpu.memref_slice %arg14[%rem3A_454, %dma_wait3A_778, %dma_wait3A_780] : memref<3x8x128xf32, #tpu.memory_space<vmem>> -> memref<1x1x128xf32, #tpu.memory_space<vmem>>
        %dma_wait3A_782 = tpu.memref_squeeze %dma_wait3A_781 : memref<1x1x128xf32, #tpu.memory_space<vmem>> -> memref<128xf32, #tpu.memory_space<vmem>>
        %dma_wait3A_783 = arith.constant 0 : i32
        %dma_wait3A_784 = tpu.memref_slice %arg13[%rem3A_454, %dma_wait3A_779, %dma_wait3A_783] : memref<3x8x128xi32, #tpu.memory_space<vmem>> -> memref<1x1x128xi32, #tpu.memory_space<vmem>>
        %dma_wait3A_785 = tpu.memref_squeeze %dma_wait3A_784 : memref<1x1x128xi32, #tpu.memory_space<vmem>> -> memref<128xi32, #tpu.memory_space<vmem>>
        %dma_wait3A_786 = arith.constant 0 : i32
        %dma_wait3A_787 = tpu.memref_slice %arg16[%dma_wait3A_786] : memref<100352xf32, #tpu.memory_space<vmem_shared>> -> memref<100352xf32, #tpu.memory_space<vmem_shared>>
        tpu.wait_indirect_dma semaphore(%arg18 : memref<!tpu.dma_semaphore, #tpu.memory_space<semaphore_mem>>) src(%dma_wait3A_782 : memref<128xf32, #tpu.memory_space<vmem>>) dst(%dma_wait3A_787 : memref<100352xf32, #tpu.memory_space<vmem_shared>>)
        %dma_wait3A_788 = arith.constant 6 : i32
        %dma_wait3A_789 = arith.constant 6 : i32
        %dma_wait3A_790 = arith.constant 0 : i32
        %dma_wait3A_791 = tpu.memref_slice %arg14[%rem3A_454, %dma_wait3A_788, %dma_wait3A_790] : memref<3x8x128xf32, #tpu.memory_space<vmem>> -> memref<1x1x128xf32, #tpu.memory_space<vmem>>
        %dma_wait3A_792 = tpu.memref_squeeze %dma_wait3A_791 : memref<1x1x128xf32, #tpu.memory_space<vmem>> -> memref<128xf32, #tpu.memory_space<vmem>>
        %dma_wait3A_793 = arith.constant 0 : i32
        %dma_wait3A_794 = tpu.memref_slice %arg12[%rem3A_454, %dma_wait3A_789, %dma_wait3A_793] : memref<3x8x128xi32, #tpu.memory_space<vmem>> -> memref<1x1x128xi32, #tpu.memory_space<vmem>>
        %dma_wait3A_795 = tpu.memref_squeeze %dma_wait3A_794 : memref<1x1x128xi32, #tpu.memory_space<vmem>> -> memref<128xi32, #tpu.memory_space<vmem>>
        %dma_wait3A_796 = arith.constant 0 : i32
        %dma_wait3A_797 = tpu.memref_slice %arg16[%dma_wait3A_796] : memref<100352xf32, #tpu.memory_space<vmem_shared>> -> memref<100352xf32, #tpu.memory_space<vmem_shared>>
        tpu.wait_indirect_dma semaphore(%arg18 : memref<!tpu.dma_semaphore, #tpu.memory_space<semaphore_mem>>) src(%dma_wait3A_792 : memref<128xf32, #tpu.memory_space<vmem>>) dst(%dma_wait3A_797 : memref<100352xf32, #tpu.memory_space<vmem_shared>>)
        %dma_wait3A_798 = arith.constant 6 : i32
        %dma_wait3A_799 = arith.constant 6 : i32
        %dma_wait3A_800 = arith.constant 0 : i32
        %dma_wait3A_801 = tpu.memref_slice %arg14[%rem3A_454, %dma_wait3A_798, %dma_wait3A_800] : memref<3x8x128xf32, #tpu.memory_space<vmem>> -> memref<1x1x128xf32, #tpu.memory_space<vmem>>
        %dma_wait3A_802 = tpu.memref_squeeze %dma_wait3A_801 : memref<1x1x128xf32, #tpu.memory_space<vmem>> -> memref<128xf32, #tpu.memory_space<vmem>>
        %dma_wait3A_803 = arith.constant 0 : i32
        %dma_wait3A_804 = tpu.memref_slice %arg13[%rem3A_454, %dma_wait3A_799, %dma_wait3A_803] : memref<3x8x128xi32, #tpu.memory_space<vmem>> -> memref<1x1x128xi32, #tpu.memory_space<vmem>>
        %dma_wait3A_805 = tpu.memref_squeeze %dma_wait3A_804 : memref<1x1x128xi32, #tpu.memory_space<vmem>> -> memref<128xi32, #tpu.memory_space<vmem>>
        %dma_wait3A_806 = arith.constant 0 : i32
        %dma_wait3A_807 = tpu.memref_slice %arg16[%dma_wait3A_806] : memref<100352xf32, #tpu.memory_space<vmem_shared>> -> memref<100352xf32, #tpu.memory_space<vmem_shared>>
        tpu.wait_indirect_dma semaphore(%arg18 : memref<!tpu.dma_semaphore, #tpu.memory_space<semaphore_mem>>) src(%dma_wait3A_802 : memref<128xf32, #tpu.memory_space<vmem>>) dst(%dma_wait3A_807 : memref<100352xf32, #tpu.memory_space<vmem_shared>>)
        %dma_wait3A_808 = arith.constant 7 : i32
        %dma_wait3A_809 = arith.constant 7 : i32
        %dma_wait3A_810 = arith.constant 0 : i32
        %dma_wait3A_811 = tpu.memref_slice %arg14[%rem3A_454, %dma_wait3A_808, %dma_wait3A_810] : memref<3x8x128xf32, #tpu.memory_space<vmem>> -> memref<1x1x128xf32, #tpu.memory_space<vmem>>
        %dma_wait3A_812 = tpu.memref_squeeze %dma_wait3A_811 : memref<1x1x128xf32, #tpu.memory_space<vmem>> -> memref<128xf32, #tpu.memory_space<vmem>>
        %dma_wait3A_813 = arith.constant 0 : i32
        %dma_wait3A_814 = tpu.memref_slice %arg12[%rem3A_454, %dma_wait3A_809, %dma_wait3A_813] : memref<3x8x128xi32, #tpu.memory_space<vmem>> -> memref<1x1x128xi32, #tpu.memory_space<vmem>>
        %dma_wait3A_815 = tpu.memref_squeeze %dma_wait3A_814 : memref<1x1x128xi32, #tpu.memory_space<vmem>> -> memref<128xi32, #tpu.memory_space<vmem>>
        %dma_wait3A_816 = arith.constant 0 : i32
        %dma_wait3A_817 = tpu.memref_slice %arg16[%dma_wait3A_816] : memref<100352xf32, #tpu.memory_space<vmem_shared>> -> memref<100352xf32, #tpu.memory_space<vmem_shared>>
        tpu.wait_indirect_dma semaphore(%arg18 : memref<!tpu.dma_semaphore, #tpu.memory_space<semaphore_mem>>) src(%dma_wait3A_812 : memref<128xf32, #tpu.memory_space<vmem>>) dst(%dma_wait3A_817 : memref<100352xf32, #tpu.memory_space<vmem_shared>>)
        %dma_wait3A_818 = arith.constant 7 : i32
        %dma_wait3A_819 = arith.constant 7 : i32
        %dma_wait3A_820 = arith.constant 0 : i32
        %dma_wait3A_821 = tpu.memref_slice %arg14[%rem3A_454, %dma_wait3A_818, %dma_wait3A_820] : memref<3x8x128xf32, #tpu.memory_space<vmem>> -> memref<1x1x128xf32, #tpu.memory_space<vmem>>
        %dma_wait3A_822 = tpu.memref_squeeze %dma_wait3A_821 : memref<1x1x128xf32, #tpu.memory_space<vmem>> -> memref<128xf32, #tpu.memory_space<vmem>>
        %dma_wait3A_823 = arith.constant 0 : i32
        %dma_wait3A_824 = tpu.memref_slice %arg13[%rem3A_454, %dma_wait3A_819, %dma_wait3A_823] : memref<3x8x128xi32, #tpu.memory_space<vmem>> -> memref<1x1x128xi32, #tpu.memory_space<vmem>>
        %dma_wait3A_825 = tpu.memref_squeeze %dma_wait3A_824 : memref<1x1x128xi32, #tpu.memory_space<vmem>> -> memref<128xi32, #tpu.memory_space<vmem>>
        %dma_wait3A_826 = arith.constant 0 : i32
        %dma_wait3A_827 = tpu.memref_slice %arg16[%dma_wait3A_826] : memref<100352xf32, #tpu.memory_space<vmem_shared>> -> memref<100352xf32, #tpu.memory_space<vmem_shared>>
        tpu.wait_indirect_dma semaphore(%arg18 : memref<!tpu.dma_semaphore, #tpu.memory_space<semaphore_mem>>) src(%dma_wait3A_822 : memref<128xf32, #tpu.memory_space<vmem>>) dst(%dma_wait3A_827 : memref<100352xf32, #tpu.memory_space<vmem_shared>>)
      } else {
      }
      %add3A_496 = arith.constant 1 : i32
      %add3A_497 = arith.addi %scan3A_449, %add3A_496 : i32
      %lt3A = arith.constant 196 : i32
      %lt3A_498 = arith.cmpi slt, %add3A_497, %lt3A : i32
      %convert_element_type3A_499 = arith.extui %lt3A_498 : i1 to i32
      %cond3A_500 = arith.constant 0 : i32
      %cond3A_501 = arith.cmpi ne, %convert_element_type3A_499, %cond3A_500 : i32
      scf.if %cond3A_501 {
        %add3A_668 = arith.constant 1 : i32
        %add3A_669 = arith.addi %scan3A_449, %add3A_668 : i32
        %mul3A_670 = arith.constant 8 : i32
        %mul3A_671 = arith.muli %add3A_669, %mul3A_670 : i32
        %add3A_672 = arith.addi %mul3A_13, %mul3A_671 : i32
        %dma_start3A_673 = arith.constant 0 : i32
        %dma_start3A_674 = arith.constant 0 : i32
        %dma_start3A_675 = tpu.memref_slice %arg11[%rem3A_454, %dma_start3A_673, %dma_start3A_674] : memref<3x8x128xf32, #tpu.memory_space<vmem>> -> memref<1x8x128xf32, #tpu.memory_space<vmem>>
        %dma_start3A_676 = tpu.memref_squeeze %dma_start3A_675 : memref<1x8x128xf32, #tpu.memory_space<vmem>> -> memref<8x128xf32, #tpu.memory_space<vmem>>
        %dma_start3A_677 = arith.constant 0 : i32
        %dma_start3A_678 = tpu.memref_slice %arg4[%add3A_672, %dma_start3A_677] : memref<50176x128xf32, #tpu.memory_space<hbm>> -> memref<8x128xf32, #tpu.memory_space<hbm>>
        %dma_start3A_679 = arith.constant 0 : i32
        %dma_start3A_680 = arith.constant 0 : i32
        %dma_start3A_681 = tpu.memref_slice %arg11[%rem3A_454, %dma_start3A_679, %dma_start3A_680] : memref<3x8x128xf32, #tpu.memory_space<vmem>> -> memref<1x8x128xf32, #tpu.memory_space<vmem>>
        %dma_start3A_682 = tpu.memref_squeeze %dma_start3A_681 : memref<1x8x128xf32, #tpu.memory_space<vmem>> -> memref<8x128xf32, #tpu.memory_space<vmem>>
        %dma_start3A_683 = arith.constant 0 : i32
        %dma_start3A_684 = tpu.memref_slice %arg4[%add3A_672, %dma_start3A_683] : memref<50176x128xf32, #tpu.memory_space<hbm>> -> memref<8x128xf32, #tpu.memory_space<hbm>>
        tpu.enqueue_dma source(%dma_start3A_684 : memref<8x128xf32, #tpu.memory_space<hbm>>) target(%dma_start3A_682 : memref<8x128xf32, #tpu.memory_space<vmem>>) target_semaphore(%arg17 : memref<!tpu.dma_semaphore, #tpu.memory_space<semaphore_mem>>)
        %dma_start3A_685 = arith.constant 0 : i32
        %dma_start3A_686 = arith.constant 0 : i32
        %dma_start3A_687 = tpu.memref_slice %arg12[%rem3A_454, %dma_start3A_685, %dma_start3A_686] : memref<3x8x128xi32, #tpu.memory_space<vmem>> -> memref<1x8x128xi32, #tpu.memory_space<vmem>>
        %dma_start3A_688 = tpu.memref_squeeze %dma_start3A_687 : memref<1x8x128xi32, #tpu.memory_space<vmem>> -> memref<8x128xi32, #tpu.memory_space<vmem>>
        %dma_start3A_689 = arith.constant 0 : i32
        %dma_start3A_690 = tpu.memref_slice %arg5[%add3A_672, %dma_start3A_689] : memref<50176x128xi32, #tpu.memory_space<hbm>> -> memref<8x128xi32, #tpu.memory_space<hbm>>
        %dma_start3A_691 = arith.constant 0 : i32
        %dma_start3A_692 = arith.constant 0 : i32
        %dma_start3A_693 = tpu.memref_slice %arg12[%rem3A_454, %dma_start3A_691, %dma_start3A_692] : memref<3x8x128xi32, #tpu.memory_space<vmem>> -> memref<1x8x128xi32, #tpu.memory_space<vmem>>
        %dma_start3A_694 = tpu.memref_squeeze %dma_start3A_693 : memref<1x8x128xi32, #tpu.memory_space<vmem>> -> memref<8x128xi32, #tpu.memory_space<vmem>>
        %dma_start3A_695 = arith.constant 0 : i32
        %dma_start3A_696 = tpu.memref_slice %arg5[%add3A_672, %dma_start3A_695] : memref<50176x128xi32, #tpu.memory_space<hbm>> -> memref<8x128xi32, #tpu.memory_space<hbm>>
        tpu.enqueue_dma source(%dma_start3A_696 : memref<8x128xi32, #tpu.memory_space<hbm>>) target(%dma_start3A_694 : memref<8x128xi32, #tpu.memory_space<vmem>>) target_semaphore(%arg17 : memref<!tpu.dma_semaphore, #tpu.memory_space<semaphore_mem>>)
        %dma_start3A_697 = arith.constant 0 : i32
        %dma_start3A_698 = arith.constant 0 : i32
        %dma_start3A_699 = tpu.memref_slice %arg13[%rem3A_454, %dma_start3A_697, %dma_start3A_698] : memref<3x8x128xi32, #tpu.memory_space<vmem>> -> memref<1x8x128xi32, #tpu.memory_space<vmem>>
        %dma_start3A_700 = tpu.memref_squeeze %dma_start3A_699 : memref<1x8x128xi32, #tpu.memory_space<vmem>> -> memref<8x128xi32, #tpu.memory_space<vmem>>
        %dma_start3A_701 = arith.constant 0 : i32
        %dma_start3A_702 = tpu.memref_slice %arg6[%add3A_672, %dma_start3A_701] : memref<50176x128xi32, #tpu.memory_space<hbm>> -> memref<8x128xi32, #tpu.memory_space<hbm>>
        %dma_start3A_703 = arith.constant 0 : i32
        %dma_start3A_704 = arith.constant 0 : i32
        %dma_start3A_705 = tpu.memref_slice %arg13[%rem3A_454, %dma_start3A_703, %dma_start3A_704] : memref<3x8x128xi32, #tpu.memory_space<vmem>> -> memref<1x8x128xi32, #tpu.memory_space<vmem>>
        %dma_start3A_706 = tpu.memref_squeeze %dma_start3A_705 : memref<1x8x128xi32, #tpu.memory_space<vmem>> -> memref<8x128xi32, #tpu.memory_space<vmem>>
        %dma_start3A_707 = arith.constant 0 : i32
        %dma_start3A_708 = tpu.memref_slice %arg6[%add3A_672, %dma_start3A_707] : memref<50176x128xi32, #tpu.memory_space<hbm>> -> memref<8x128xi32, #tpu.memory_space<hbm>>
        tpu.enqueue_dma source(%dma_start3A_708 : memref<8x128xi32, #tpu.memory_space<hbm>>) target(%dma_start3A_706 : memref<8x128xi32, #tpu.memory_space<vmem>>) target_semaphore(%arg17 : memref<!tpu.dma_semaphore, #tpu.memory_space<semaphore_mem>>)
      } else {
      }
      %scan3A_502 = arith.constant 0 : i32
      %scan3A_503 = arith.constant 0 : i32
      %scan3A_504 = arith.constant 8 : i32
      %scan3A_505 = arith.addi %scan3A_503, %scan3A_504 : i32
      %scan3A_506 = arith.constant 1 : i32
      scf.for %scan3A_668 = %scan3A_503 to %scan3A_505 step %scan3A_506  : i32 {
        %get3A_669 = arith.index_cast %rem3A_450 : i32 to index
        %get3A_670 = arith.index_cast %scan3A_668 : i32 to index
        %get3A_671 = arith.constant 0 : index
        %get3A_672 = tpu.vector_load %arg11[%get3A_669, %get3A_670, %get3A_671] {strides = array<i32>} : memref<3x8x128xf32, #tpu.memory_space<vmem>>, vector<16xf32>,
        %max3A = arith.constant 2.000000e-01 : f32
        %max3A_673 = vector.broadcast %max3A : f32 to vector<16xf32>
        %max3A_674 = arith.maximumf %get3A_672, %max3A_673 : vector<16xf32>
        %get3A_675 = arith.index_cast %rem3A_450 : i32 to index
        %get3A_676 = arith.index_cast %scan3A_668 : i32 to index
        %get3A_677 = arith.constant 0 : index
        %get3A_678 = tpu.vector_load %arg12[%get3A_675, %get3A_676, %get3A_677] {strides = array<i32>} : memref<3x8x128xi32, #tpu.memory_space<vmem>>, vector<16xi32>,
        %get3A_679 = arith.index_cast %rem3A_450 : i32 to index
        %get3A_680 = arith.index_cast %scan3A_668 : i32 to index
        %get3A_681 = arith.constant 0 : index
        %get3A_682 = tpu.vector_load %arg13[%get3A_679, %get3A_680, %get3A_681] {strides = array<i32>} : memref<3x8x128xi32, #tpu.memory_space<vmem>>, vector<16xi32>,
        %gather3A = tpu.vector_load_idx %arg9[%get3A_678] : memref<100352xf32, #tpu.memory_space<vmem>>[vector<16xi32>], vector<16xf32>,
        %bitcast3A = vector.bitcast %gather3A : vector<16xf32> to vector<16xi32>
        %gather3A_683 = tpu.vector_load_idx %arg9[%get3A_682] : memref<100352xf32, #tpu.memory_space<vmem>>[vector<16xi32>], vector<16xf32>,
        %bitcast3A_684 = vector.bitcast %gather3A_683 : vector<16xf32> to vector<16xi32>
        %and3A = vector.broadcast %scan3A_55 : i32 to vector<16xi32>
        %and3A_685 = arith.andi %bitcast3A, %and3A : vector<16xi32>
        %bitcast3A_686 = vector.bitcast %and3A_685 : vector<16xi32> to vector<16xf32>
        %and3A_687 = vector.broadcast %scan3A_55 : i32 to vector<16xi32>
        %and3A_688 = arith.andi %bitcast3A_684, %and3A_687 : vector<16xi32>
        %bitcast3A_689 = vector.bitcast %and3A_688 : vector<16xi32> to vector<16xf32>
        %shift_left3A = arith.constant 16 : i32
        %shift_left3A_690 = vector.broadcast %shift_left3A : i32 to vector<16xi32>
        %shift_left3A_691 = arith.shli %bitcast3A, %shift_left3A_690 : vector<16xi32>
        %bitcast3A_692 = vector.bitcast %shift_left3A_691 : vector<16xi32> to vector<16xf32>
        %shift_left3A_693 = arith.constant 16 : i32
        %shift_left3A_694 = vector.broadcast %shift_left3A_693 : i32 to vector<16xi32>
        %shift_left3A_695 = arith.shli %bitcast3A_684, %shift_left3A_694 : vector<16xi32>
        %bitcast3A_696 = vector.bitcast %shift_left3A_695 : vector<16xi32> to vector<16xf32>
        %add3A_697 = arith.addf %bitcast3A_692, %bitcast3A_696 : vector<16xf32>
        %mul3A_698 = arith.mulf %max3A_674, %add3A_697 : vector<16xf32>
        %mul3A_699 = arith.constant 68.3028411 : f32
        %mul3A_700 = vector.broadcast %mul3A_699 : f32 to vector<16xf32>
        %mul3A_701 = arith.mulf %mul3A_698, %mul3A_700 : vector<16xf32>
        %min3A = arith.constant 5.100000e+02 : f32
        %min3A_702 = vector.broadcast %min3A : f32 to vector<16xf32>
        %min3A_703 = arith.minimumf %mul3A_701, %min3A_702 : vector<16xf32>
        %convert_element_type3A_704 = arith.fptosi %min3A_703 : vector<16xf32> to vector<16xi32>
        %convert_element_type3A_705 = arith.sitofp %convert_element_type3A_704 : vector<16xi32> to vector<16xf32>
        %sub3A = arith.subf %mul3A_701, %convert_element_type3A_705 : vector<16xf32>
        %min3A_706 = arith.constant 1.000000e+00 : f32
        %min3A_707 = vector.broadcast %min3A_706 : f32 to vector<16xf32>
        %min3A_708 = arith.minimumf %sub3A, %min3A_707 : vector<16xf32>
        %gather3A_709 = tpu.vector_load_idx %arg10[%convert_element_type3A_704] : memref<512xf32, #tpu.memory_space<vmem>>[vector<16xi32>], vector<16xf32>,
        %bitcast3A_710 = vector.bitcast %gather3A_709 : vector<16xf32> to vector<16xi32>
        %and3A_711 = vector.broadcast %scan3A_55 : i32 to vector<16xi32>
        %and3A_712 = arith.andi %bitcast3A_710, %and3A_711 : vector<16xi32>
        %bitcast3A_713 = vector.bitcast %and3A_712 : vector<16xi32> to vector<16xf32>
        %shift_left3A_714 = arith.constant 16 : i32
        %shift_left3A_715 = vector.broadcast %shift_left3A_714 : i32 to vector<16xi32>
        %shift_left3A_716 = arith.shli %bitcast3A_710, %shift_left3A_715 : vector<16xi32>
        %bitcast3A_717 = vector.bitcast %shift_left3A_716 : vector<16xi32> to vector<16xf32>
        %mul3A_718 = arith.mulf %min3A_708, %bitcast3A_717 : vector<16xf32>
        %add3A_719 = arith.addf %bitcast3A_713, %mul3A_718 : vector<16xf32>
        %div3A_720 = arith.constant 1.000000e+00 : f32
        %div3A_721 = vector.broadcast %div3A_720 : f32 to vector<16xf32>
        %div3A_722 = arith.divf %div3A_721, %max3A_674 : vector<16xf32>
        %mul3A_723 = arith.mulf %max3A_674, %div3A_11 : vector<16xf32>
        %min3A_724 = arith.constant 1.000000e+00 : f32
        %min3A_725 = vector.broadcast %min3A_724 : f32 to vector<16xf32>
        %min3A_726 = arith.minimumf %mul3A_723, %min3A_725 : vector<16xf32>
        %sub3A_727 = arith.constant 1.000000e+00 : f32
        %sub3A_728 = vector.broadcast %sub3A_727 : f32 to vector<16xf32>
        %sub3A_729 = arith.subf %sub3A_728, %min3A_726 : vector<16xf32>
        %mul3A_730 = arith.mulf %sub3A_729, %sub3A_729 : vector<16xf32>
        %mul3A_731 = arith.mulf %mul3A_730, %mul3A_730 : vector<16xf32>
        %mul3A_732 = arith.mulf %mul3A_731, %mul3A_730 : vector<16xf32>
        %mul3A_733 = arith.mulf %bitcast3A_686, %bitcast3A_689 : vector<16xf32>
        %mul3A_734 = arith.constant 14.3996458 : f32
        %mul3A_735 = vector.broadcast %mul3A_734 : f32 to vector<16xf32>
        %mul3A_736 = arith.mulf %mul3A_735, %mul3A_733 : vector<16xf32>
        %mul3A_737 = arith.mulf %mul3A_736, %add3A_719 : vector<16xf32>
        %mul3A_738 = arith.mulf %mul3A_737, %div3A_722 : vector<16xf32>
        %mul3A_739 = arith.mulf %mul3A_738, %mul3A_732 : vector<16xf32>
        %mul3A_740 = arith.mulf %div3A_722, %div3A_722 : vector<16xf32>
        %mul3A_741 = arith.mulf %mul3A_740, %mul3A_740 : vector<16xf32>
        %mul3A_742 = arith.mulf %mul3A_741, %mul3A_741 : vector<16xf32>
        %mul3A_743 = arith.mulf %mul3A_742, %mul3A_741 : vector<16xf32>
        %sub3A_744 = arith.constant 8.000000e-01 : f32
        %sub3A_745 = vector.broadcast %sub3A_744 : f32 to vector<16xf32>
        %sub3A_746 = arith.subf %sub3A_745, %max3A_674 : vector<16xf32>
        %mul3A_747 = arith.constant 1.000000e+01 : f32
        %mul3A_748 = vector.broadcast %mul3A_747 : f32 to vector<16xf32>
        %mul3A_749 = arith.mulf %sub3A_746, %mul3A_748 : vector<16xf32>
        %jit3A = arith.constant 0.000000e+00 : f32
        %jit3A_750 = arith.constant 1.000000e+00 : f32
        %max3A_751 = vector.broadcast %jit3A : f32 to vector<16xf32>
        %max3A_752 = arith.maximumf %max3A_751, %mul3A_749 : vector<16xf32>
        %min3A_753 = vector.broadcast %jit3A_750 : f32 to vector<16xf32>
        %min3A_754 = arith.minimumf %min3A_753, %max3A_752 : vector<16xf32>
        %mul3A_755 = arith.mulf %min3A_754, %min3A_754 : vector<16xf32>
        %mul3A_756 = arith.constant 2.000000e+00 : f32
        %mul3A_757 = vector.broadcast %mul3A_756 : f32 to vector<16xf32>
        %mul3A_758 = arith.mulf %mul3A_757, %min3A_754 : vector<16xf32>
        %sub3A_759 = arith.constant 3.000000e+00 : f32
        %sub3A_760 = vector.broadcast %sub3A_759 : f32 to vector<16xf32>
        %sub3A_761 = arith.subf %sub3A_760, %mul3A_758 : vector<16xf32>
        %mul3A_762 = arith.mulf %mul3A_755, %sub3A_761 : vector<16xf32>
        %mul3A_763 = arith.constant 1.000000e+00 : f32
        %mul3A_764 = vector.broadcast %mul3A_763 : f32 to vector<16xf32>
        %mul3A_765 = arith.mulf %mul3A_764, %mul3A_743 : vector<16xf32>
        %mul3A_766 = arith.mulf %mul3A_765, %mul3A_732 : vector<16xf32>
        %mul3A_767 = arith.mulf %mul3A_766, %mul3A_762 : vector<16xf32>
        %add3A_768 = arith.addf %mul3A_739, %mul3A_767 : vector<16xf32>
        %mul3A_769 = arith.constant 2.500000e-01 : f32
        %mul3A_770 = vector.broadcast %mul3A_769 : f32 to vector<16xf32>
        %mul3A_771 = arith.mulf %mul3A_770, %add3A_768 : vector<16xf32>
        %swap3A = arith.index_cast %rem3A_450 : i32 to index
        %swap3A_772 = arith.index_cast %scan3A_668 : i32 to index
        %swap3A_773 = arith.constant 0 : index
        %swap3A_774 = tpu.vector_load %arg14[%swap3A, %swap3A_772, %swap3A_773] {strides = array<i32>} : memref<3x8x128xf32, #tpu.memory_space<vmem>>, vector<16xf32>,
        tpu.vector_store %arg14[%swap3A, %swap3A_772, %swap3A_773], %mul3A_771 {strides = array<i32>} : memref<3x8x128xf32, #tpu.memory_space<vmem>>, vector<16xf32>,
        %get3A_775 = arith.index_cast %rem3A_450 : i32 to index
        %get3A_776 = arith.index_cast %scan3A_668 : i32 to index
        %get3A_777 = arith.constant 16 : index
        %get3A_778 = tpu.vector_load %arg11[%get3A_775, %get3A_776, %get3A_777] {strides = array<i32>} : memref<3x8x128xf32, #tpu.memory_space<vmem>>, vector<16xf32>,
        %max3A_779 = arith.constant 2.000000e-01 : f32
        %max3A_780 = vector.broadcast %max3A_779 : f32 to vector<16xf32>
        %max3A_781 = arith.maximumf %get3A_778, %max3A_780 : vector<16xf32>
        %get3A_782 = arith.index_cast %rem3A_450 : i32 to index
        %get3A_783 = arith.index_cast %scan3A_668 : i32 to index
        %get3A_784 = arith.constant 16 : index
        %get3A_785 = tpu.vector_load %arg12[%get3A_782, %get3A_783, %get3A_784] {strides = array<i32>} : memref<3x8x128xi32, #tpu.memory_space<vmem>>, vector<16xi32>,
        %get3A_786 = arith.index_cast %rem3A_450 : i32 to index
        %get3A_787 = arith.index_cast %scan3A_668 : i32 to index
        %get3A_788 = arith.constant 16 : index
        %get3A_789 = tpu.vector_load %arg13[%get3A_786, %get3A_787, %get3A_788] {strides = array<i32>} : memref<3x8x128xi32, #tpu.memory_space<vmem>>, vector<16xi32>,
        %gather3A_790 = tpu.vector_load_idx %arg9[%get3A_785] : memref<100352xf32, #tpu.memory_space<vmem>>[vector<16xi32>], vector<16xf32>,
        %bitcast3A_791 = vector.bitcast %gather3A_790 : vector<16xf32> to vector<16xi32>
        %gather3A_792 = tpu.vector_load_idx %arg9[%get3A_789] : memref<100352xf32, #tpu.memory_space<vmem>>[vector<16xi32>], vector<16xf32>,
        %bitcast3A_793 = vector.bitcast %gather3A_792 : vector<16xf32> to vector<16xi32>
        %and3A_794 = vector.broadcast %scan3A_55 : i32 to vector<16xi32>
        %and3A_795 = arith.andi %bitcast3A_791, %and3A_794 : vector<16xi32>
        %bitcast3A_796 = vector.bitcast %and3A_795 : vector<16xi32> to vector<16xf32>
        %and3A_797 = vector.broadcast %scan3A_55 : i32 to vector<16xi32>
        %and3A_798 = arith.andi %bitcast3A_793, %and3A_797 : vector<16xi32>
        %bitcast3A_799 = vector.bitcast %and3A_798 : vector<16xi32> to vector<16xf32>
        %shift_left3A_800 = arith.constant 16 : i32
        %shift_left3A_801 = vector.broadcast %shift_left3A_800 : i32 to vector<16xi32>
        %shift_left3A_802 = arith.shli %bitcast3A_791, %shift_left3A_801 : vector<16xi32>
        %bitcast3A_803 = vector.bitcast %shift_left3A_802 : vector<16xi32> to vector<16xf32>
        %shift_left3A_804 = arith.constant 16 : i32
        %shift_left3A_805 = vector.broadcast %shift_left3A_804 : i32 to vector<16xi32>
        %shift_left3A_806 = arith.shli %bitcast3A_793, %shift_left3A_805 : vector<16xi32>
        %bitcast3A_807 = vector.bitcast %shift_left3A_806 : vector<16xi32> to vector<16xf32>
        %add3A_808 = arith.addf %bitcast3A_803, %bitcast3A_807 : vector<16xf32>
        %mul3A_809 = arith.mulf %max3A_781, %add3A_808 : vector<16xf32>
        %mul3A_810 = arith.constant 68.3028411 : f32
        %mul3A_811 = vector.broadcast %mul3A_810 : f32 to vector<16xf32>
        %mul3A_812 = arith.mulf %mul3A_809, %mul3A_811 : vector<16xf32>
        %min3A_813 = arith.constant 5.100000e+02 : f32
        %min3A_814 = vector.broadcast %min3A_813 : f32 to vector<16xf32>
        %min3A_815 = arith.minimumf %mul3A_812, %min3A_814 : vector<16xf32>
        %convert_element_type3A_816 = arith.fptosi %min3A_815 : vector<16xf32> to vector<16xi32>
        %convert_element_type3A_817 = arith.sitofp %convert_element_type3A_816 : vector<16xi32> to vector<16xf32>
        %sub3A_818 = arith.subf %mul3A_812, %convert_element_type3A_817 : vector<16xf32>
        %min3A_819 = arith.constant 1.000000e+00 : f32
        %min3A_820 = vector.broadcast %min3A_819 : f32 to vector<16xf32>
        %min3A_821 = arith.minimumf %sub3A_818, %min3A_820 : vector<16xf32>
        %gather3A_822 = tpu.vector_load_idx %arg10[%convert_element_type3A_816] : memref<512xf32, #tpu.memory_space<vmem>>[vector<16xi32>], vector<16xf32>,
        %bitcast3A_823 = vector.bitcast %gather3A_822 : vector<16xf32> to vector<16xi32>
        %and3A_824 = vector.broadcast %scan3A_55 : i32 to vector<16xi32>
        %and3A_825 = arith.andi %bitcast3A_823, %and3A_824 : vector<16xi32>
        %bitcast3A_826 = vector.bitcast %and3A_825 : vector<16xi32> to vector<16xf32>
        %shift_left3A_827 = arith.constant 16 : i32
        %shift_left3A_828 = vector.broadcast %shift_left3A_827 : i32 to vector<16xi32>
        %shift_left3A_829 = arith.shli %bitcast3A_823, %shift_left3A_828 : vector<16xi32>
        %bitcast3A_830 = vector.bitcast %shift_left3A_829 : vector<16xi32> to vector<16xf32>
        %mul3A_831 = arith.mulf %min3A_821, %bitcast3A_830 : vector<16xf32>
        %add3A_832 = arith.addf %bitcast3A_826, %mul3A_831 : vector<16xf32>
        %div3A_833 = arith.constant 1.000000e+00 : f32
        %div3A_834 = vector.broadcast %div3A_833 : f32 to vector<16xf32>
        %div3A_835 = arith.divf %div3A_834, %max3A_781 : vector<16xf32>
        %mul3A_836 = arith.mulf %max3A_781, %div3A_11 : vector<16xf32>
        %min3A_837 = arith.constant 1.000000e+00 : f32
        %min3A_838 = vector.broadcast %min3A_837 : f32 to vector<16xf32>
        %min3A_839 = arith.minimumf %mul3A_836, %min3A_838 : vector<16xf32>
        %sub3A_840 = arith.constant 1.000000e+00 : f32
        %sub3A_841 = vector.broadcast %sub3A_840 : f32 to vector<16xf32>
        %sub3A_842 = arith.subf %sub3A_841, %min3A_839 : vector<16xf32>
        %mul3A_843 = arith.mulf %sub3A_842, %sub3A_842 : vector<16xf32>
        %mul3A_844 = arith.mulf %mul3A_843, %mul3A_843 : vector<16xf32>
        %mul3A_845 = arith.mulf %mul3A_844, %mul3A_843 : vector<16xf32>
        %mul3A_846 = arith.mulf %bitcast3A_796, %bitcast3A_799 : vector<16xf32>
        %mul3A_847 = arith.constant 14.3996458 : f32
        %mul3A_848 = vector.broadcast %mul3A_847 : f32 to vector<16xf32>
        %mul3A_849 = arith.mulf %mul3A_848, %mul3A_846 : vector<16xf32>
        %mul3A_850 = arith.mulf %mul3A_849, %add3A_832 : vector<16xf32>
        %mul3A_851 = arith.mulf %mul3A_850, %div3A_835 : vector<16xf32>
        %mul3A_852 = arith.mulf %mul3A_851, %mul3A_845 : vector<16xf32>
        %mul3A_853 = arith.mulf %div3A_835, %div3A_835 : vector<16xf32>
        %mul3A_854 = arith.mulf %mul3A_853, %mul3A_853 : vector<16xf32>
        %mul3A_855 = arith.mulf %mul3A_854, %mul3A_854 : vector<16xf32>
        %mul3A_856 = arith.mulf %mul3A_855, %mul3A_854 : vector<16xf32>
        %sub3A_857 = arith.constant 8.000000e-01 : f32
        %sub3A_858 = vector.broadcast %sub3A_857 : f32 to vector<16xf32>
        %sub3A_859 = arith.subf %sub3A_858, %max3A_781 : vector<16xf32>
        %mul3A_860 = arith.constant 1.000000e+01 : f32
        %mul3A_861 = vector.broadcast %mul3A_860 : f32 to vector<16xf32>
        %mul3A_862 = arith.mulf %sub3A_859, %mul3A_861 : vector<16xf32>
        %jit3A_863 = arith.constant 0.000000e+00 : f32
        %jit3A_864 = arith.constant 1.000000e+00 : f32
        %max3A_865 = vector.broadcast %jit3A_863 : f32 to vector<16xf32>
        %max3A_866 = arith.maximumf %max3A_865, %mul3A_862 : vector<16xf32>
        %min3A_867 = vector.broadcast %jit3A_864 : f32 to vector<16xf32>
        %min3A_868 = arith.minimumf %min3A_867, %max3A_866 : vector<16xf32>
        %mul3A_869 = arith.mulf %min3A_868, %min3A_868 : vector<16xf32>
        %mul3A_870 = arith.constant 2.000000e+00 : f32
        %mul3A_871 = vector.broadcast %mul3A_870 : f32 to vector<16xf32>
        %mul3A_872 = arith.mulf %mul3A_871, %min3A_868 : vector<16xf32>
        %sub3A_873 = arith.constant 3.000000e+00 : f32
        %sub3A_874 = vector.broadcast %sub3A_873 : f32 to vector<16xf32>
        %sub3A_875 = arith.subf %sub3A_874, %mul3A_872 : vector<16xf32>
        %mul3A_876 = arith.mulf %mul3A_869, %sub3A_875 : vector<16xf32>
        %mul3A_877 = arith.constant 1.000000e+00 : f32
        %mul3A_878 = vector.broadcast %mul3A_877 : f32 to vector<16xf32>
        %mul3A_879 = arith.mulf %mul3A_878, %mul3A_856 : vector<16xf32>
        %mul3A_880 = arith.mulf %mul3A_879, %mul3A_845 : vector<16xf32>
        %mul3A_881 = arith.mulf %mul3A_880, %mul3A_876 : vector<16xf32>
        %add3A_882 = arith.addf %mul3A_852, %mul3A_881 : vector<16xf32>
        %mul3A_883 = arith.constant 2.500000e-01 : f32
        %mul3A_884 = vector.broadcast %mul3A_883 : f32 to vector<16xf32>
        %mul3A_885 = arith.mulf %mul3A_884, %add3A_882 : vector<16xf32>
        %swap3A_886 = arith.index_cast %rem3A_450 : i32 to index
        %swap3A_887 = arith.index_cast %scan3A_668 : i32 to index
        %swap3A_888 = arith.constant 16 : index
        %swap3A_889 = tpu.vector_load %arg14[%swap3A_886, %swap3A_887, %swap3A_888] {strides = array<i32>} : memref<3x8x128xf32, #tpu.memory_space<vmem>>, vector<16xf32>,
        tpu.vector_store %arg14[%swap3A_886, %swap3A_887, %swap3A_888], %mul3A_885 {strides = array<i32>} : memref<3x8x128xf32, #tpu.memory_space<vmem>>, vector<16xf32>,
        %get3A_890 = arith.index_cast %rem3A_450 : i32 to index
        %get3A_891 = arith.index_cast %scan3A_668 : i32 to index
        %get3A_892 = arith.constant 32 : index
        %get3A_893 = tpu.vector_load %arg11[%get3A_890, %get3A_891, %get3A_892] {strides = array<i32>} : memref<3x8x128xf32, #tpu.memory_space<vmem>>, vector<16xf32>,
        %max3A_894 = arith.constant 2.000000e-01 : f32
        %max3A_895 = vector.broadcast %max3A_894 : f32 to vector<16xf32>
        %max3A_896 = arith.maximumf %get3A_893, %max3A_895 : vector<16xf32>
        %get3A_897 = arith.index_cast %rem3A_450 : i32 to index
        %get3A_898 = arith.index_cast %scan3A_668 : i32 to index
        %get3A_899 = arith.constant 32 : index
        %get3A_900 = tpu.vector_load %arg12[%get3A_897, %get3A_898, %get3A_899] {strides = array<i32>} : memref<3x8x128xi32, #tpu.memory_space<vmem>>, vector<16xi32>,
        %get3A_901 = arith.index_cast %rem3A_450 : i32 to index
        %get3A_902 = arith.index_cast %scan3A_668 : i32 to index
        %get3A_903 = arith.constant 32 : index
        %get3A_904 = tpu.vector_load %arg13[%get3A_901, %get3A_902, %get3A_903] {strides = array<i32>} : memref<3x8x128xi32, #tpu.memory_space<vmem>>, vector<16xi32>,
        %gather3A_905 = tpu.vector_load_idx %arg9[%get3A_900] : memref<100352xf32, #tpu.memory_space<vmem>>[vector<16xi32>], vector<16xf32>,
        %bitcast3A_906 = vector.bitcast %gather3A_905 : vector<16xf32> to vector<16xi32>
        %gather3A_907 = tpu.vector_load_idx %arg9[%get3A_904] : memref<100352xf32, #tpu.memory_space<vmem>>[vector<16xi32>], vector<16xf32>,
        %bitcast3A_908 = vector.bitcast %gather3A_907 : vector<16xf32> to vector<16xi32>
        %and3A_909 = vector.broadcast %scan3A_55 : i32 to vector<16xi32>
        %and3A_910 = arith.andi %bitcast3A_906, %and3A_909 : vector<16xi32>
        %bitcast3A_911 = vector.bitcast %and3A_910 : vector<16xi32> to vector<16xf32>
        %and3A_912 = vector.broadcast %scan3A_55 : i32 to vector<16xi32>
        %and3A_913 = arith.andi %bitcast3A_908, %and3A_912 : vector<16xi32>
        %bitcast3A_914 = vector.bitcast %and3A_913 : vector<16xi32> to vector<16xf32>
        %shift_left3A_915 = arith.constant 16 : i32
        %shift_left3A_916 = vector.broadcast %shift_left3A_915 : i32 to vector<16xi32>
        %shift_left3A_917 = arith.shli %bitcast3A_906, %shift_left3A_916 : vector<16xi32>
        %bitcast3A_918 = vector.bitcast %shift_left3A_917 : vector<16xi32> to vector<16xf32>
        %shift_left3A_919 = arith.constant 16 : i32
        %shift_left3A_920 = vector.broadcast %shift_left3A_919 : i32 to vector<16xi32>
        %shift_left3A_921 = arith.shli %bitcast3A_908, %shift_left3A_920 : vector<16xi32>
        %bitcast3A_922 = vector.bitcast %shift_left3A_921 : vector<16xi32> to vector<16xf32>
        %add3A_923 = arith.addf %bitcast3A_918, %bitcast3A_922 : vector<16xf32>
        %mul3A_924 = arith.mulf %max3A_896, %add3A_923 : vector<16xf32>
        %mul3A_925 = arith.constant 68.3028411 : f32
        %mul3A_926 = vector.broadcast %mul3A_925 : f32 to vector<16xf32>
        %mul3A_927 = arith.mulf %mul3A_924, %mul3A_926 : vector<16xf32>
        %min3A_928 = arith.constant 5.100000e+02 : f32
        %min3A_929 = vector.broadcast %min3A_928 : f32 to vector<16xf32>
        %min3A_930 = arith.minimumf %mul3A_927, %min3A_929 : vector<16xf32>
        %convert_element_type3A_931 = arith.fptosi %min3A_930 : vector<16xf32> to vector<16xi32>
        %convert_element_type3A_932 = arith.sitofp %convert_element_type3A_931 : vector<16xi32> to vector<16xf32>
        %sub3A_933 = arith.subf %mul3A_927, %convert_element_type3A_932 : vector<16xf32>
        %min3A_934 = arith.constant 1.000000e+00 : f32
        %min3A_935 = vector.broadcast %min3A_934 : f32 to vector<16xf32>
        %min3A_936 = arith.minimumf %sub3A_933, %min3A_935 : vector<16xf32>
        %gather3A_937 = tpu.vector_load_idx %arg10[%convert_element_type3A_931] : memref<512xf32, #tpu.memory_space<vmem>>[vector<16xi32>], vector<16xf32>,
        %bitcast3A_938 = vector.bitcast %gather3A_937 : vector<16xf32> to vector<16xi32>
        %and3A_939 = vector.broadcast %scan3A_55 : i32 to vector<16xi32>
        %and3A_940 = arith.andi %bitcast3A_938, %and3A_939 : vector<16xi32>
        %bitcast3A_941 = vector.bitcast %and3A_940 : vector<16xi32> to vector<16xf32>
        %shift_left3A_942 = arith.constant 16 : i32
        %shift_left3A_943 = vector.broadcast %shift_left3A_942 : i32 to vector<16xi32>
        %shift_left3A_944 = arith.shli %bitcast3A_938, %shift_left3A_943 : vector<16xi32>
        %bitcast3A_945 = vector.bitcast %shift_left3A_944 : vector<16xi32> to vector<16xf32>
        %mul3A_946 = arith.mulf %min3A_936, %bitcast3A_945 : vector<16xf32>
        %add3A_947 = arith.addf %bitcast3A_941, %mul3A_946 : vector<16xf32>
        %div3A_948 = arith.constant 1.000000e+00 : f32
        %div3A_949 = vector.broadcast %div3A_948 : f32 to vector<16xf32>
        %div3A_950 = arith.divf %div3A_949, %max3A_896 : vector<16xf32>
        %mul3A_951 = arith.mulf %max3A_896, %div3A_11 : vector<16xf32>
        %min3A_952 = arith.constant 1.000000e+00 : f32
        %min3A_953 = vector.broadcast %min3A_952 : f32 to vector<16xf32>
        %min3A_954 = arith.minimumf %mul3A_951, %min3A_953 : vector<16xf32>
        %sub3A_955 = arith.constant 1.000000e+00 : f32
        %sub3A_956 = vector.broadcast %sub3A_955 : f32 to vector<16xf32>
        %sub3A_957 = arith.subf %sub3A_956, %min3A_954 : vector<16xf32>
        %mul3A_958 = arith.mulf %sub3A_957, %sub3A_957 : vector<16xf32>
        %mul3A_959 = arith.mulf %mul3A_958, %mul3A_958 : vector<16xf32>
        %mul3A_960 = arith.mulf %mul3A_959, %mul3A_958 : vector<16xf32>
        %mul3A_961 = arith.mulf %bitcast3A_911, %bitcast3A_914 : vector<16xf32>
        %mul3A_962 = arith.constant 14.3996458 : f32
        %mul3A_963 = vector.broadcast %mul3A_962 : f32 to vector<16xf32>
        %mul3A_964 = arith.mulf %mul3A_963, %mul3A_961 : vector<16xf32>
        %mul3A_965 = arith.mulf %mul3A_964, %add3A_947 : vector<16xf32>
        %mul3A_966 = arith.mulf %mul3A_965, %div3A_950 : vector<16xf32>
        %mul3A_967 = arith.mulf %mul3A_966, %mul3A_960 : vector<16xf32>
        %mul3A_968 = arith.mulf %div3A_950, %div3A_950 : vector<16xf32>
        %mul3A_969 = arith.mulf %mul3A_968, %mul3A_968 : vector<16xf32>
        %mul3A_970 = arith.mulf %mul3A_969, %mul3A_969 : vector<16xf32>
        %mul3A_971 = arith.mulf %mul3A_970, %mul3A_969 : vector<16xf32>
        %sub3A_972 = arith.constant 8.000000e-01 : f32
        %sub3A_973 = vector.broadcast %sub3A_972 : f32 to vector<16xf32>
        %sub3A_974 = arith.subf %sub3A_973, %max3A_896 : vector<16xf32>
        %mul3A_975 = arith.constant 1.000000e+01 : f32
        %mul3A_976 = vector.broadcast %mul3A_975 : f32 to vector<16xf32>
        %mul3A_977 = arith.mulf %sub3A_974, %mul3A_976 : vector<16xf32>
        %jit3A_978 = arith.constant 0.000000e+00 : f32
        %jit3A_979 = arith.constant 1.000000e+00 : f32
        %max3A_980 = vector.broadcast %jit3A_978 : f32 to vector<16xf32>
        %max3A_981 = arith.maximumf %max3A_980, %mul3A_977 : vector<16xf32>
        %min3A_982 = vector.broadcast %jit3A_979 : f32 to vector<16xf32>
        %min3A_983 = arith.minimumf %min3A_982, %max3A_981 : vector<16xf32>
        %mul3A_984 = arith.mulf %min3A_983, %min3A_983 : vector<16xf32>
        %mul3A_985 = arith.constant 2.000000e+00 : f32
        %mul3A_986 = vector.broadcast %mul3A_985 : f32 to vector<16xf32>
        %mul3A_987 = arith.mulf %mul3A_986, %min3A_983 : vector<16xf32>
        %sub3A_988 = arith.constant 3.000000e+00 : f32
        %sub3A_989 = vector.broadcast %sub3A_988 : f32 to vector<16xf32>
        %sub3A_990 = arith.subf %sub3A_989, %mul3A_987 : vector<16xf32>
        %mul3A_991 = arith.mulf %mul3A_984, %sub3A_990 : vector<16xf32>
        %mul3A_992 = arith.constant 1.000000e+00 : f32
        %mul3A_993 = vector.broadcast %mul3A_992 : f32 to vector<16xf32>
        %mul3A_994 = arith.mulf %mul3A_993, %mul3A_971 : vector<16xf32>
        %mul3A_995 = arith.mulf %mul3A_994, %mul3A_960 : vector<16xf32>
        %mul3A_996 = arith.mulf %mul3A_995, %mul3A_991 : vector<16xf32>
        %add3A_997 = arith.addf %mul3A_967, %mul3A_996 : vector<16xf32>
        %mul3A_998 = arith.constant 2.500000e-01 : f32
        %mul3A_999 = vector.broadcast %mul3A_998 : f32 to vector<16xf32>
        %mul3A_1000 = arith.mulf %mul3A_999, %add3A_997 : vector<16xf32>
        %swap3A_1001 = arith.index_cast %rem3A_450 : i32 to index
        %swap3A_1002 = arith.index_cast %scan3A_668 : i32 to index
        %swap3A_1003 = arith.constant 32 : index
        %swap3A_1004 = tpu.vector_load %arg14[%swap3A_1001, %swap3A_1002, %swap3A_1003] {strides = array<i32>} : memref<3x8x128xf32, #tpu.memory_space<vmem>>, vector<16xf32>,
        tpu.vector_store %arg14[%swap3A_1001, %swap3A_1002, %swap3A_1003], %mul3A_1000 {strides = array<i32>} : memref<3x8x128xf32, #tpu.memory_space<vmem>>, vector<16xf32>,
        %get3A_1005 = arith.index_cast %rem3A_450 : i32 to index
        %get3A_1006 = arith.index_cast %scan3A_668 : i32 to index
        %get3A_1007 = arith.constant 48 : index
        %get3A_1008 = tpu.vector_load %arg11[%get3A_1005, %get3A_1006, %get3A_1007] {strides = array<i32>} : memref<3x8x128xf32, #tpu.memory_space<vmem>>, vector<16xf32>,
        %max3A_1009 = arith.constant 2.000000e-01 : f32
        %max3A_1010 = vector.broadcast %max3A_1009 : f32 to vector<16xf32>
        %max3A_1011 = arith.maximumf %get3A_1008, %max3A_1010 : vector<16xf32>
        %get3A_1012 = arith.index_cast %rem3A_450 : i32 to index
        %get3A_1013 = arith.index_cast %scan3A_668 : i32 to index
        %get3A_1014 = arith.constant 48 : index
        %get3A_1015 = tpu.vector_load %arg12[%get3A_1012, %get3A_1013, %get3A_1014] {strides = array<i32>} : memref<3x8x128xi32, #tpu.memory_space<vmem>>, vector<16xi32>,
        %get3A_1016 = arith.index_cast %rem3A_450 : i32 to index
        %get3A_1017 = arith.index_cast %scan3A_668 : i32 to index
        %get3A_1018 = arith.constant 48 : index
        %get3A_1019 = tpu.vector_load %arg13[%get3A_1016, %get3A_1017, %get3A_1018] {strides = array<i32>} : memref<3x8x128xi32, #tpu.memory_space<vmem>>, vector<16xi32>,
        %gather3A_1020 = tpu.vector_load_idx %arg9[%get3A_1015] : memref<100352xf32, #tpu.memory_space<vmem>>[vector<16xi32>], vector<16xf32>,
        %bitcast3A_1021 = vector.bitcast %gather3A_1020 : vector<16xf32> to vector<16xi32>
        %gather3A_1022 = tpu.vector_load_idx %arg9[%get3A_1019] : memref<100352xf32, #tpu.memory_space<vmem>>[vector<16xi32>], vector<16xf32>,
        %bitcast3A_1023 = vector.bitcast %gather3A_1022 : vector<16xf32> to vector<16xi32>
        %and3A_1024 = vector.broadcast %scan3A_55 : i32 to vector<16xi32>
        %and3A_1025 = arith.andi %bitcast3A_1021, %and3A_1024 : vector<16xi32>
        %bitcast3A_1026 = vector.bitcast %and3A_1025 : vector<16xi32> to vector<16xf32>
        %and3A_1027 = vector.broadcast %scan3A_55 : i32 to vector<16xi32>
        %and3A_1028 = arith.andi %bitcast3A_1023, %and3A_1027 : vector<16xi32>
        %bitcast3A_1029 = vector.bitcast %and3A_1028 : vector<16xi32> to vector<16xf32>
        %shift_left3A_1030 = arith.constant 16 : i32
        %shift_left3A_1031 = vector.broadcast %shift_left3A_1030 : i32 to vector<16xi32>
        %shift_left3A_1032 = arith.shli %bitcast3A_1021, %shift_left3A_1031 : vector<16xi32>
        %bitcast3A_1033 = vector.bitcast %shift_left3A_1032 : vector<16xi32> to vector<16xf32>
        %shift_left3A_1034 = arith.constant 16 : i32
        %shift_left3A_1035 = vector.broadcast %shift_left3A_1034 : i32 to vector<16xi32>
        %shift_left3A_1036 = arith.shli %bitcast3A_1023, %shift_left3A_1035 : vector<16xi32>
        %bitcast3A_1037 = vector.bitcast %shift_left3A_1036 : vector<16xi32> to vector<16xf32>
        %add3A_1038 = arith.addf %bitcast3A_1033, %bitcast3A_1037 : vector<16xf32>
        %mul3A_1039 = arith.mulf %max3A_1011, %add3A_1038 : vector<16xf32>
        %mul3A_1040 = arith.constant 68.3028411 : f32
        %mul3A_1041 = vector.broadcast %mul3A_1040 : f32 to vector<16xf32>
        %mul3A_1042 = arith.mulf %mul3A_1039, %mul3A_1041 : vector<16xf32>
        %min3A_1043 = arith.constant 5.100000e+02 : f32
        %min3A_1044 = vector.broadcast %min3A_1043 : f32 to vector<16xf32>
        %min3A_1045 = arith.minimumf %mul3A_1042, %min3A_1044 : vector<16xf32>
        %convert_element_type3A_1046 = arith.fptosi %min3A_1045 : vector<16xf32> to vector<16xi32>
        %convert_element_type3A_1047 = arith.sitofp %convert_element_type3A_1046 : vector<16xi32> to vector<16xf32>
        %sub3A_1048 = arith.subf %mul3A_1042, %convert_element_type3A_1047 : vector<16xf32>
        %min3A_1049 = arith.constant 1.000000e+00 : f32
        %min3A_1050 = vector.broadcast %min3A_1049 : f32 to vector<16xf32>
        %min3A_1051 = arith.minimumf %sub3A_1048, %min3A_1050 : vector<16xf32>
        %gather3A_1052 = tpu.vector_load_idx %arg10[%convert_element_type3A_1046] : memref<512xf32, #tpu.memory_space<vmem>>[vector<16xi32>], vector<16xf32>,
        %bitcast3A_1053 = vector.bitcast %gather3A_1052 : vector<16xf32> to vector<16xi32>
        %and3A_1054 = vector.broadcast %scan3A_55 : i32 to vector<16xi32>
        %and3A_1055 = arith.andi %bitcast3A_1053, %and3A_1054 : vector<16xi32>
        %bitcast3A_1056 = vector.bitcast %and3A_1055 : vector<16xi32> to vector<16xf32>
        %shift_left3A_1057 = arith.constant 16 : i32
        %shift_left3A_1058 = vector.broadcast %shift_left3A_1057 : i32 to vector<16xi32>
        %shift_left3A_1059 = arith.shli %bitcast3A_1053, %shift_left3A_1058 : vector<16xi32>
        %bitcast3A_1060 = vector.bitcast %shift_left3A_1059 : vector<16xi32> to vector<16xf32>
        %mul3A_1061 = arith.mulf %min3A_1051, %bitcast3A_1060 : vector<16xf32>
        %add3A_1062 = arith.addf %bitcast3A_1056, %mul3A_1061 : vector<16xf32>
        %div3A_1063 = arith.constant 1.000000e+00 : f32
        %div3A_1064 = vector.broadcast %div3A_1063 : f32 to vector<16xf32>
        %div3A_1065 = arith.divf %div3A_1064, %max3A_1011 : vector<16xf32>
        %mul3A_1066 = arith.mulf %max3A_1011, %div3A_11 : vector<16xf32>
        %min3A_1067 = arith.constant 1.000000e+00 : f32
        %min3A_1068 = vector.broadcast %min3A_1067 : f32 to vector<16xf32>
        %min3A_1069 = arith.minimumf %mul3A_1066, %min3A_1068 : vector<16xf32>
        %sub3A_1070 = arith.constant 1.000000e+00 : f32
        %sub3A_1071 = vector.broadcast %sub3A_1070 : f32 to vector<16xf32>
        %sub3A_1072 = arith.subf %sub3A_1071, %min3A_1069 : vector<16xf32>
        %mul3A_1073 = arith.mulf %sub3A_1072, %sub3A_1072 : vector<16xf32>
        %mul3A_1074 = arith.mulf %mul3A_1073, %mul3A_1073 : vector<16xf32>
        %mul3A_1075 = arith.mulf %mul3A_1074, %mul3A_1073 : vector<16xf32>
        %mul3A_1076 = arith.mulf %bitcast3A_1026, %bitcast3A_1029 : vector<16xf32>
        %mul3A_1077 = arith.constant 14.3996458 : f32
        %mul3A_1078 = vector.broadcast %mul3A_1077 : f32 to vector<16xf32>
        %mul3A_1079 = arith.mulf %mul3A_1078, %mul3A_1076 : vector<16xf32>
        %mul3A_1080 = arith.mulf %mul3A_1079, %add3A_1062 : vector<16xf32>
        %mul3A_1081 = arith.mulf %mul3A_1080, %div3A_1065 : vector<16xf32>
        %mul3A_1082 = arith.mulf %mul3A_1081, %mul3A_1075 : vector<16xf32>
        %mul3A_1083 = arith.mulf %div3A_1065, %div3A_1065 : vector<16xf32>
        %mul3A_1084 = arith.mulf %mul3A_1083, %mul3A_1083 : vector<16xf32>
        %mul3A_1085 = arith.mulf %mul3A_1084, %mul3A_1084 : vector<16xf32>
        %mul3A_1086 = arith.mulf %mul3A_1085, %mul3A_1084 : vector<16xf32>
        %sub3A_1087 = arith.constant 8.000000e-01 : f32
        %sub3A_1088 = vector.broadcast %sub3A_1087 : f32 to vector<16xf32>
        %sub3A_1089 = arith.subf %sub3A_1088, %max3A_1011 : vector<16xf32>
        %mul3A_1090 = arith.constant 1.000000e+01 : f32
        %mul3A_1091 = vector.broadcast %mul3A_1090 : f32 to vector<16xf32>
        %mul3A_1092 = arith.mulf %sub3A_1089, %mul3A_1091 : vector<16xf32>
        %jit3A_1093 = arith.constant 0.000000e+00 : f32
        %jit3A_1094 = arith.constant 1.000000e+00 : f32
        %max3A_1095 = vector.broadcast %jit3A_1093 : f32 to vector<16xf32>
        %max3A_1096 = arith.maximumf %max3A_1095, %mul3A_1092 : vector<16xf32>
        %min3A_1097 = vector.broadcast %jit3A_1094 : f32 to vector<16xf32>
        %min3A_1098 = arith.minimumf %min3A_1097, %max3A_1096 : vector<16xf32>
        %mul3A_1099 = arith.mulf %min3A_1098, %min3A_1098 : vector<16xf32>
        %mul3A_1100 = arith.constant 2.000000e+00 : f32
        %mul3A_1101 = vector.broadcast %mul3A_1100 : f32 to vector<16xf32>
        %mul3A_1102 = arith.mulf %mul3A_1101, %min3A_1098 : vector<16xf32>
        %sub3A_1103 = arith.constant 3.000000e+00 : f32
        %sub3A_1104 = vector.broadcast %sub3A_1103 : f32 to vector<16xf32>
        %sub3A_1105 = arith.subf %sub3A_1104, %mul3A_1102 : vector<16xf32>
        %mul3A_1106 = arith.mulf %mul3A_1099, %sub3A_1105 : vector<16xf32>
        %mul3A_1107 = arith.constant 1.000000e+00 : f32
        %mul3A_1108 = vector.broadcast %mul3A_1107 : f32 to vector<16xf32>
        %mul3A_1109 = arith.mulf %mul3A_1108, %mul3A_1086 : vector<16xf32>
        %mul3A_1110 = arith.mulf %mul3A_1109, %mul3A_1075 : vector<16xf32>
        %mul3A_1111 = arith.mulf %mul3A_1110, %mul3A_1106 : vector<16xf32>
        %add3A_1112 = arith.addf %mul3A_1082, %mul3A_1111 : vector<16xf32>
        %mul3A_1113 = arith.constant 2.500000e-01 : f32
        %mul3A_1114 = vector.broadcast %mul3A_1113 : f32 to vector<16xf32>
        %mul3A_1115 = arith.mulf %mul3A_1114, %add3A_1112 : vector<16xf32>
        %swap3A_1116 = arith.index_cast %rem3A_450 : i32 to index
        %swap3A_1117 = arith.index_cast %scan3A_668 : i32 to index
        %swap3A_1118 = arith.constant 48 : index
        %swap3A_1119 = tpu.vector_load %arg14[%swap3A_1116, %swap3A_1117, %swap3A_1118] {strides = array<i32>} : memref<3x8x128xf32, #tpu.memory_space<vmem>>, vector<16xf32>,
        tpu.vector_store %arg14[%swap3A_1116, %swap3A_1117, %swap3A_1118], %mul3A_1115 {strides = array<i32>} : memref<3x8x128xf32, #tpu.memory_space<vmem>>, vector<16xf32>,
        %get3A_1120 = arith.index_cast %rem3A_450 : i32 to index
        %get3A_1121 = arith.index_cast %scan3A_668 : i32 to index
        %get3A_1122 = arith.constant 64 : index
        %get3A_1123 = tpu.vector_load %arg11[%get3A_1120, %get3A_1121, %get3A_1122] {strides = array<i32>} : memref<3x8x128xf32, #tpu.memory_space<vmem>>, vector<16xf32>,
        %max3A_1124 = arith.constant 2.000000e-01 : f32
        %max3A_1125 = vector.broadcast %max3A_1124 : f32 to vector<16xf32>
        %max3A_1126 = arith.maximumf %get3A_1123, %max3A_1125 : vector<16xf32>
        %get3A_1127 = arith.index_cast %rem3A_450 : i32 to index
        %get3A_1128 = arith.index_cast %scan3A_668 : i32 to index
        %get3A_1129 = arith.constant 64 : index
        %get3A_1130 = tpu.vector_load %arg12[%get3A_1127, %get3A_1128, %get3A_1129] {strides = array<i32>} : memref<3x8x128xi32, #tpu.memory_space<vmem>>, vector<16xi32>,
        %get3A_1131 = arith.index_cast %rem3A_450 : i32 to index
        %get3A_1132 = arith.index_cast %scan3A_668 : i32 to index
        %get3A_1133 = arith.constant 64 : index
        %get3A_1134 = tpu.vector_load %arg13[%get3A_1131, %get3A_1132, %get3A_1133] {strides = array<i32>} : memref<3x8x128xi32, #tpu.memory_space<vmem>>, vector<16xi32>,
        %gather3A_1135 = tpu.vector_load_idx %arg9[%get3A_1130] : memref<100352xf32, #tpu.memory_space<vmem>>[vector<16xi32>], vector<16xf32>,
        %bitcast3A_1136 = vector.bitcast %gather3A_1135 : vector<16xf32> to vector<16xi32>
        %gather3A_1137 = tpu.vector_load_idx %arg9[%get3A_1134] : memref<100352xf32, #tpu.memory_space<vmem>>[vector<16xi32>], vector<16xf32>,
        %bitcast3A_1138 = vector.bitcast %gather3A_1137 : vector<16xf32> to vector<16xi32>
        %and3A_1139 = vector.broadcast %scan3A_55 : i32 to vector<16xi32>
        %and3A_1140 = arith.andi %bitcast3A_1136, %and3A_1139 : vector<16xi32>
        %bitcast3A_1141 = vector.bitcast %and3A_1140 : vector<16xi32> to vector<16xf32>
        %and3A_1142 = vector.broadcast %scan3A_55 : i32 to vector<16xi32>
        %and3A_1143 = arith.andi %bitcast3A_1138, %and3A_1142 : vector<16xi32>
        %bitcast3A_1144 = vector.bitcast %and3A_1143 : vector<16xi32> to vector<16xf32>
        %shift_left3A_1145 = arith.constant 16 : i32
        %shift_left3A_1146 = vector.broadcast %shift_left3A_1145 : i32 to vector<16xi32>
        %shift_left3A_1147 = arith.shli %bitcast3A_1136, %shift_left3A_1146 : vector<16xi32>
        %bitcast3A_1148 = vector.bitcast %shift_left3A_1147 : vector<16xi32> to vector<16xf32>
        %shift_left3A_1149 = arith.constant 16 : i32
        %shift_left3A_1150 = vector.broadcast %shift_left3A_1149 : i32 to vector<16xi32>
        %shift_left3A_1151 = arith.shli %bitcast3A_1138, %shift_left3A_1150 : vector<16xi32>
        %bitcast3A_1152 = vector.bitcast %shift_left3A_1151 : vector<16xi32> to vector<16xf32>
        %add3A_1153 = arith.addf %bitcast3A_1148, %bitcast3A_1152 : vector<16xf32>
        %mul3A_1154 = arith.mulf %max3A_1126, %add3A_1153 : vector<16xf32>
        %mul3A_1155 = arith.constant 68.3028411 : f32
        %mul3A_1156 = vector.broadcast %mul3A_1155 : f32 to vector<16xf32>
        %mul3A_1157 = arith.mulf %mul3A_1154, %mul3A_1156 : vector<16xf32>
        %min3A_1158 = arith.constant 5.100000e+02 : f32
        %min3A_1159 = vector.broadcast %min3A_1158 : f32 to vector<16xf32>
        %min3A_1160 = arith.minimumf %mul3A_1157, %min3A_1159 : vector<16xf32>
        %convert_element_type3A_1161 = arith.fptosi %min3A_1160 : vector<16xf32> to vector<16xi32>
        %convert_element_type3A_1162 = arith.sitofp %convert_element_type3A_1161 : vector<16xi32> to vector<16xf32>
        %sub3A_1163 = arith.subf %mul3A_1157, %convert_element_type3A_1162 : vector<16xf32>
        %min3A_1164 = arith.constant 1.000000e+00 : f32
        %min3A_1165 = vector.broadcast %min3A_1164 : f32 to vector<16xf32>
        %min3A_1166 = arith.minimumf %sub3A_1163, %min3A_1165 : vector<16xf32>
        %gather3A_1167 = tpu.vector_load_idx %arg10[%convert_element_type3A_1161] : memref<512xf32, #tpu.memory_space<vmem>>[vector<16xi32>], vector<16xf32>,
        %bitcast3A_1168 = vector.bitcast %gather3A_1167 : vector<16xf32> to vector<16xi32>
        %and3A_1169 = vector.broadcast %scan3A_55 : i32 to vector<16xi32>
        %and3A_1170 = arith.andi %bitcast3A_1168, %and3A_1169 : vector<16xi32>
        %bitcast3A_1171 = vector.bitcast %and3A_1170 : vector<16xi32> to vector<16xf32>
        %shift_left3A_1172 = arith.constant 16 : i32
        %shift_left3A_1173 = vector.broadcast %shift_left3A_1172 : i32 to vector<16xi32>
        %shift_left3A_1174 = arith.shli %bitcast3A_1168, %shift_left3A_1173 : vector<16xi32>
        %bitcast3A_1175 = vector.bitcast %shift_left3A_1174 : vector<16xi32> to vector<16xf32>
        %mul3A_1176 = arith.mulf %min3A_1166, %bitcast3A_1175 : vector<16xf32>
        %add3A_1177 = arith.addf %bitcast3A_1171, %mul3A_1176 : vector<16xf32>
        %div3A_1178 = arith.constant 1.000000e+00 : f32
        %div3A_1179 = vector.broadcast %div3A_1178 : f32 to vector<16xf32>
        %div3A_1180 = arith.divf %div3A_1179, %max3A_1126 : vector<16xf32>
        %mul3A_1181 = arith.mulf %max3A_1126, %div3A_11 : vector<16xf32>
        %min3A_1182 = arith.constant 1.000000e+00 : f32
        %min3A_1183 = vector.broadcast %min3A_1182 : f32 to vector<16xf32>
        %min3A_1184 = arith.minimumf %mul3A_1181, %min3A_1183 : vector<16xf32>
        %sub3A_1185 = arith.constant 1.000000e+00 : f32
        %sub3A_1186 = vector.broadcast %sub3A_1185 : f32 to vector<16xf32>
        %sub3A_1187 = arith.subf %sub3A_1186, %min3A_1184 : vector<16xf32>
        %mul3A_1188 = arith.mulf %sub3A_1187, %sub3A_1187 : vector<16xf32>
        %mul3A_1189 = arith.mulf %mul3A_1188, %mul3A_1188 : vector<16xf32>
        %mul3A_1190 = arith.mulf %mul3A_1189, %mul3A_1188 : vector<16xf32>
        %mul3A_1191 = arith.mulf %bitcast3A_1141, %bitcast3A_1144 : vector<16xf32>
        %mul3A_1192 = arith.constant 14.3996458 : f32
        %mul3A_1193 = vector.broadcast %mul3A_1192 : f32 to vector<16xf32>
        %mul3A_1194 = arith.mulf %mul3A_1193, %mul3A_1191 : vector<16xf32>
        %mul3A_1195 = arith.mulf %mul3A_1194, %add3A_1177 : vector<16xf32>
        %mul3A_1196 = arith.mulf %mul3A_1195, %div3A_1180 : vector<16xf32>
        %mul3A_1197 = arith.mulf %mul3A_1196, %mul3A_1190 : vector<16xf32>
        %mul3A_1198 = arith.mulf %div3A_1180, %div3A_1180 : vector<16xf32>
        %mul3A_1199 = arith.mulf %mul3A_1198, %mul3A_1198 : vector<16xf32>
        %mul3A_1200 = arith.mulf %mul3A_1199, %mul3A_1199 : vector<16xf32>
        %mul3A_1201 = arith.mulf %mul3A_1200, %mul3A_1199 : vector<16xf32>
        %sub3A_1202 = arith.constant 8.000000e-01 : f32
        %sub3A_1203 = vector.broadcast %sub3A_1202 : f32 to vector<16xf32>
        %sub3A_1204 = arith.subf %sub3A_1203, %max3A_1126 : vector<16xf32>
        %mul3A_1205 = arith.constant 1.000000e+01 : f32
        %mul3A_1206 = vector.broadcast %mul3A_1205 : f32 to vector<16xf32>
        %mul3A_1207 = arith.mulf %sub3A_1204, %mul3A_1206 : vector<16xf32>
        %jit3A_1208 = arith.constant 0.000000e+00 : f32
        %jit3A_1209 = arith.constant 1.000000e+00 : f32
        %max3A_1210 = vector.broadcast %jit3A_1208 : f32 to vector<16xf32>
        %max3A_1211 = arith.maximumf %max3A_1210, %mul3A_1207 : vector<16xf32>
        %min3A_1212 = vector.broadcast %jit3A_1209 : f32 to vector<16xf32>
        %min3A_1213 = arith.minimumf %min3A_1212, %max3A_1211 : vector<16xf32>
        %mul3A_1214 = arith.mulf %min3A_1213, %min3A_1213 : vector<16xf32>
        %mul3A_1215 = arith.constant 2.000000e+00 : f32
        %mul3A_1216 = vector.broadcast %mul3A_1215 : f32 to vector<16xf32>
        %mul3A_1217 = arith.mulf %mul3A_1216, %min3A_1213 : vector<16xf32>
        %sub3A_1218 = arith.constant 3.000000e+00 : f32
        %sub3A_1219 = vector.broadcast %sub3A_1218 : f32 to vector<16xf32>
        %sub3A_1220 = arith.subf %sub3A_1219, %mul3A_1217 : vector<16xf32>
        %mul3A_1221 = arith.mulf %mul3A_1214, %sub3A_1220 : vector<16xf32>
        %mul3A_1222 = arith.constant 1.000000e+00 : f32
        %mul3A_1223 = vector.broadcast %mul3A_1222 : f32 to vector<16xf32>
        %mul3A_1224 = arith.mulf %mul3A_1223, %mul3A_1201 : vector<16xf32>
        %mul3A_1225 = arith.mulf %mul3A_1224, %mul3A_1190 : vector<16xf32>
        %mul3A_1226 = arith.mulf %mul3A_1225, %mul3A_1221 : vector<16xf32>
        %add3A_1227 = arith.addf %mul3A_1197, %mul3A_1226 : vector<16xf32>
        %mul3A_1228 = arith.constant 2.500000e-01 : f32
        %mul3A_1229 = vector.broadcast %mul3A_1228 : f32 to vector<16xf32>
        %mul3A_1230 = arith.mulf %mul3A_1229, %add3A_1227 : vector<16xf32>
        %swap3A_1231 = arith.index_cast %rem3A_450 : i32 to index
        %swap3A_1232 = arith.index_cast %scan3A_668 : i32 to index
        %swap3A_1233 = arith.constant 64 : index
        %swap3A_1234 = tpu.vector_load %arg14[%swap3A_1231, %swap3A_1232, %swap3A_1233] {strides = array<i32>} : memref<3x8x128xf32, #tpu.memory_space<vmem>>, vector<16xf32>,
        tpu.vector_store %arg14[%swap3A_1231, %swap3A_1232, %swap3A_1233], %mul3A_1230 {strides = array<i32>} : memref<3x8x128xf32, #tpu.memory_space<vmem>>, vector<16xf32>,
        %get3A_1235 = arith.index_cast %rem3A_450 : i32 to index
        %get3A_1236 = arith.index_cast %scan3A_668 : i32 to index
        %get3A_1237 = arith.constant 80 : index
        %get3A_1238 = tpu.vector_load %arg11[%get3A_1235, %get3A_1236, %get3A_1237] {strides = array<i32>} : memref<3x8x128xf32, #tpu.memory_space<vmem>>, vector<16xf32>,
        %max3A_1239 = arith.constant 2.000000e-01 : f32
        %max3A_1240 = vector.broadcast %max3A_1239 : f32 to vector<16xf32>
        %max3A_1241 = arith.maximumf %get3A_1238, %max3A_1240 : vector<16xf32>
        %get3A_1242 = arith.index_cast %rem3A_450 : i32 to index
        %get3A_1243 = arith.index_cast %scan3A_668 : i32 to index
        %get3A_1244 = arith.constant 80 : index
        %get3A_1245 = tpu.vector_load %arg12[%get3A_1242, %get3A_1243, %get3A_1244] {strides = array<i32>} : memref<3x8x128xi32, #tpu.memory_space<vmem>>, vector<16xi32>,
        %get3A_1246 = arith.index_cast %rem3A_450 : i32 to index
        %get3A_1247 = arith.index_cast %scan3A_668 : i32 to index
        %get3A_1248 = arith.constant 80 : index
        %get3A_1249 = tpu.vector_load %arg13[%get3A_1246, %get3A_1247, %get3A_1248] {strides = array<i32>} : memref<3x8x128xi32, #tpu.memory_space<vmem>>, vector<16xi32>,
        %gather3A_1250 = tpu.vector_load_idx %arg9[%get3A_1245] : memref<100352xf32, #tpu.memory_space<vmem>>[vector<16xi32>], vector<16xf32>,
        %bitcast3A_1251 = vector.bitcast %gather3A_1250 : vector<16xf32> to vector<16xi32>
        %gather3A_1252 = tpu.vector_load_idx %arg9[%get3A_1249] : memref<100352xf32, #tpu.memory_space<vmem>>[vector<16xi32>], vector<16xf32>,
        %bitcast3A_1253 = vector.bitcast %gather3A_1252 : vector<16xf32> to vector<16xi32>
        %and3A_1254 = vector.broadcast %scan3A_55 : i32 to vector<16xi32>
        %and3A_1255 = arith.andi %bitcast3A_1251, %and3A_1254 : vector<16xi32>
        %bitcast3A_1256 = vector.bitcast %and3A_1255 : vector<16xi32> to vector<16xf32>
        %and3A_1257 = vector.broadcast %scan3A_55 : i32 to vector<16xi32>
        %and3A_1258 = arith.andi %bitcast3A_1253, %and3A_1257 : vector<16xi32>
        %bitcast3A_1259 = vector.bitcast %and3A_1258 : vector<16xi32> to vector<16xf32>
        %shift_left3A_1260 = arith.constant 16 : i32
        %shift_left3A_1261 = vector.broadcast %shift_left3A_1260 : i32 to vector<16xi32>
        %shift_left3A_1262 = arith.shli %bitcast3A_1251, %shift_left3A_1261 : vector<16xi32>
        %bitcast3A_1263 = vector.bitcast %shift_left3A_1262 : vector<16xi32> to vector<16xf32>
        %shift_left3A_1264 = arith.constant 16 : i32
        %shift_left3A_1265 = vector.broadcast %shift_left3A_1264 : i32 to vector<16xi32>
        %shift_left3A_1266 = arith.shli %bitcast3A_1253, %shift_left3A_1265 : vector<16xi32>
        %bitcast3A_1267 = vector.bitcast %shift_left3A_1266 : vector<16xi32> to vector<16xf32>
        %add3A_1268 = arith.addf %bitcast3A_1263, %bitcast3A_1267 : vector<16xf32>
        %mul3A_1269 = arith.mulf %max3A_1241, %add3A_1268 : vector<16xf32>
        %mul3A_1270 = arith.constant 68.3028411 : f32
        %mul3A_1271 = vector.broadcast %mul3A_1270 : f32 to vector<16xf32>
        %mul3A_1272 = arith.mulf %mul3A_1269, %mul3A_1271 : vector<16xf32>
        %min3A_1273 = arith.constant 5.100000e+02 : f32
        %min3A_1274 = vector.broadcast %min3A_1273 : f32 to vector<16xf32>
        %min3A_1275 = arith.minimumf %mul3A_1272, %min3A_1274 : vector<16xf32>
        %convert_element_type3A_1276 = arith.fptosi %min3A_1275 : vector<16xf32> to vector<16xi32>
        %convert_element_type3A_1277 = arith.sitofp %convert_element_type3A_1276 : vector<16xi32> to vector<16xf32>
        %sub3A_1278 = arith.subf %mul3A_1272, %convert_element_type3A_1277 : vector<16xf32>
        %min3A_1279 = arith.constant 1.000000e+00 : f32
        %min3A_1280 = vector.broadcast %min3A_1279 : f32 to vector<16xf32>
        %min3A_1281 = arith.minimumf %sub3A_1278, %min3A_1280 : vector<16xf32>
        %gather3A_1282 = tpu.vector_load_idx %arg10[%convert_element_type3A_1276] : memref<512xf32, #tpu.memory_space<vmem>>[vector<16xi32>], vector<16xf32>,
        %bitcast3A_1283 = vector.bitcast %gather3A_1282 : vector<16xf32> to vector<16xi32>
        %and3A_1284 = vector.broadcast %scan3A_55 : i32 to vector<16xi32>
        %and3A_1285 = arith.andi %bitcast3A_1283, %and3A_1284 : vector<16xi32>
        %bitcast3A_1286 = vector.bitcast %and3A_1285 : vector<16xi32> to vector<16xf32>
        %shift_left3A_1287 = arith.constant 16 : i32
        %shift_left3A_1288 = vector.broadcast %shift_left3A_1287 : i32 to vector<16xi32>
        %shift_left3A_1289 = arith.shli %bitcast3A_1283, %shift_left3A_1288 : vector<16xi32>
        %bitcast3A_1290 = vector.bitcast %shift_left3A_1289 : vector<16xi32> to vector<16xf32>
        %mul3A_1291 = arith.mulf %min3A_1281, %bitcast3A_1290 : vector<16xf32>
        %add3A_1292 = arith.addf %bitcast3A_1286, %mul3A_1291 : vector<16xf32>
        %div3A_1293 = arith.constant 1.000000e+00 : f32
        %div3A_1294 = vector.broadcast %div3A_1293 : f32 to vector<16xf32>
        %div3A_1295 = arith.divf %div3A_1294, %max3A_1241 : vector<16xf32>
        %mul3A_1296 = arith.mulf %max3A_1241, %div3A_11 : vector<16xf32>
        %min3A_1297 = arith.constant 1.000000e+00 : f32
        %min3A_1298 = vector.broadcast %min3A_1297 : f32 to vector<16xf32>
        %min3A_1299 = arith.minimumf %mul3A_1296, %min3A_1298 : vector<16xf32>
        %sub3A_1300 = arith.constant 1.000000e+00 : f32
        %sub3A_1301 = vector.broadcast %sub3A_1300 : f32 to vector<16xf32>
        %sub3A_1302 = arith.subf %sub3A_1301, %min3A_1299 : vector<16xf32>
        %mul3A_1303 = arith.mulf %sub3A_1302, %sub3A_1302 : vector<16xf32>
        %mul3A_1304 = arith.mulf %mul3A_1303, %mul3A_1303 : vector<16xf32>
        %mul3A_1305 = arith.mulf %mul3A_1304, %mul3A_1303 : vector<16xf32>
        %mul3A_1306 = arith.mulf %bitcast3A_1256, %bitcast3A_1259 : vector<16xf32>
        %mul3A_1307 = arith.constant 14.3996458 : f32
        %mul3A_1308 = vector.broadcast %mul3A_1307 : f32 to vector<16xf32>
        %mul3A_1309 = arith.mulf %mul3A_1308, %mul3A_1306 : vector<16xf32>
        %mul3A_1310 = arith.mulf %mul3A_1309, %add3A_1292 : vector<16xf32>
        %mul3A_1311 = arith.mulf %mul3A_1310, %div3A_1295 : vector<16xf32>
        %mul3A_1312 = arith.mulf %mul3A_1311, %mul3A_1305 : vector<16xf32>
        %mul3A_1313 = arith.mulf %div3A_1295, %div3A_1295 : vector<16xf32>
        %mul3A_1314 = arith.mulf %mul3A_1313, %mul3A_1313 : vector<16xf32>
        %mul3A_1315 = arith.mulf %mul3A_1314, %mul3A_1314 : vector<16xf32>
        %mul3A_1316 = arith.mulf %mul3A_1315, %mul3A_1314 : vector<16xf32>
        %sub3A_1317 = arith.constant 8.000000e-01 : f32
        %sub3A_1318 = vector.broadcast %sub3A_1317 : f32 to vector<16xf32>
        %sub3A_1319 = arith.subf %sub3A_1318, %max3A_1241 : vector<16xf32>
        %mul3A_1320 = arith.constant 1.000000e+01 : f32
        %mul3A_1321 = vector.broadcast %mul3A_1320 : f32 to vector<16xf32>
        %mul3A_1322 = arith.mulf %sub3A_1319, %mul3A_1321 : vector<16xf32>
        %jit3A_1323 = arith.constant 0.000000e+00 : f32
        %jit3A_1324 = arith.constant 1.000000e+00 : f32
        %max3A_1325 = vector.broadcast %jit3A_1323 : f32 to vector<16xf32>
        %max3A_1326 = arith.maximumf %max3A_1325, %mul3A_1322 : vector<16xf32>
        %min3A_1327 = vector.broadcast %jit3A_1324 : f32 to vector<16xf32>
        %min3A_1328 = arith.minimumf %min3A_1327, %max3A_1326 : vector<16xf32>
        %mul3A_1329 = arith.mulf %min3A_1328, %min3A_1328 : vector<16xf32>
        %mul3A_1330 = arith.constant 2.000000e+00 : f32
        %mul3A_1331 = vector.broadcast %mul3A_1330 : f32 to vector<16xf32>
        %mul3A_1332 = arith.mulf %mul3A_1331, %min3A_1328 : vector<16xf32>
        %sub3A_1333 = arith.constant 3.000000e+00 : f32
        %sub3A_1334 = vector.broadcast %sub3A_1333 : f32 to vector<16xf32>
        %sub3A_1335 = arith.subf %sub3A_1334, %mul3A_1332 : vector<16xf32>
        %mul3A_1336 = arith.mulf %mul3A_1329, %sub3A_1335 : vector<16xf32>
        %mul3A_1337 = arith.constant 1.000000e+00 : f32
        %mul3A_1338 = vector.broadcast %mul3A_1337 : f32 to vector<16xf32>
        %mul3A_1339 = arith.mulf %mul3A_1338, %mul3A_1316 : vector<16xf32>
        %mul3A_1340 = arith.mulf %mul3A_1339, %mul3A_1305 : vector<16xf32>
        %mul3A_1341 = arith.mulf %mul3A_1340, %mul3A_1336 : vector<16xf32>
        %add3A_1342 = arith.addf %mul3A_1312, %mul3A_1341 : vector<16xf32>
        %mul3A_1343 = arith.constant 2.500000e-01 : f32
        %mul3A_1344 = vector.broadcast %mul3A_1343 : f32 to vector<16xf32>
        %mul3A_1345 = arith.mulf %mul3A_1344, %add3A_1342 : vector<16xf32>
        %swap3A_1346 = arith.index_cast %rem3A_450 : i32 to index
        %swap3A_1347 = arith.index_cast %scan3A_668 : i32 to index
        %swap3A_1348 = arith.constant 80 : index
        %swap3A_1349 = tpu.vector_load %arg14[%swap3A_1346, %swap3A_1347, %swap3A_1348] {strides = array<i32>} : memref<3x8x128xf32, #tpu.memory_space<vmem>>, vector<16xf32>,
        tpu.vector_store %arg14[%swap3A_1346, %swap3A_1347, %swap3A_1348], %mul3A_1345 {strides = array<i32>} : memref<3x8x128xf32, #tpu.memory_space<vmem>>, vector<16xf32>,
        %get3A_1350 = arith.index_cast %rem3A_450 : i32 to index
        %get3A_1351 = arith.index_cast %scan3A_668 : i32 to index
        %get3A_1352 = arith.constant 96 : index
        %get3A_1353 = tpu.vector_load %arg11[%get3A_1350, %get3A_1351, %get3A_1352] {strides = array<i32>} : memref<3x8x128xf32, #tpu.memory_space<vmem>>, vector<16xf32>,
        %max3A_1354 = arith.constant 2.000000e-01 : f32
        %max3A_1355 = vector.broadcast %max3A_1354 : f32 to vector<16xf32>
        %max3A_1356 = arith.maximumf %get3A_1353, %max3A_1355 : vector<16xf32>
        %get3A_1357 = arith.index_cast %rem3A_450 : i32 to index
        %get3A_1358 = arith.index_cast %scan3A_668 : i32 to index
        %get3A_1359 = arith.constant 96 : index
        %get3A_1360 = tpu.vector_load %arg12[%get3A_1357, %get3A_1358, %get3A_1359] {strides = array<i32>} : memref<3x8x128xi32, #tpu.memory_space<vmem>>, vector<16xi32>,
        %get3A_1361 = arith.index_cast %rem3A_450 : i32 to index
        %get3A_1362 = arith.index_cast %scan3A_668 : i32 to index
        %get3A_1363 = arith.constant 96 : index
        %get3A_1364 = tpu.vector_load %arg13[%get3A_1361, %get3A_1362, %get3A_1363] {strides = array<i32>} : memref<3x8x128xi32, #tpu.memory_space<vmem>>, vector<16xi32>,
        %gather3A_1365 = tpu.vector_load_idx %arg9[%get3A_1360] : memref<100352xf32, #tpu.memory_space<vmem>>[vector<16xi32>], vector<16xf32>,
        %bitcast3A_1366 = vector.bitcast %gather3A_1365 : vector<16xf32> to vector<16xi32>
        %gather3A_1367 = tpu.vector_load_idx %arg9[%get3A_1364] : memref<100352xf32, #tpu.memory_space<vmem>>[vector<16xi32>], vector<16xf32>,
        %bitcast3A_1368 = vector.bitcast %gather3A_1367 : vector<16xf32> to vector<16xi32>
        %and3A_1369 = vector.broadcast %scan3A_55 : i32 to vector<16xi32>
        %and3A_1370 = arith.andi %bitcast3A_1366, %and3A_1369 : vector<16xi32>
        %bitcast3A_1371 = vector.bitcast %and3A_1370 : vector<16xi32> to vector<16xf32>
        %and3A_1372 = vector.broadcast %scan3A_55 : i32 to vector<16xi32>
        %and3A_1373 = arith.andi %bitcast3A_1368, %and3A_1372 : vector<16xi32>
        %bitcast3A_1374 = vector.bitcast %and3A_1373 : vector<16xi32> to vector<16xf32>
        %shift_left3A_1375 = arith.constant 16 : i32
        %shift_left3A_1376 = vector.broadcast %shift_left3A_1375 : i32 to vector<16xi32>
        %shift_left3A_1377 = arith.shli %bitcast3A_1366, %shift_left3A_1376 : vector<16xi32>
        %bitcast3A_1378 = vector.bitcast %shift_left3A_1377 : vector<16xi32> to vector<16xf32>
        %shift_left3A_1379 = arith.constant 16 : i32
        %shift_left3A_1380 = vector.broadcast %shift_left3A_1379 : i32 to vector<16xi32>
        %shift_left3A_1381 = arith.shli %bitcast3A_1368, %shift_left3A_1380 : vector<16xi32>
        %bitcast3A_1382 = vector.bitcast %shift_left3A_1381 : vector<16xi32> to vector<16xf32>
        %add3A_1383 = arith.addf %bitcast3A_1378, %bitcast3A_1382 : vector<16xf32>
        %mul3A_1384 = arith.mulf %max3A_1356, %add3A_1383 : vector<16xf32>
        %mul3A_1385 = arith.constant 68.3028411 : f32
        %mul3A_1386 = vector.broadcast %mul3A_1385 : f32 to vector<16xf32>
        %mul3A_1387 = arith.mulf %mul3A_1384, %mul3A_1386 : vector<16xf32>
        %min3A_1388 = arith.constant 5.100000e+02 : f32
        %min3A_1389 = vector.broadcast %min3A_1388 : f32 to vector<16xf32>
        %min3A_1390 = arith.minimumf %mul3A_1387, %min3A_1389 : vector<16xf32>
        %convert_element_type3A_1391 = arith.fptosi %min3A_1390 : vector<16xf32> to vector<16xi32>
        %convert_element_type3A_1392 = arith.sitofp %convert_element_type3A_1391 : vector<16xi32> to vector<16xf32>
        %sub3A_1393 = arith.subf %mul3A_1387, %convert_element_type3A_1392 : vector<16xf32>
        %min3A_1394 = arith.constant 1.000000e+00 : f32
        %min3A_1395 = vector.broadcast %min3A_1394 : f32 to vector<16xf32>
        %min3A_1396 = arith.minimumf %sub3A_1393, %min3A_1395 : vector<16xf32>
        %gather3A_1397 = tpu.vector_load_idx %arg10[%convert_element_type3A_1391] : memref<512xf32, #tpu.memory_space<vmem>>[vector<16xi32>], vector<16xf32>,
        %bitcast3A_1398 = vector.bitcast %gather3A_1397 : vector<16xf32> to vector<16xi32>
        %and3A_1399 = vector.broadcast %scan3A_55 : i32 to vector<16xi32>
        %and3A_1400 = arith.andi %bitcast3A_1398, %and3A_1399 : vector<16xi32>
        %bitcast3A_1401 = vector.bitcast %and3A_1400 : vector<16xi32> to vector<16xf32>
        %shift_left3A_1402 = arith.constant 16 : i32
        %shift_left3A_1403 = vector.broadcast %shift_left3A_1402 : i32 to vector<16xi32>
        %shift_left3A_1404 = arith.shli %bitcast3A_1398, %shift_left3A_1403 : vector<16xi32>
        %bitcast3A_1405 = vector.bitcast %shift_left3A_1404 : vector<16xi32> to vector<16xf32>
        %mul3A_1406 = arith.mulf %min3A_1396, %bitcast3A_1405 : vector<16xf32>
        %add3A_1407 = arith.addf %bitcast3A_1401, %mul3A_1406 : vector<16xf32>
        %div3A_1408 = arith.constant 1.000000e+00 : f32
        %div3A_1409 = vector.broadcast %div3A_1408 : f32 to vector<16xf32>
        %div3A_1410 = arith.divf %div3A_1409, %max3A_1356 : vector<16xf32>
        %mul3A_1411 = arith.mulf %max3A_1356, %div3A_11 : vector<16xf32>
        %min3A_1412 = arith.constant 1.000000e+00 : f32
        %min3A_1413 = vector.broadcast %min3A_1412 : f32 to vector<16xf32>
        %min3A_1414 = arith.minimumf %mul3A_1411, %min3A_1413 : vector<16xf32>
        %sub3A_1415 = arith.constant 1.000000e+00 : f32
        %sub3A_1416 = vector.broadcast %sub3A_1415 : f32 to vector<16xf32>
        %sub3A_1417 = arith.subf %sub3A_1416, %min3A_1414 : vector<16xf32>
        %mul3A_1418 = arith.mulf %sub3A_1417, %sub3A_1417 : vector<16xf32>
        %mul3A_1419 = arith.mulf %mul3A_1418, %mul3A_1418 : vector<16xf32>
        %mul3A_1420 = arith.mulf %mul3A_1419, %mul3A_1418 : vector<16xf32>
        %mul3A_1421 = arith.mulf %bitcast3A_1371, %bitcast3A_1374 : vector<16xf32>
        %mul3A_1422 = arith.constant 14.3996458 : f32
        %mul3A_1423 = vector.broadcast %mul3A_1422 : f32 to vector<16xf32>
        %mul3A_1424 = arith.mulf %mul3A_1423, %mul3A_1421 : vector<16xf32>
        %mul3A_1425 = arith.mulf %mul3A_1424, %add3A_1407 : vector<16xf32>
        %mul3A_1426 = arith.mulf %mul3A_1425, %div3A_1410 : vector<16xf32>
        %mul3A_1427 = arith.mulf %mul3A_1426, %mul3A_1420 : vector<16xf32>
        %mul3A_1428 = arith.mulf %div3A_1410, %div3A_1410 : vector<16xf32>
        %mul3A_1429 = arith.mulf %mul3A_1428, %mul3A_1428 : vector<16xf32>
        %mul3A_1430 = arith.mulf %mul3A_1429, %mul3A_1429 : vector<16xf32>
        %mul3A_1431 = arith.mulf %mul3A_1430, %mul3A_1429 : vector<16xf32>
        %sub3A_1432 = arith.constant 8.000000e-01 : f32
        %sub3A_1433 = vector.broadcast %sub3A_1432 : f32 to vector<16xf32>
        %sub3A_1434 = arith.subf %sub3A_1433, %max3A_1356 : vector<16xf32>
        %mul3A_1435 = arith.constant 1.000000e+01 : f32
        %mul3A_1436 = vector.broadcast %mul3A_1435 : f32 to vector<16xf32>
        %mul3A_1437 = arith.mulf %sub3A_1434, %mul3A_1436 : vector<16xf32>
        %jit3A_1438 = arith.constant 0.000000e+00 : f32
        %jit3A_1439 = arith.constant 1.000000e+00 : f32
        %max3A_1440 = vector.broadcast %jit3A_1438 : f32 to vector<16xf32>
        %max3A_1441 = arith.maximumf %max3A_1440, %mul3A_1437 : vector<16xf32>
        %min3A_1442 = vector.broadcast %jit3A_1439 : f32 to vector<16xf32>
        %min3A_1443 = arith.minimumf %min3A_1442, %max3A_1441 : vector<16xf32>
        %mul3A_1444 = arith.mulf %min3A_1443, %min3A_1443 : vector<16xf32>
        %mul3A_1445 = arith.constant 2.000000e+00 : f32
        %mul3A_1446 = vector.broadcast %mul3A_1445 : f32 to vector<16xf32>
        %mul3A_1447 = arith.mulf %mul3A_1446, %min3A_1443 : vector<16xf32>
        %sub3A_1448 = arith.constant 3.000000e+00 : f32
        %sub3A_1449 = vector.broadcast %sub3A_1448 : f32 to vector<16xf32>
        %sub3A_1450 = arith.subf %sub3A_1449, %mul3A_1447 : vector<16xf32>
        %mul3A_1451 = arith.mulf %mul3A_1444, %sub3A_1450 : vector<16xf32>
        %mul3A_1452 = arith.constant 1.000000e+00 : f32
        %mul3A_1453 = vector.broadcast %mul3A_1452 : f32 to vector<16xf32>
        %mul3A_1454 = arith.mulf %mul3A_1453, %mul3A_1431 : vector<16xf32>
        %mul3A_1455 = arith.mulf %mul3A_1454, %mul3A_1420 : vector<16xf32>
        %mul3A_1456 = arith.mulf %mul3A_1455, %mul3A_1451 : vector<16xf32>
        %add3A_1457 = arith.addf %mul3A_1427, %mul3A_1456 : vector<16xf32>
        %mul3A_1458 = arith.constant 2.500000e-01 : f32
        %mul3A_1459 = vector.broadcast %mul3A_1458 : f32 to vector<16xf32>
        %mul3A_1460 = arith.mulf %mul3A_1459, %add3A_1457 : vector<16xf32>
        %swap3A_1461 = arith.index_cast %rem3A_450 : i32 to index
        %swap3A_1462 = arith.index_cast %scan3A_668 : i32 to index
        %swap3A_1463 = arith.constant 96 : index
        %swap3A_1464 = tpu.vector_load %arg14[%swap3A_1461, %swap3A_1462, %swap3A_1463] {strides = array<i32>} : memref<3x8x128xf32, #tpu.memory_space<vmem>>, vector<16xf32>,
        tpu.vector_store %arg14[%swap3A_1461, %swap3A_1462, %swap3A_1463], %mul3A_1460 {strides = array<i32>} : memref<3x8x128xf32, #tpu.memory_space<vmem>>, vector<16xf32>,
        %get3A_1465 = arith.index_cast %rem3A_450 : i32 to index
        %get3A_1466 = arith.index_cast %scan3A_668 : i32 to index
        %get3A_1467 = arith.constant 112 : index
        %get3A_1468 = tpu.vector_load %arg11[%get3A_1465, %get3A_1466, %get3A_1467] {strides = array<i32>} : memref<3x8x128xf32, #tpu.memory_space<vmem>>, vector<16xf32>,
        %max3A_1469 = arith.constant 2.000000e-01 : f32
        %max3A_1470 = vector.broadcast %max3A_1469 : f32 to vector<16xf32>
        %max3A_1471 = arith.maximumf %get3A_1468, %max3A_1470 : vector<16xf32>
        %get3A_1472 = arith.index_cast %rem3A_450 : i32 to index
        %get3A_1473 = arith.index_cast %scan3A_668 : i32 to index
        %get3A_1474 = arith.constant 112 : index
        %get3A_1475 = tpu.vector_load %arg12[%get3A_1472, %get3A_1473, %get3A_1474] {strides = array<i32>} : memref<3x8x128xi32, #tpu.memory_space<vmem>>, vector<16xi32>,
        %get3A_1476 = arith.index_cast %rem3A_450 : i32 to index
        %get3A_1477 = arith.index_cast %scan3A_668 : i32 to index
        %get3A_1478 = arith.constant 112 : index
        %get3A_1479 = tpu.vector_load %arg13[%get3A_1476, %get3A_1477, %get3A_1478] {strides = array<i32>} : memref<3x8x128xi32, #tpu.memory_space<vmem>>, vector<16xi32>,
        %gather3A_1480 = tpu.vector_load_idx %arg9[%get3A_1475] : memref<100352xf32, #tpu.memory_space<vmem>>[vector<16xi32>], vector<16xf32>,
        %bitcast3A_1481 = vector.bitcast %gather3A_1480 : vector<16xf32> to vector<16xi32>
        %gather3A_1482 = tpu.vector_load_idx %arg9[%get3A_1479] : memref<100352xf32, #tpu.memory_space<vmem>>[vector<16xi32>], vector<16xf32>,
        %bitcast3A_1483 = vector.bitcast %gather3A_1482 : vector<16xf32> to vector<16xi32>
        %and3A_1484 = vector.broadcast %scan3A_55 : i32 to vector<16xi32>
        %and3A_1485 = arith.andi %bitcast3A_1481, %and3A_1484 : vector<16xi32>
        %bitcast3A_1486 = vector.bitcast %and3A_1485 : vector<16xi32> to vector<16xf32>
        %and3A_1487 = vector.broadcast %scan3A_55 : i32 to vector<16xi32>
        %and3A_1488 = arith.andi %bitcast3A_1483, %and3A_1487 : vector<16xi32>
        %bitcast3A_1489 = vector.bitcast %and3A_1488 : vector<16xi32> to vector<16xf32>
        %shift_left3A_1490 = arith.constant 16 : i32
        %shift_left3A_1491 = vector.broadcast %shift_left3A_1490 : i32 to vector<16xi32>
        %shift_left3A_1492 = arith.shli %bitcast3A_1481, %shift_left3A_1491 : vector<16xi32>
        %bitcast3A_1493 = vector.bitcast %shift_left3A_1492 : vector<16xi32> to vector<16xf32>
        %shift_left3A_1494 = arith.constant 16 : i32
        %shift_left3A_1495 = vector.broadcast %shift_left3A_1494 : i32 to vector<16xi32>
        %shift_left3A_1496 = arith.shli %bitcast3A_1483, %shift_left3A_1495 : vector<16xi32>
        %bitcast3A_1497 = vector.bitcast %shift_left3A_1496 : vector<16xi32> to vector<16xf32>
        %add3A_1498 = arith.addf %bitcast3A_1493, %bitcast3A_1497 : vector<16xf32>
        %mul3A_1499 = arith.mulf %max3A_1471, %add3A_1498 : vector<16xf32>
        %mul3A_1500 = arith.constant 68.3028411 : f32
        %mul3A_1501 = vector.broadcast %mul3A_1500 : f32 to vector<16xf32>
        %mul3A_1502 = arith.mulf %mul3A_1499, %mul3A_1501 : vector<16xf32>
        %min3A_1503 = arith.constant 5.100000e+02 : f32
        %min3A_1504 = vector.broadcast %min3A_1503 : f32 to vector<16xf32>
        %min3A_1505 = arith.minimumf %mul3A_1502, %min3A_1504 : vector<16xf32>
        %convert_element_type3A_1506 = arith.fptosi %min3A_1505 : vector<16xf32> to vector<16xi32>
        %convert_element_type3A_1507 = arith.sitofp %convert_element_type3A_1506 : vector<16xi32> to vector<16xf32>
        %sub3A_1508 = arith.subf %mul3A_1502, %convert_element_type3A_1507 : vector<16xf32>
        %min3A_1509 = arith.constant 1.000000e+00 : f32
        %min3A_1510 = vector.broadcast %min3A_1509 : f32 to vector<16xf32>
        %min3A_1511 = arith.minimumf %sub3A_1508, %min3A_1510 : vector<16xf32>
        %gather3A_1512 = tpu.vector_load_idx %arg10[%convert_element_type3A_1506] : memref<512xf32, #tpu.memory_space<vmem>>[vector<16xi32>], vector<16xf32>,
        %bitcast3A_1513 = vector.bitcast %gather3A_1512 : vector<16xf32> to vector<16xi32>
        %and3A_1514 = vector.broadcast %scan3A_55 : i32 to vector<16xi32>
        %and3A_1515 = arith.andi %bitcast3A_1513, %and3A_1514 : vector<16xi32>
        %bitcast3A_1516 = vector.bitcast %and3A_1515 : vector<16xi32> to vector<16xf32>
        %shift_left3A_1517 = arith.constant 16 : i32
        %shift_left3A_1518 = vector.broadcast %shift_left3A_1517 : i32 to vector<16xi32>
        %shift_left3A_1519 = arith.shli %bitcast3A_1513, %shift_left3A_1518 : vector<16xi32>
        %bitcast3A_1520 = vector.bitcast %shift_left3A_1519 : vector<16xi32> to vector<16xf32>
        %mul3A_1521 = arith.mulf %min3A_1511, %bitcast3A_1520 : vector<16xf32>
        %add3A_1522 = arith.addf %bitcast3A_1516, %mul3A_1521 : vector<16xf32>
        %div3A_1523 = arith.constant 1.000000e+00 : f32
        %div3A_1524 = vector.broadcast %div3A_1523 : f32 to vector<16xf32>
        %div3A_1525 = arith.divf %div3A_1524, %max3A_1471 : vector<16xf32>
        %mul3A_1526 = arith.mulf %max3A_1471, %div3A_11 : vector<16xf32>
        %min3A_1527 = arith.constant 1.000000e+00 : f32
        %min3A_1528 = vector.broadcast %min3A_1527 : f32 to vector<16xf32>
        %min3A_1529 = arith.minimumf %mul3A_1526, %min3A_1528 : vector<16xf32>
        %sub3A_1530 = arith.constant 1.000000e+00 : f32
        %sub3A_1531 = vector.broadcast %sub3A_1530 : f32 to vector<16xf32>
        %sub3A_1532 = arith.subf %sub3A_1531, %min3A_1529 : vector<16xf32>
        %mul3A_1533 = arith.mulf %sub3A_1532, %sub3A_1532 : vector<16xf32>
        %mul3A_1534 = arith.mulf %mul3A_1533, %mul3A_1533 : vector<16xf32>
        %mul3A_1535 = arith.mulf %mul3A_1534, %mul3A_1533 : vector<16xf32>
        %mul3A_1536 = arith.mulf %bitcast3A_1486, %bitcast3A_1489 : vector<16xf32>
        %mul3A_1537 = arith.constant 14.3996458 : f32
        %mul3A_1538 = vector.broadcast %mul3A_1537 : f32 to vector<16xf32>
        %mul3A_1539 = arith.mulf %mul3A_1538, %mul3A_1536 : vector<16xf32>
        %mul3A_1540 = arith.mulf %mul3A_1539, %add3A_1522 : vector<16xf32>
        %mul3A_1541 = arith.mulf %mul3A_1540, %div3A_1525 : vector<16xf32>
        %mul3A_1542 = arith.mulf %mul3A_1541, %mul3A_1535 : vector<16xf32>
        %mul3A_1543 = arith.mulf %div3A_1525, %div3A_1525 : vector<16xf32>
        %mul3A_1544 = arith.mulf %mul3A_1543, %mul3A_1543 : vector<16xf32>
        %mul3A_1545 = arith.mulf %mul3A_1544, %mul3A_1544 : vector<16xf32>
        %mul3A_1546 = arith.mulf %mul3A_1545, %mul3A_1544 : vector<16xf32>
        %sub3A_1547 = arith.constant 8.000000e-01 : f32
        %sub3A_1548 = vector.broadcast %sub3A_1547 : f32 to vector<16xf32>
        %sub3A_1549 = arith.subf %sub3A_1548, %max3A_1471 : vector<16xf32>
        %mul3A_1550 = arith.constant 1.000000e+01 : f32
        %mul3A_1551 = vector.broadcast %mul3A_1550 : f32 to vector<16xf32>
        %mul3A_1552 = arith.mulf %sub3A_1549, %mul3A_1551 : vector<16xf32>
        %jit3A_1553 = arith.constant 0.000000e+00 : f32
        %jit3A_1554 = arith.constant 1.000000e+00 : f32
        %max3A_1555 = vector.broadcast %jit3A_1553 : f32 to vector<16xf32>
        %max3A_1556 = arith.maximumf %max3A_1555, %mul3A_1552 : vector<16xf32>
        %min3A_1557 = vector.broadcast %jit3A_1554 : f32 to vector<16xf32>
        %min3A_1558 = arith.minimumf %min3A_1557, %max3A_1556 : vector<16xf32>
        %mul3A_1559 = arith.mulf %min3A_1558, %min3A_1558 : vector<16xf32>
        %mul3A_1560 = arith.constant 2.000000e+00 : f32
        %mul3A_1561 = vector.broadcast %mul3A_1560 : f32 to vector<16xf32>
        %mul3A_1562 = arith.mulf %mul3A_1561, %min3A_1558 : vector<16xf32>
        %sub3A_1563 = arith.constant 3.000000e+00 : f32
        %sub3A_1564 = vector.broadcast %sub3A_1563 : f32 to vector<16xf32>
        %sub3A_1565 = arith.subf %sub3A_1564, %mul3A_1562 : vector<16xf32>
        %mul3A_1566 = arith.mulf %mul3A_1559, %sub3A_1565 : vector<16xf32>
        %mul3A_1567 = arith.constant 1.000000e+00 : f32
        %mul3A_1568 = vector.broadcast %mul3A_1567 : f32 to vector<16xf32>
        %mul3A_1569 = arith.mulf %mul3A_1568, %mul3A_1546 : vector<16xf32>
        %mul3A_1570 = arith.mulf %mul3A_1569, %mul3A_1535 : vector<16xf32>
        %mul3A_1571 = arith.mulf %mul3A_1570, %mul3A_1566 : vector<16xf32>
        %add3A_1572 = arith.addf %mul3A_1542, %mul3A_1571 : vector<16xf32>
        %mul3A_1573 = arith.constant 2.500000e-01 : f32
        %mul3A_1574 = vector.broadcast %mul3A_1573 : f32 to vector<16xf32>
        %mul3A_1575 = arith.mulf %mul3A_1574, %add3A_1572 : vector<16xf32>
        %swap3A_1576 = arith.index_cast %rem3A_450 : i32 to index
        %swap3A_1577 = arith.index_cast %scan3A_668 : i32 to index
        %swap3A_1578 = arith.constant 112 : index
        %swap3A_1579 = tpu.vector_load %arg14[%swap3A_1576, %swap3A_1577, %swap3A_1578] {strides = array<i32>} : memref<3x8x128xf32, #tpu.memory_space<vmem>>, vector<16xf32>,
        tpu.vector_store %arg14[%swap3A_1576, %swap3A_1577, %swap3A_1578], %mul3A_1575 {strides = array<i32>} : memref<3x8x128xf32, #tpu.memory_space<vmem>>, vector<16xf32>,
      }
      %scan3A_507 = arith.constant 8 : i32
      %dma_start3A_508 = arith.constant 0 : i32
      %dma_start3A_509 = arith.constant 0 : i32
      %dma_start3A_510 = arith.constant 0 : i32
      %dma_start3A_511 = tpu.memref_slice %arg14[%rem3A_450, %dma_start3A_508, %dma_start3A_510] : memref<3x8x128xf32, #tpu.memory_space<vmem>> -> memref<1x1x128xf32, #tpu.memory_space<vmem>>
      %dma_start3A_512 = tpu.memref_squeeze %dma_start3A_511 : memref<1x1x128xf32, #tpu.memory_space<vmem>> -> memref<128xf32, #tpu.memory_space<vmem>>
      %dma_start3A_513 = arith.constant 0 : i32
      %dma_start3A_514 = tpu.memref_slice %arg12[%rem3A_450, %dma_start3A_509, %dma_start3A_513] : memref<3x8x128xi32, #tpu.memory_space<vmem>> -> memref<1x1x128xi32, #tpu.memory_space<vmem>>
      %dma_start3A_515 = tpu.memref_squeeze %dma_start3A_514 : memref<1x1x128xi32, #tpu.memory_space<vmem>> -> memref<128xi32, #tpu.memory_space<vmem>>
      %dma_start3A_516 = arith.constant 0 : i32
      %dma_start3A_517 = tpu.memref_slice %arg16[%dma_start3A_516] : memref<100352xf32, #tpu.memory_space<vmem_shared>> -> memref<100352xf32, #tpu.memory_space<vmem_shared>>
      tpu.enqueue_indirect_dma source(%dma_start3A_512 : memref<128xf32, #tpu.memory_space<vmem>>) target(%dma_start3A_517 : memref<100352xf32, #tpu.memory_space<vmem_shared>>) offsets(%dma_start3A_515 : memref<128xi32, #tpu.memory_space<vmem>>) semaphore(%arg18 : memref<!tpu.dma_semaphore, #tpu.memory_space<semaphore_mem>>) {add = true}
      %dma_start3A_518 = arith.constant 0 : i32
      %dma_start3A_519 = arith.constant 0 : i32
      %dma_start3A_520 = arith.constant 0 : i32
      %dma_start3A_521 = tpu.memref_slice %arg14[%rem3A_450, %dma_start3A_518, %dma_start3A_520] : memref<3x8x128xf32, #tpu.memory_space<vmem>> -> memref<1x1x128xf32, #tpu.memory_space<vmem>>
      %dma_start3A_522 = tpu.memref_squeeze %dma_start3A_521 : memref<1x1x128xf32, #tpu.memory_space<vmem>> -> memref<128xf32, #tpu.memory_space<vmem>>
      %dma_start3A_523 = arith.constant 0 : i32
      %dma_start3A_524 = tpu.memref_slice %arg13[%rem3A_450, %dma_start3A_519, %dma_start3A_523] : memref<3x8x128xi32, #tpu.memory_space<vmem>> -> memref<1x1x128xi32, #tpu.memory_space<vmem>>
      %dma_start3A_525 = tpu.memref_squeeze %dma_start3A_524 : memref<1x1x128xi32, #tpu.memory_space<vmem>> -> memref<128xi32, #tpu.memory_space<vmem>>
      %dma_start3A_526 = arith.constant 0 : i32
      %dma_start3A_527 = tpu.memref_slice %arg16[%dma_start3A_526] : memref<100352xf32, #tpu.memory_space<vmem_shared>> -> memref<100352xf32, #tpu.memory_space<vmem_shared>>
      tpu.enqueue_indirect_dma source(%dma_start3A_522 : memref<128xf32, #tpu.memory_space<vmem>>) target(%dma_start3A_527 : memref<100352xf32, #tpu.memory_space<vmem_shared>>) offsets(%dma_start3A_525 : memref<128xi32, #tpu.memory_space<vmem>>) semaphore(%arg18 : memref<!tpu.dma_semaphore, #tpu.memory_space<semaphore_mem>>) {add = true}
      %dma_start3A_528 = arith.constant 1 : i32
      %dma_start3A_529 = arith.constant 1 : i32
      %dma_start3A_530 = arith.constant 0 : i32
      %dma_start3A_531 = tpu.memref_slice %arg14[%rem3A_450, %dma_start3A_528, %dma_start3A_530] : memref<3x8x128xf32, #tpu.memory_space<vmem>> -> memref<1x1x128xf32, #tpu.memory_space<vmem>>
      %dma_start3A_532 = tpu.memref_squeeze %dma_start3A_531 : memref<1x1x128xf32, #tpu.memory_space<vmem>> -> memref<128xf32, #tpu.memory_space<vmem>>
      %dma_start3A_533 = arith.constant 0 : i32
      %dma_start3A_534 = tpu.memref_slice %arg12[%rem3A_450, %dma_start3A_529, %dma_start3A_533] : memref<3x8x128xi32, #tpu.memory_space<vmem>> -> memref<1x1x128xi32, #tpu.memory_space<vmem>>
      %dma_start3A_535 = tpu.memref_squeeze %dma_start3A_534 : memref<1x1x128xi32, #tpu.memory_space<vmem>> -> memref<128xi32, #tpu.memory_space<vmem>>
      %dma_start3A_536 = arith.constant 0 : i32
      %dma_start3A_537 = tpu.memref_slice %arg16[%dma_start3A_536] : memref<100352xf32, #tpu.memory_space<vmem_shared>> -> memref<100352xf32, #tpu.memory_space<vmem_shared>>
      tpu.enqueue_indirect_dma source(%dma_start3A_532 : memref<128xf32, #tpu.memory_space<vmem>>) target(%dma_start3A_537 : memref<100352xf32, #tpu.memory_space<vmem_shared>>) offsets(%dma_start3A_535 : memref<128xi32, #tpu.memory_space<vmem>>) semaphore(%arg18 : memref<!tpu.dma_semaphore, #tpu.memory_space<semaphore_mem>>) {add = true}
      %dma_start3A_538 = arith.constant 1 : i32
      %dma_start3A_539 = arith.constant 1 : i32
      %dma_start3A_540 = arith.constant 0 : i32
      %dma_start3A_541 = tpu.memref_slice %arg14[%rem3A_450, %dma_start3A_538, %dma_start3A_540] : memref<3x8x128xf32, #tpu.memory_space<vmem>> -> memref<1x1x128xf32, #tpu.memory_space<vmem>>
      %dma_start3A_542 = tpu.memref_squeeze %dma_start3A_541 : memref<1x1x128xf32, #tpu.memory_space<vmem>> -> memref<128xf32, #tpu.memory_space<vmem>>
      %dma_start3A_543 = arith.constant 0 : i32
      %dma_start3A_544 = tpu.memref_slice %arg13[%rem3A_450, %dma_start3A_539, %dma_start3A_543] : memref<3x8x128xi32, #tpu.memory_space<vmem>> -> memref<1x1x128xi32, #tpu.memory_space<vmem>>
      %dma_start3A_545 = tpu.memref_squeeze %dma_start3A_544 : memref<1x1x128xi32, #tpu.memory_space<vmem>> -> memref<128xi32, #tpu.memory_space<vmem>>
      %dma_start3A_546 = arith.constant 0 : i32
      %dma_start3A_547 = tpu.memref_slice %arg16[%dma_start3A_546] : memref<100352xf32, #tpu.memory_space<vmem_shared>> -> memref<100352xf32, #tpu.memory_space<vmem_shared>>
      tpu.enqueue_indirect_dma source(%dma_start3A_542 : memref<128xf32, #tpu.memory_space<vmem>>) target(%dma_start3A_547 : memref<100352xf32, #tpu.memory_space<vmem_shared>>) offsets(%dma_start3A_545 : memref<128xi32, #tpu.memory_space<vmem>>) semaphore(%arg18 : memref<!tpu.dma_semaphore, #tpu.memory_space<semaphore_mem>>) {add = true}
      %dma_start3A_548 = arith.constant 2 : i32
      %dma_start3A_549 = arith.constant 2 : i32
      %dma_start3A_550 = arith.constant 0 : i32
      %dma_start3A_551 = tpu.memref_slice %arg14[%rem3A_450, %dma_start3A_548, %dma_start3A_550] : memref<3x8x128xf32, #tpu.memory_space<vmem>> -> memref<1x1x128xf32, #tpu.memory_space<vmem>>
      %dma_start3A_552 = tpu.memref_squeeze %dma_start3A_551 : memref<1x1x128xf32, #tpu.memory_space<vmem>> -> memref<128xf32, #tpu.memory_space<vmem>>
      %dma_start3A_553 = arith.constant 0 : i32
      %dma_start3A_554 = tpu.memref_slice %arg12[%rem3A_450, %dma_start3A_549, %dma_start3A_553] : memref<3x8x128xi32, #tpu.memory_space<vmem>> -> memref<1x1x128xi32, #tpu.memory_space<vmem>>
      %dma_start3A_555 = tpu.memref_squeeze %dma_start3A_554 : memref<1x1x128xi32, #tpu.memory_space<vmem>> -> memref<128xi32, #tpu.memory_space<vmem>>
      %dma_start3A_556 = arith.constant 0 : i32
      %dma_start3A_557 = tpu.memref_slice %arg16[%dma_start3A_556] : memref<100352xf32, #tpu.memory_space<vmem_shared>> -> memref<100352xf32, #tpu.memory_space<vmem_shared>>
      tpu.enqueue_indirect_dma source(%dma_start3A_552 : memref<128xf32, #tpu.memory_space<vmem>>) target(%dma_start3A_557 : memref<100352xf32, #tpu.memory_space<vmem_shared>>) offsets(%dma_start3A_555 : memref<128xi32, #tpu.memory_space<vmem>>) semaphore(%arg18 : memref<!tpu.dma_semaphore, #tpu.memory_space<semaphore_mem>>) {add = true}
      %dma_start3A_558 = arith.constant 2 : i32
      %dma_start3A_559 = arith.constant 2 : i32
      %dma_start3A_560 = arith.constant 0 : i32
      %dma_start3A_561 = tpu.memref_slice %arg14[%rem3A_450, %dma_start3A_558, %dma_start3A_560] : memref<3x8x128xf32, #tpu.memory_space<vmem>> -> memref<1x1x128xf32, #tpu.memory_space<vmem>>
      %dma_start3A_562 = tpu.memref_squeeze %dma_start3A_561 : memref<1x1x128xf32, #tpu.memory_space<vmem>> -> memref<128xf32, #tpu.memory_space<vmem>>
      %dma_start3A_563 = arith.constant 0 : i32
      %dma_start3A_564 = tpu.memref_slice %arg13[%rem3A_450, %dma_start3A_559, %dma_start3A_563] : memref<3x8x128xi32, #tpu.memory_space<vmem>> -> memref<1x1x128xi32, #tpu.memory_space<vmem>>
      %dma_start3A_565 = tpu.memref_squeeze %dma_start3A_564 : memref<1x1x128xi32, #tpu.memory_space<vmem>> -> memref<128xi32, #tpu.memory_space<vmem>>
      %dma_start3A_566 = arith.constant 0 : i32
      %dma_start3A_567 = tpu.memref_slice %arg16[%dma_start3A_566] : memref<100352xf32, #tpu.memory_space<vmem_shared>> -> memref<100352xf32, #tpu.memory_space<vmem_shared>>
      tpu.enqueue_indirect_dma source(%dma_start3A_562 : memref<128xf32, #tpu.memory_space<vmem>>) target(%dma_start3A_567 : memref<100352xf32, #tpu.memory_space<vmem_shared>>) offsets(%dma_start3A_565 : memref<128xi32, #tpu.memory_space<vmem>>) semaphore(%arg18 : memref<!tpu.dma_semaphore, #tpu.memory_space<semaphore_mem>>) {add = true}
      %dma_start3A_568 = arith.constant 3 : i32
      %dma_start3A_569 = arith.constant 3 : i32
      %dma_start3A_570 = arith.constant 0 : i32
      %dma_start3A_571 = tpu.memref_slice %arg14[%rem3A_450, %dma_start3A_568, %dma_start3A_570] : memref<3x8x128xf32, #tpu.memory_space<vmem>> -> memref<1x1x128xf32, #tpu.memory_space<vmem>>
      %dma_start3A_572 = tpu.memref_squeeze %dma_start3A_571 : memref<1x1x128xf32, #tpu.memory_space<vmem>> -> memref<128xf32, #tpu.memory_space<vmem>>
      %dma_start3A_573 = arith.constant 0 : i32
      %dma_start3A_574 = tpu.memref_slice %arg12[%rem3A_450, %dma_start3A_569, %dma_start3A_573] : memref<3x8x128xi32, #tpu.memory_space<vmem>> -> memref<1x1x128xi32, #tpu.memory_space<vmem>>
      %dma_start3A_575 = tpu.memref_squeeze %dma_start3A_574 : memref<1x1x128xi32, #tpu.memory_space<vmem>> -> memref<128xi32, #tpu.memory_space<vmem>>
      %dma_start3A_576 = arith.constant 0 : i32
      %dma_start3A_577 = tpu.memref_slice %arg16[%dma_start3A_576] : memref<100352xf32, #tpu.memory_space<vmem_shared>> -> memref<100352xf32, #tpu.memory_space<vmem_shared>>
      tpu.enqueue_indirect_dma source(%dma_start3A_572 : memref<128xf32, #tpu.memory_space<vmem>>) target(%dma_start3A_577 : memref<100352xf32, #tpu.memory_space<vmem_shared>>) offsets(%dma_start3A_575 : memref<128xi32, #tpu.memory_space<vmem>>) semaphore(%arg18 : memref<!tpu.dma_semaphore, #tpu.memory_space<semaphore_mem>>) {add = true}
      %dma_start3A_578 = arith.constant 3 : i32
      %dma_start3A_579 = arith.constant 3 : i32
      %dma_start3A_580 = arith.constant 0 : i32
      %dma_start3A_581 = tpu.memref_slice %arg14[%rem3A_450, %dma_start3A_578, %dma_start3A_580] : memref<3x8x128xf32, #tpu.memory_space<vmem>> -> memref<1x1x128xf32, #tpu.memory_space<vmem>>
      %dma_start3A_582 = tpu.memref_squeeze %dma_start3A_581 : memref<1x1x128xf32, #tpu.memory_space<vmem>> -> memref<128xf32, #tpu.memory_space<vmem>>
      %dma_start3A_583 = arith.constant 0 : i32
      %dma_start3A_584 = tpu.memref_slice %arg13[%rem3A_450, %dma_start3A_579, %dma_start3A_583] : memref<3x8x128xi32, #tpu.memory_space<vmem>> -> memref<1x1x128xi32, #tpu.memory_space<vmem>>
      %dma_start3A_585 = tpu.memref_squeeze %dma_start3A_584 : memref<1x1x128xi32, #tpu.memory_space<vmem>> -> memref<128xi32, #tpu.memory_space<vmem>>
      %dma_start3A_586 = arith.constant 0 : i32
      %dma_start3A_587 = tpu.memref_slice %arg16[%dma_start3A_586] : memref<100352xf32, #tpu.memory_space<vmem_shared>> -> memref<100352xf32, #tpu.memory_space<vmem_shared>>
      tpu.enqueue_indirect_dma source(%dma_start3A_582 : memref<128xf32, #tpu.memory_space<vmem>>) target(%dma_start3A_587 : memref<100352xf32, #tpu.memory_space<vmem_shared>>) offsets(%dma_start3A_585 : memref<128xi32, #tpu.memory_space<vmem>>) semaphore(%arg18 : memref<!tpu.dma_semaphore, #tpu.memory_space<semaphore_mem>>) {add = true}
      %dma_start3A_588 = arith.constant 4 : i32
      %dma_start3A_589 = arith.constant 4 : i32
      %dma_start3A_590 = arith.constant 0 : i32
      %dma_start3A_591 = tpu.memref_slice %arg14[%rem3A_450, %dma_start3A_588, %dma_start3A_590] : memref<3x8x128xf32, #tpu.memory_space<vmem>> -> memref<1x1x128xf32, #tpu.memory_space<vmem>>
      %dma_start3A_592 = tpu.memref_squeeze %dma_start3A_591 : memref<1x1x128xf32, #tpu.memory_space<vmem>> -> memref<128xf32, #tpu.memory_space<vmem>>
      %dma_start3A_593 = arith.constant 0 : i32
      %dma_start3A_594 = tpu.memref_slice %arg12[%rem3A_450, %dma_start3A_589, %dma_start3A_593] : memref<3x8x128xi32, #tpu.memory_space<vmem>> -> memref<1x1x128xi32, #tpu.memory_space<vmem>>
      %dma_start3A_595 = tpu.memref_squeeze %dma_start3A_594 : memref<1x1x128xi32, #tpu.memory_space<vmem>> -> memref<128xi32, #tpu.memory_space<vmem>>
      %dma_start3A_596 = arith.constant 0 : i32
      %dma_start3A_597 = tpu.memref_slice %arg16[%dma_start3A_596] : memref<100352xf32, #tpu.memory_space<vmem_shared>> -> memref<100352xf32, #tpu.memory_space<vmem_shared>>
      tpu.enqueue_indirect_dma source(%dma_start3A_592 : memref<128xf32, #tpu.memory_space<vmem>>) target(%dma_start3A_597 : memref<100352xf32, #tpu.memory_space<vmem_shared>>) offsets(%dma_start3A_595 : memref<128xi32, #tpu.memory_space<vmem>>) semaphore(%arg18 : memref<!tpu.dma_semaphore, #tpu.memory_space<semaphore_mem>>) {add = true}
      %dma_start3A_598 = arith.constant 4 : i32
      %dma_start3A_599 = arith.constant 4 : i32
      %dma_start3A_600 = arith.constant 0 : i32
      %dma_start3A_601 = tpu.memref_slice %arg14[%rem3A_450, %dma_start3A_598, %dma_start3A_600] : memref<3x8x128xf32, #tpu.memory_space<vmem>> -> memref<1x1x128xf32, #tpu.memory_space<vmem>>
      %dma_start3A_602 = tpu.memref_squeeze %dma_start3A_601 : memref<1x1x128xf32, #tpu.memory_space<vmem>> -> memref<128xf32, #tpu.memory_space<vmem>>
      %dma_start3A_603 = arith.constant 0 : i32
      %dma_start3A_604 = tpu.memref_slice %arg13[%rem3A_450, %dma_start3A_599, %dma_start3A_603] : memref<3x8x128xi32, #tpu.memory_space<vmem>> -> memref<1x1x128xi32, #tpu.memory_space<vmem>>
      %dma_start3A_605 = tpu.memref_squeeze %dma_start3A_604 : memref<1x1x128xi32, #tpu.memory_space<vmem>> -> memref<128xi32, #tpu.memory_space<vmem>>
      %dma_start3A_606 = arith.constant 0 : i32
      %dma_start3A_607 = tpu.memref_slice %arg16[%dma_start3A_606] : memref<100352xf32, #tpu.memory_space<vmem_shared>> -> memref<100352xf32, #tpu.memory_space<vmem_shared>>
      tpu.enqueue_indirect_dma source(%dma_start3A_602 : memref<128xf32, #tpu.memory_space<vmem>>) target(%dma_start3A_607 : memref<100352xf32, #tpu.memory_space<vmem_shared>>) offsets(%dma_start3A_605 : memref<128xi32, #tpu.memory_space<vmem>>) semaphore(%arg18 : memref<!tpu.dma_semaphore, #tpu.memory_space<semaphore_mem>>) {add = true}
      %dma_start3A_608 = arith.constant 5 : i32
      %dma_start3A_609 = arith.constant 5 : i32
      %dma_start3A_610 = arith.constant 0 : i32
      %dma_start3A_611 = tpu.memref_slice %arg14[%rem3A_450, %dma_start3A_608, %dma_start3A_610] : memref<3x8x128xf32, #tpu.memory_space<vmem>> -> memref<1x1x128xf32, #tpu.memory_space<vmem>>
      %dma_start3A_612 = tpu.memref_squeeze %dma_start3A_611 : memref<1x1x128xf32, #tpu.memory_space<vmem>> -> memref<128xf32, #tpu.memory_space<vmem>>
      %dma_start3A_613 = arith.constant 0 : i32
      %dma_start3A_614 = tpu.memref_slice %arg12[%rem3A_450, %dma_start3A_609, %dma_start3A_613] : memref<3x8x128xi32, #tpu.memory_space<vmem>> -> memref<1x1x128xi32, #tpu.memory_space<vmem>>
      %dma_start3A_615 = tpu.memref_squeeze %dma_start3A_614 : memref<1x1x128xi32, #tpu.memory_space<vmem>> -> memref<128xi32, #tpu.memory_space<vmem>>
      %dma_start3A_616 = arith.constant 0 : i32
      %dma_start3A_617 = tpu.memref_slice %arg16[%dma_start3A_616] : memref<100352xf32, #tpu.memory_space<vmem_shared>> -> memref<100352xf32, #tpu.memory_space<vmem_shared>>
      tpu.enqueue_indirect_dma source(%dma_start3A_612 : memref<128xf32, #tpu.memory_space<vmem>>) target(%dma_start3A_617 : memref<100352xf32, #tpu.memory_space<vmem_shared>>) offsets(%dma_start3A_615 : memref<128xi32, #tpu.memory_space<vmem>>) semaphore(%arg18 : memref<!tpu.dma_semaphore, #tpu.memory_space<semaphore_mem>>) {add = true}
      %dma_start3A_618 = arith.constant 5 : i32
      %dma_start3A_619 = arith.constant 5 : i32
      %dma_start3A_620 = arith.constant 0 : i32
      %dma_start3A_621 = tpu.memref_slice %arg14[%rem3A_450, %dma_start3A_618, %dma_start3A_620] : memref<3x8x128xf32, #tpu.memory_space<vmem>> -> memref<1x1x128xf32, #tpu.memory_space<vmem>>
      %dma_start3A_622 = tpu.memref_squeeze %dma_start3A_621 : memref<1x1x128xf32, #tpu.memory_space<vmem>> -> memref<128xf32, #tpu.memory_space<vmem>>
      %dma_start3A_623 = arith.constant 0 : i32
      %dma_start3A_624 = tpu.memref_slice %arg13[%rem3A_450, %dma_start3A_619, %dma_start3A_623] : memref<3x8x128xi32, #tpu.memory_space<vmem>> -> memref<1x1x128xi32, #tpu.memory_space<vmem>>
      %dma_start3A_625 = tpu.memref_squeeze %dma_start3A_624 : memref<1x1x128xi32, #tpu.memory_space<vmem>> -> memref<128xi32, #tpu.memory_space<vmem>>
      %dma_start3A_626 = arith.constant 0 : i32
      %dma_start3A_627 = tpu.memref_slice %arg16[%dma_start3A_626] : memref<100352xf32, #tpu.memory_space<vmem_shared>> -> memref<100352xf32, #tpu.memory_space<vmem_shared>>
      tpu.enqueue_indirect_dma source(%dma_start3A_622 : memref<128xf32, #tpu.memory_space<vmem>>) target(%dma_start3A_627 : memref<100352xf32, #tpu.memory_space<vmem_shared>>) offsets(%dma_start3A_625 : memref<128xi32, #tpu.memory_space<vmem>>) semaphore(%arg18 : memref<!tpu.dma_semaphore, #tpu.memory_space<semaphore_mem>>) {add = true}
      %dma_start3A_628 = arith.constant 6 : i32
      %dma_start3A_629 = arith.constant 6 : i32
      %dma_start3A_630 = arith.constant 0 : i32
      %dma_start3A_631 = tpu.memref_slice %arg14[%rem3A_450, %dma_start3A_628, %dma_start3A_630] : memref<3x8x128xf32, #tpu.memory_space<vmem>> -> memref<1x1x128xf32, #tpu.memory_space<vmem>>
      %dma_start3A_632 = tpu.memref_squeeze %dma_start3A_631 : memref<1x1x128xf32, #tpu.memory_space<vmem>> -> memref<128xf32, #tpu.memory_space<vmem>>
      %dma_start3A_633 = arith.constant 0 : i32
      %dma_start3A_634 = tpu.memref_slice %arg12[%rem3A_450, %dma_start3A_629, %dma_start3A_633] : memref<3x8x128xi32, #tpu.memory_space<vmem>> -> memref<1x1x128xi32, #tpu.memory_space<vmem>>
      %dma_start3A_635 = tpu.memref_squeeze %dma_start3A_634 : memref<1x1x128xi32, #tpu.memory_space<vmem>> -> memref<128xi32, #tpu.memory_space<vmem>>
      %dma_start3A_636 = arith.constant 0 : i32
      %dma_start3A_637 = tpu.memref_slice %arg16[%dma_start3A_636] : memref<100352xf32, #tpu.memory_space<vmem_shared>> -> memref<100352xf32, #tpu.memory_space<vmem_shared>>
      tpu.enqueue_indirect_dma source(%dma_start3A_632 : memref<128xf32, #tpu.memory_space<vmem>>) target(%dma_start3A_637 : memref<100352xf32, #tpu.memory_space<vmem_shared>>) offsets(%dma_start3A_635 : memref<128xi32, #tpu.memory_space<vmem>>) semaphore(%arg18 : memref<!tpu.dma_semaphore, #tpu.memory_space<semaphore_mem>>) {add = true}
      %dma_start3A_638 = arith.constant 6 : i32
      %dma_start3A_639 = arith.constant 6 : i32
      %dma_start3A_640 = arith.constant 0 : i32
      %dma_start3A_641 = tpu.memref_slice %arg14[%rem3A_450, %dma_start3A_638, %dma_start3A_640] : memref<3x8x128xf32, #tpu.memory_space<vmem>> -> memref<1x1x128xf32, #tpu.memory_space<vmem>>
      %dma_start3A_642 = tpu.memref_squeeze %dma_start3A_641 : memref<1x1x128xf32, #tpu.memory_space<vmem>> -> memref<128xf32, #tpu.memory_space<vmem>>
      %dma_start3A_643 = arith.constant 0 : i32
      %dma_start3A_644 = tpu.memref_slice %arg13[%rem3A_450, %dma_start3A_639, %dma_start3A_643] : memref<3x8x128xi32, #tpu.memory_space<vmem>> -> memref<1x1x128xi32, #tpu.memory_space<vmem>>
      %dma_start3A_645 = tpu.memref_squeeze %dma_start3A_644 : memref<1x1x128xi32, #tpu.memory_space<vmem>> -> memref<128xi32, #tpu.memory_space<vmem>>
      %dma_start3A_646 = arith.constant 0 : i32
      %dma_start3A_647 = tpu.memref_slice %arg16[%dma_start3A_646] : memref<100352xf32, #tpu.memory_space<vmem_shared>> -> memref<100352xf32, #tpu.memory_space<vmem_shared>>
      tpu.enqueue_indirect_dma source(%dma_start3A_642 : memref<128xf32, #tpu.memory_space<vmem>>) target(%dma_start3A_647 : memref<100352xf32, #tpu.memory_space<vmem_shared>>) offsets(%dma_start3A_645 : memref<128xi32, #tpu.memory_space<vmem>>) semaphore(%arg18 : memref<!tpu.dma_semaphore, #tpu.memory_space<semaphore_mem>>) {add = true}
      %dma_start3A_648 = arith.constant 7 : i32
      %dma_start3A_649 = arith.constant 7 : i32
      %dma_start3A_650 = arith.constant 0 : i32
      %dma_start3A_651 = tpu.memref_slice %arg14[%rem3A_450, %dma_start3A_648, %dma_start3A_650] : memref<3x8x128xf32, #tpu.memory_space<vmem>> -> memref<1x1x128xf32, #tpu.memory_space<vmem>>
      %dma_start3A_652 = tpu.memref_squeeze %dma_start3A_651 : memref<1x1x128xf32, #tpu.memory_space<vmem>> -> memref<128xf32, #tpu.memory_space<vmem>>
      %dma_start3A_653 = arith.constant 0 : i32
      %dma_start3A_654 = tpu.memref_slice %arg12[%rem3A_450, %dma_start3A_649, %dma_start3A_653] : memref<3x8x128xi32, #tpu.memory_space<vmem>> -> memref<1x1x128xi32, #tpu.memory_space<vmem>>
      %dma_start3A_655 = tpu.memref_squeeze %dma_start3A_654 : memref<1x1x128xi32, #tpu.memory_space<vmem>> -> memref<128xi32, #tpu.memory_space<vmem>>
      %dma_start3A_656 = arith.constant 0 : i32
      %dma_start3A_657 = tpu.memref_slice %arg16[%dma_start3A_656] : memref<100352xf32, #tpu.memory_space<vmem_shared>> -> memref<100352xf32, #tpu.memory_space<vmem_shared>>
      tpu.enqueue_indirect_dma source(%dma_start3A_652 : memref<128xf32, #tpu.memory_space<vmem>>) target(%dma_start3A_657 : memref<100352xf32, #tpu.memory_space<vmem_shared>>) offsets(%dma_start3A_655 : memref<128xi32, #tpu.memory_space<vmem>>) semaphore(%arg18 : memref<!tpu.dma_semaphore, #tpu.memory_space<semaphore_mem>>) {add = true}
      %dma_start3A_658 = arith.constant 7 : i32
      %dma_start3A_659 = arith.constant 7 : i32
      %dma_start3A_660 = arith.constant 0 : i32
      %dma_start3A_661 = tpu.memref_slice %arg14[%rem3A_450, %dma_start3A_658, %dma_start3A_660] : memref<3x8x128xf32, #tpu.memory_space<vmem>> -> memref<1x1x128xf32, #tpu.memory_space<vmem>>
      %dma_start3A_662 = tpu.memref_squeeze %dma_start3A_661 : memref<1x1x128xf32, #tpu.memory_space<vmem>> -> memref<128xf32, #tpu.memory_space<vmem>>
      %dma_start3A_663 = arith.constant 0 : i32
      %dma_start3A_664 = tpu.memref_slice %arg13[%rem3A_450, %dma_start3A_659, %dma_start3A_663] : memref<3x8x128xi32, #tpu.memory_space<vmem>> -> memref<1x1x128xi32, #tpu.memory_space<vmem>>
      %dma_start3A_665 = tpu.memref_squeeze %dma_start3A_664 : memref<1x1x128xi32, #tpu.memory_space<vmem>> -> memref<128xi32, #tpu.memory_space<vmem>>
      %dma_start3A_666 = arith.constant 0 : i32
      %dma_start3A_667 = tpu.memref_slice %arg16[%dma_start3A_666] : memref<100352xf32, #tpu.memory_space<vmem_shared>> -> memref<100352xf32, #tpu.memory_space<vmem_shared>>
      tpu.enqueue_indirect_dma source(%dma_start3A_662 : memref<128xf32, #tpu.memory_space<vmem>>) target(%dma_start3A_667 : memref<100352xf32, #tpu.memory_space<vmem_shared>>) offsets(%dma_start3A_665 : memref<128xi32, #tpu.memory_space<vmem>>) semaphore(%arg18 : memref<!tpu.dma_semaphore, #tpu.memory_space<semaphore_mem>>) {add = true}
    }
    %scan3A_60 = arith.constant 196 : i32
    %dma_wait3A = arith.constant 2 : i32
    %dma_wait3A_61 = arith.constant 0 : i32
    %dma_wait3A_62 = arith.constant 2 : i32
    %dma_wait3A_63 = arith.constant 0 : i32
    %dma_wait3A_64 = arith.constant 0 : i32
    %dma_wait3A_65 = tpu.memref_slice %arg14[%dma_wait3A, %dma_wait3A_61, %dma_wait3A_64] : memref<3x8x128xf32, #tpu.memory_space<vmem>> -> memref<1x1x128xf32, #tpu.memory_space<vmem>>
    %dma_wait3A_66 = tpu.memref_squeeze %dma_wait3A_65 : memref<1x1x128xf32, #tpu.memory_space<vmem>> -> memref<128xf32, #tpu.memory_space<vmem>>
    %dma_wait3A_67 = arith.constant 0 : i32
    %dma_wait3A_68 = tpu.memref_slice %arg12[%dma_wait3A_62, %dma_wait3A_63, %dma_wait3A_67] : memref<3x8x128xi32, #tpu.memory_space<vmem>> -> memref<1x1x128xi32, #tpu.memory_space<vmem>>
    %dma_wait3A_69 = tpu.memref_squeeze %dma_wait3A_68 : memref<1x1x128xi32, #tpu.memory_space<vmem>> -> memref<128xi32, #tpu.memory_space<vmem>>
    %dma_wait3A_70 = arith.constant 0 : i32
    %dma_wait3A_71 = tpu.memref_slice %arg16[%dma_wait3A_70] : memref<100352xf32, #tpu.memory_space<vmem_shared>> -> memref<100352xf32, #tpu.memory_space<vmem_shared>>
    tpu.wait_indirect_dma semaphore(%arg18 : memref<!tpu.dma_semaphore, #tpu.memory_space<semaphore_mem>>) src(%dma_wait3A_66 : memref<128xf32, #tpu.memory_space<vmem>>) dst(%dma_wait3A_71 : memref<100352xf32, #tpu.memory_space<vmem_shared>>)
    %dma_wait3A_72 = arith.constant 2 : i32
    %dma_wait3A_73 = arith.constant 0 : i32
    %dma_wait3A_74 = arith.constant 2 : i32
    %dma_wait3A_75 = arith.constant 0 : i32
    %dma_wait3A_76 = arith.constant 0 : i32
    %dma_wait3A_77 = tpu.memref_slice %arg14[%dma_wait3A_72, %dma_wait3A_73, %dma_wait3A_76] : memref<3x8x128xf32, #tpu.memory_space<vmem>> -> memref<1x1x128xf32, #tpu.memory_space<vmem>>
    %dma_wait3A_78 = tpu.memref_squeeze %dma_wait3A_77 : memref<1x1x128xf32, #tpu.memory_space<vmem>> -> memref<128xf32, #tpu.memory_space<vmem>>
    %dma_wait3A_79 = arith.constant 0 : i32
    %dma_wait3A_80 = tpu.memref_slice %arg13[%dma_wait3A_74, %dma_wait3A_75, %dma_wait3A_79] : memref<3x8x128xi32, #tpu.memory_space<vmem>> -> memref<1x1x128xi32, #tpu.memory_space<vmem>>
    %dma_wait3A_81 = tpu.memref_squeeze %dma_wait3A_80 : memref<1x1x128xi32, #tpu.memory_space<vmem>> -> memref<128xi32, #tpu.memory_space<vmem>>
    %dma_wait3A_82 = arith.constant 0 : i32
    %dma_wait3A_83 = tpu.memref_slice %arg16[%dma_wait3A_82] : memref<100352xf32, #tpu.memory_space<vmem_shared>> -> memref<100352xf32, #tpu.memory_space<vmem_shared>>
    tpu.wait_indirect_dma semaphore(%arg18 : memref<!tpu.dma_semaphore, #tpu.memory_space<semaphore_mem>>) src(%dma_wait3A_78 : memref<128xf32, #tpu.memory_space<vmem>>) dst(%dma_wait3A_83 : memref<100352xf32, #tpu.memory_space<vmem_shared>>)
    %dma_wait3A_84 = arith.constant 2 : i32
    %dma_wait3A_85 = arith.constant 1 : i32
    %dma_wait3A_86 = arith.constant 2 : i32
    %dma_wait3A_87 = arith.constant 1 : i32
    %dma_wait3A_88 = arith.constant 0 : i32
    %dma_wait3A_89 = tpu.memref_slice %arg14[%dma_wait3A_84, %dma_wait3A_85, %dma_wait3A_88] : memref<3x8x128xf32, #tpu.memory_space<vmem>> -> memref<1x1x128xf32, #tpu.memory_space<vmem>>
    %dma_wait3A_90 = tpu.memref_squeeze %dma_wait3A_89 : memref<1x1x128xf32, #tpu.memory_space<vmem>> -> memref<128xf32, #tpu.memory_space<vmem>>
    %dma_wait3A_91 = arith.constant 0 : i32
    %dma_wait3A_92 = tpu.memref_slice %arg12[%dma_wait3A_86, %dma_wait3A_87, %dma_wait3A_91] : memref<3x8x128xi32, #tpu.memory_space<vmem>> -> memref<1x1x128xi32, #tpu.memory_space<vmem>>
    %dma_wait3A_93 = tpu.memref_squeeze %dma_wait3A_92 : memref<1x1x128xi32, #tpu.memory_space<vmem>> -> memref<128xi32, #tpu.memory_space<vmem>>
    %dma_wait3A_94 = arith.constant 0 : i32
    %dma_wait3A_95 = tpu.memref_slice %arg16[%dma_wait3A_94] : memref<100352xf32, #tpu.memory_space<vmem_shared>> -> memref<100352xf32, #tpu.memory_space<vmem_shared>>
    tpu.wait_indirect_dma semaphore(%arg18 : memref<!tpu.dma_semaphore, #tpu.memory_space<semaphore_mem>>) src(%dma_wait3A_90 : memref<128xf32, #tpu.memory_space<vmem>>) dst(%dma_wait3A_95 : memref<100352xf32, #tpu.memory_space<vmem_shared>>)
    %dma_wait3A_96 = arith.constant 2 : i32
    %dma_wait3A_97 = arith.constant 1 : i32
    %dma_wait3A_98 = arith.constant 2 : i32
    %dma_wait3A_99 = arith.constant 1 : i32
    %dma_wait3A_100 = arith.constant 0 : i32
    %dma_wait3A_101 = tpu.memref_slice %arg14[%dma_wait3A_96, %dma_wait3A_97, %dma_wait3A_100] : memref<3x8x128xf32, #tpu.memory_space<vmem>> -> memref<1x1x128xf32, #tpu.memory_space<vmem>>
    %dma_wait3A_102 = tpu.memref_squeeze %dma_wait3A_101 : memref<1x1x128xf32, #tpu.memory_space<vmem>> -> memref<128xf32, #tpu.memory_space<vmem>>
    %dma_wait3A_103 = arith.constant 0 : i32
    %dma_wait3A_104 = tpu.memref_slice %arg13[%dma_wait3A_98, %dma_wait3A_99, %dma_wait3A_103] : memref<3x8x128xi32, #tpu.memory_space<vmem>> -> memref<1x1x128xi32, #tpu.memory_space<vmem>>
    %dma_wait3A_105 = tpu.memref_squeeze %dma_wait3A_104 : memref<1x1x128xi32, #tpu.memory_space<vmem>> -> memref<128xi32, #tpu.memory_space<vmem>>
    %dma_wait3A_106 = arith.constant 0 : i32
    %dma_wait3A_107 = tpu.memref_slice %arg16[%dma_wait3A_106] : memref<100352xf32, #tpu.memory_space<vmem_shared>> -> memref<100352xf32, #tpu.memory_space<vmem_shared>>
    tpu.wait_indirect_dma semaphore(%arg18 : memref<!tpu.dma_semaphore, #tpu.memory_space<semaphore_mem>>) src(%dma_wait3A_102 : memref<128xf32, #tpu.memory_space<vmem>>) dst(%dma_wait3A_107 : memref<100352xf32, #tpu.memory_space<vmem_shared>>)
    %dma_wait3A_108 = arith.constant 2 : i32
    %dma_wait3A_109 = arith.constant 2 : i32
    %dma_wait3A_110 = arith.constant 2 : i32
    %dma_wait3A_111 = arith.constant 2 : i32
    %dma_wait3A_112 = arith.constant 0 : i32
    %dma_wait3A_113 = tpu.memref_slice %arg14[%dma_wait3A_108, %dma_wait3A_109, %dma_wait3A_112] : memref<3x8x128xf32, #tpu.memory_space<vmem>> -> memref<1x1x128xf32, #tpu.memory_space<vmem>>
    %dma_wait3A_114 = tpu.memref_squeeze %dma_wait3A_113 : memref<1x1x128xf32, #tpu.memory_space<vmem>> -> memref<128xf32, #tpu.memory_space<vmem>>
    %dma_wait3A_115 = arith.constant 0 : i32
    %dma_wait3A_116 = tpu.memref_slice %arg12[%dma_wait3A_110, %dma_wait3A_111, %dma_wait3A_115] : memref<3x8x128xi32, #tpu.memory_space<vmem>> -> memref<1x1x128xi32, #tpu.memory_space<vmem>>
    %dma_wait3A_117 = tpu.memref_squeeze %dma_wait3A_116 : memref<1x1x128xi32, #tpu.memory_space<vmem>> -> memref<128xi32, #tpu.memory_space<vmem>>
    %dma_wait3A_118 = arith.constant 0 : i32
    %dma_wait3A_119 = tpu.memref_slice %arg16[%dma_wait3A_118] : memref<100352xf32, #tpu.memory_space<vmem_shared>> -> memref<100352xf32, #tpu.memory_space<vmem_shared>>
    tpu.wait_indirect_dma semaphore(%arg18 : memref<!tpu.dma_semaphore, #tpu.memory_space<semaphore_mem>>) src(%dma_wait3A_114 : memref<128xf32, #tpu.memory_space<vmem>>) dst(%dma_wait3A_119 : memref<100352xf32, #tpu.memory_space<vmem_shared>>)
    %dma_wait3A_120 = arith.constant 2 : i32
    %dma_wait3A_121 = arith.constant 2 : i32
    %dma_wait3A_122 = arith.constant 2 : i32
    %dma_wait3A_123 = arith.constant 2 : i32
    %dma_wait3A_124 = arith.constant 0 : i32
    %dma_wait3A_125 = tpu.memref_slice %arg14[%dma_wait3A_120, %dma_wait3A_121, %dma_wait3A_124] : memref<3x8x128xf32, #tpu.memory_space<vmem>> -> memref<1x1x128xf32, #tpu.memory_space<vmem>>
    %dma_wait3A_126 = tpu.memref_squeeze %dma_wait3A_125 : memref<1x1x128xf32, #tpu.memory_space<vmem>> -> memref<128xf32, #tpu.memory_space<vmem>>
    %dma_wait3A_127 = arith.constant 0 : i32
    %dma_wait3A_128 = tpu.memref_slice %arg13[%dma_wait3A_122, %dma_wait3A_123, %dma_wait3A_127] : memref<3x8x128xi32, #tpu.memory_space<vmem>> -> memref<1x1x128xi32, #tpu.memory_space<vmem>>
    %dma_wait3A_129 = tpu.memref_squeeze %dma_wait3A_128 : memref<1x1x128xi32, #tpu.memory_space<vmem>> -> memref<128xi32, #tpu.memory_space<vmem>>
    %dma_wait3A_130 = arith.constant 0 : i32
    %dma_wait3A_131 = tpu.memref_slice %arg16[%dma_wait3A_130] : memref<100352xf32, #tpu.memory_space<vmem_shared>> -> memref<100352xf32, #tpu.memory_space<vmem_shared>>
    tpu.wait_indirect_dma semaphore(%arg18 : memref<!tpu.dma_semaphore, #tpu.memory_space<semaphore_mem>>) src(%dma_wait3A_126 : memref<128xf32, #tpu.memory_space<vmem>>) dst(%dma_wait3A_131 : memref<100352xf32, #tpu.memory_space<vmem_shared>>)
    %dma_wait3A_132 = arith.constant 2 : i32
    %dma_wait3A_133 = arith.constant 3 : i32
    %dma_wait3A_134 = arith.constant 2 : i32
    %dma_wait3A_135 = arith.constant 3 : i32
    %dma_wait3A_136 = arith.constant 0 : i32
    %dma_wait3A_137 = tpu.memref_slice %arg14[%dma_wait3A_132, %dma_wait3A_133, %dma_wait3A_136] : memref<3x8x128xf32, #tpu.memory_space<vmem>> -> memref<1x1x128xf32, #tpu.memory_space<vmem>>
    %dma_wait3A_138 = tpu.memref_squeeze %dma_wait3A_137 : memref<1x1x128xf32, #tpu.memory_space<vmem>> -> memref<128xf32, #tpu.memory_space<vmem>>
    %dma_wait3A_139 = arith.constant 0 : i32
    %dma_wait3A_140 = tpu.memref_slice %arg12[%dma_wait3A_134, %dma_wait3A_135, %dma_wait3A_139] : memref<3x8x128xi32, #tpu.memory_space<vmem>> -> memref<1x1x128xi32, #tpu.memory_space<vmem>>
    %dma_wait3A_141 = tpu.memref_squeeze %dma_wait3A_140 : memref<1x1x128xi32, #tpu.memory_space<vmem>> -> memref<128xi32, #tpu.memory_space<vmem>>
    %dma_wait3A_142 = arith.constant 0 : i32
    %dma_wait3A_143 = tpu.memref_slice %arg16[%dma_wait3A_142] : memref<100352xf32, #tpu.memory_space<vmem_shared>> -> memref<100352xf32, #tpu.memory_space<vmem_shared>>
    tpu.wait_indirect_dma semaphore(%arg18 : memref<!tpu.dma_semaphore, #tpu.memory_space<semaphore_mem>>) src(%dma_wait3A_138 : memref<128xf32, #tpu.memory_space<vmem>>) dst(%dma_wait3A_143 : memref<100352xf32, #tpu.memory_space<vmem_shared>>)
    %dma_wait3A_144 = arith.constant 2 : i32
    %dma_wait3A_145 = arith.constant 3 : i32
    %dma_wait3A_146 = arith.constant 2 : i32
    %dma_wait3A_147 = arith.constant 3 : i32
    %dma_wait3A_148 = arith.constant 0 : i32
    %dma_wait3A_149 = tpu.memref_slice %arg14[%dma_wait3A_144, %dma_wait3A_145, %dma_wait3A_148] : memref<3x8x128xf32, #tpu.memory_space<vmem>> -> memref<1x1x128xf32, #tpu.memory_space<vmem>>
    %dma_wait3A_150 = tpu.memref_squeeze %dma_wait3A_149 : memref<1x1x128xf32, #tpu.memory_space<vmem>> -> memref<128xf32, #tpu.memory_space<vmem>>
    %dma_wait3A_151 = arith.constant 0 : i32
    %dma_wait3A_152 = tpu.memref_slice %arg13[%dma_wait3A_146, %dma_wait3A_147, %dma_wait3A_151] : memref<3x8x128xi32, #tpu.memory_space<vmem>> -> memref<1x1x128xi32, #tpu.memory_space<vmem>>
    %dma_wait3A_153 = tpu.memref_squeeze %dma_wait3A_152 : memref<1x1x128xi32, #tpu.memory_space<vmem>> -> memref<128xi32, #tpu.memory_space<vmem>>
    %dma_wait3A_154 = arith.constant 0 : i32
    %dma_wait3A_155 = tpu.memref_slice %arg16[%dma_wait3A_154] : memref<100352xf32, #tpu.memory_space<vmem_shared>> -> memref<100352xf32, #tpu.memory_space<vmem_shared>>
    tpu.wait_indirect_dma semaphore(%arg18 : memref<!tpu.dma_semaphore, #tpu.memory_space<semaphore_mem>>) src(%dma_wait3A_150 : memref<128xf32, #tpu.memory_space<vmem>>) dst(%dma_wait3A_155 : memref<100352xf32, #tpu.memory_space<vmem_shared>>)
    %dma_wait3A_156 = arith.constant 2 : i32
    %dma_wait3A_157 = arith.constant 4 : i32
    %dma_wait3A_158 = arith.constant 2 : i32
    %dma_wait3A_159 = arith.constant 4 : i32
    %dma_wait3A_160 = arith.constant 0 : i32
    %dma_wait3A_161 = tpu.memref_slice %arg14[%dma_wait3A_156, %dma_wait3A_157, %dma_wait3A_160] : memref<3x8x128xf32, #tpu.memory_space<vmem>> -> memref<1x1x128xf32, #tpu.memory_space<vmem>>
    %dma_wait3A_162 = tpu.memref_squeeze %dma_wait3A_161 : memref<1x1x128xf32, #tpu.memory_space<vmem>> -> memref<128xf32, #tpu.memory_space<vmem>>
    %dma_wait3A_163 = arith.constant 0 : i32
    %dma_wait3A_164 = tpu.memref_slice %arg12[%dma_wait3A_158, %dma_wait3A_159, %dma_wait3A_163] : memref<3x8x128xi32, #tpu.memory_space<vmem>> -> memref<1x1x128xi32, #tpu.memory_space<vmem>>
    %dma_wait3A_165 = tpu.memref_squeeze %dma_wait3A_164 : memref<1x1x128xi32, #tpu.memory_space<vmem>> -> memref<128xi32, #tpu.memory_space<vmem>>
    %dma_wait3A_166 = arith.constant 0 : i32
    %dma_wait3A_167 = tpu.memref_slice %arg16[%dma_wait3A_166] : memref<100352xf32, #tpu.memory_space<vmem_shared>> -> memref<100352xf32, #tpu.memory_space<vmem_shared>>
    tpu.wait_indirect_dma semaphore(%arg18 : memref<!tpu.dma_semaphore, #tpu.memory_space<semaphore_mem>>) src(%dma_wait3A_162 : memref<128xf32, #tpu.memory_space<vmem>>) dst(%dma_wait3A_167 : memref<100352xf32, #tpu.memory_space<vmem_shared>>)
    %dma_wait3A_168 = arith.constant 2 : i32
    %dma_wait3A_169 = arith.constant 4 : i32
    %dma_wait3A_170 = arith.constant 2 : i32
    %dma_wait3A_171 = arith.constant 4 : i32
    %dma_wait3A_172 = arith.constant 0 : i32
    %dma_wait3A_173 = tpu.memref_slice %arg14[%dma_wait3A_168, %dma_wait3A_169, %dma_wait3A_172] : memref<3x8x128xf32, #tpu.memory_space<vmem>> -> memref<1x1x128xf32, #tpu.memory_space<vmem>>
    %dma_wait3A_174 = tpu.memref_squeeze %dma_wait3A_173 : memref<1x1x128xf32, #tpu.memory_space<vmem>> -> memref<128xf32, #tpu.memory_space<vmem>>
    %dma_wait3A_175 = arith.constant 0 : i32
    %dma_wait3A_176 = tpu.memref_slice %arg13[%dma_wait3A_170, %dma_wait3A_171, %dma_wait3A_175] : memref<3x8x128xi32, #tpu.memory_space<vmem>> -> memref<1x1x128xi32, #tpu.memory_space<vmem>>
    %dma_wait3A_177 = tpu.memref_squeeze %dma_wait3A_176 : memref<1x1x128xi32, #tpu.memory_space<vmem>> -> memref<128xi32, #tpu.memory_space<vmem>>
    %dma_wait3A_178 = arith.constant 0 : i32
    %dma_wait3A_179 = tpu.memref_slice %arg16[%dma_wait3A_178] : memref<100352xf32, #tpu.memory_space<vmem_shared>> -> memref<100352xf32, #tpu.memory_space<vmem_shared>>
    tpu.wait_indirect_dma semaphore(%arg18 : memref<!tpu.dma_semaphore, #tpu.memory_space<semaphore_mem>>) src(%dma_wait3A_174 : memref<128xf32, #tpu.memory_space<vmem>>) dst(%dma_wait3A_179 : memref<100352xf32, #tpu.memory_space<vmem_shared>>)
    %dma_wait3A_180 = arith.constant 2 : i32
    %dma_wait3A_181 = arith.constant 5 : i32
    %dma_wait3A_182 = arith.constant 2 : i32
    %dma_wait3A_183 = arith.constant 5 : i32
    %dma_wait3A_184 = arith.constant 0 : i32
    %dma_wait3A_185 = tpu.memref_slice %arg14[%dma_wait3A_180, %dma_wait3A_181, %dma_wait3A_184] : memref<3x8x128xf32, #tpu.memory_space<vmem>> -> memref<1x1x128xf32, #tpu.memory_space<vmem>>
    %dma_wait3A_186 = tpu.memref_squeeze %dma_wait3A_185 : memref<1x1x128xf32, #tpu.memory_space<vmem>> -> memref<128xf32, #tpu.memory_space<vmem>>
    %dma_wait3A_187 = arith.constant 0 : i32
    %dma_wait3A_188 = tpu.memref_slice %arg12[%dma_wait3A_182, %dma_wait3A_183, %dma_wait3A_187] : memref<3x8x128xi32, #tpu.memory_space<vmem>> -> memref<1x1x128xi32, #tpu.memory_space<vmem>>
    %dma_wait3A_189 = tpu.memref_squeeze %dma_wait3A_188 : memref<1x1x128xi32, #tpu.memory_space<vmem>> -> memref<128xi32, #tpu.memory_space<vmem>>
    %dma_wait3A_190 = arith.constant 0 : i32
    %dma_wait3A_191 = tpu.memref_slice %arg16[%dma_wait3A_190] : memref<100352xf32, #tpu.memory_space<vmem_shared>> -> memref<100352xf32, #tpu.memory_space<vmem_shared>>
    tpu.wait_indirect_dma semaphore(%arg18 : memref<!tpu.dma_semaphore, #tpu.memory_space<semaphore_mem>>) src(%dma_wait3A_186 : memref<128xf32, #tpu.memory_space<vmem>>) dst(%dma_wait3A_191 : memref<100352xf32, #tpu.memory_space<vmem_shared>>)
    %dma_wait3A_192 = arith.constant 2 : i32
    %dma_wait3A_193 = arith.constant 5 : i32
    %dma_wait3A_194 = arith.constant 2 : i32
    %dma_wait3A_195 = arith.constant 5 : i32
    %dma_wait3A_196 = arith.constant 0 : i32
    %dma_wait3A_197 = tpu.memref_slice %arg14[%dma_wait3A_192, %dma_wait3A_193, %dma_wait3A_196] : memref<3x8x128xf32, #tpu.memory_space<vmem>> -> memref<1x1x128xf32, #tpu.memory_space<vmem>>
    %dma_wait3A_198 = tpu.memref_squeeze %dma_wait3A_197 : memref<1x1x128xf32, #tpu.memory_space<vmem>> -> memref<128xf32, #tpu.memory_space<vmem>>
    %dma_wait3A_199 = arith.constant 0 : i32
    %dma_wait3A_200 = tpu.memref_slice %arg13[%dma_wait3A_194, %dma_wait3A_195, %dma_wait3A_199] : memref<3x8x128xi32, #tpu.memory_space<vmem>> -> memref<1x1x128xi32, #tpu.memory_space<vmem>>
    %dma_wait3A_201 = tpu.memref_squeeze %dma_wait3A_200 : memref<1x1x128xi32, #tpu.memory_space<vmem>> -> memref<128xi32, #tpu.memory_space<vmem>>
    %dma_wait3A_202 = arith.constant 0 : i32
    %dma_wait3A_203 = tpu.memref_slice %arg16[%dma_wait3A_202] : memref<100352xf32, #tpu.memory_space<vmem_shared>> -> memref<100352xf32, #tpu.memory_space<vmem_shared>>
    tpu.wait_indirect_dma semaphore(%arg18 : memref<!tpu.dma_semaphore, #tpu.memory_space<semaphore_mem>>) src(%dma_wait3A_198 : memref<128xf32, #tpu.memory_space<vmem>>) dst(%dma_wait3A_203 : memref<100352xf32, #tpu.memory_space<vmem_shared>>)
    %dma_wait3A_204 = arith.constant 2 : i32
    %dma_wait3A_205 = arith.constant 6 : i32
    %dma_wait3A_206 = arith.constant 2 : i32
    %dma_wait3A_207 = arith.constant 6 : i32
    %dma_wait3A_208 = arith.constant 0 : i32
    %dma_wait3A_209 = tpu.memref_slice %arg14[%dma_wait3A_204, %dma_wait3A_205, %dma_wait3A_208] : memref<3x8x128xf32, #tpu.memory_space<vmem>> -> memref<1x1x128xf32, #tpu.memory_space<vmem>>
    %dma_wait3A_210 = tpu.memref_squeeze %dma_wait3A_209 : memref<1x1x128xf32, #tpu.memory_space<vmem>> -> memref<128xf32, #tpu.memory_space<vmem>>
    %dma_wait3A_211 = arith.constant 0 : i32
    %dma_wait3A_212 = tpu.memref_slice %arg12[%dma_wait3A_206, %dma_wait3A_207, %dma_wait3A_211] : memref<3x8x128xi32, #tpu.memory_space<vmem>> -> memref<1x1x128xi32, #tpu.memory_space<vmem>>
    %dma_wait3A_213 = tpu.memref_squeeze %dma_wait3A_212 : memref<1x1x128xi32, #tpu.memory_space<vmem>> -> memref<128xi32, #tpu.memory_space<vmem>>
    %dma_wait3A_214 = arith.constant 0 : i32
    %dma_wait3A_215 = tpu.memref_slice %arg16[%dma_wait3A_214] : memref<100352xf32, #tpu.memory_space<vmem_shared>> -> memref<100352xf32, #tpu.memory_space<vmem_shared>>
    tpu.wait_indirect_dma semaphore(%arg18 : memref<!tpu.dma_semaphore, #tpu.memory_space<semaphore_mem>>) src(%dma_wait3A_210 : memref<128xf32, #tpu.memory_space<vmem>>) dst(%dma_wait3A_215 : memref<100352xf32, #tpu.memory_space<vmem_shared>>)
    %dma_wait3A_216 = arith.constant 2 : i32
    %dma_wait3A_217 = arith.constant 6 : i32
    %dma_wait3A_218 = arith.constant 2 : i32
    %dma_wait3A_219 = arith.constant 6 : i32
    %dma_wait3A_220 = arith.constant 0 : i32
    %dma_wait3A_221 = tpu.memref_slice %arg14[%dma_wait3A_216, %dma_wait3A_217, %dma_wait3A_220] : memref<3x8x128xf32, #tpu.memory_space<vmem>> -> memref<1x1x128xf32, #tpu.memory_space<vmem>>
    %dma_wait3A_222 = tpu.memref_squeeze %dma_wait3A_221 : memref<1x1x128xf32, #tpu.memory_space<vmem>> -> memref<128xf32, #tpu.memory_space<vmem>>
    %dma_wait3A_223 = arith.constant 0 : i32
    %dma_wait3A_224 = tpu.memref_slice %arg13[%dma_wait3A_218, %dma_wait3A_219, %dma_wait3A_223] : memref<3x8x128xi32, #tpu.memory_space<vmem>> -> memref<1x1x128xi32, #tpu.memory_space<vmem>>
    %dma_wait3A_225 = tpu.memref_squeeze %dma_wait3A_224 : memref<1x1x128xi32, #tpu.memory_space<vmem>> -> memref<128xi32, #tpu.memory_space<vmem>>
    %dma_wait3A_226 = arith.constant 0 : i32
    %dma_wait3A_227 = tpu.memref_slice %arg16[%dma_wait3A_226] : memref<100352xf32, #tpu.memory_space<vmem_shared>> -> memref<100352xf32, #tpu.memory_space<vmem_shared>>
    tpu.wait_indirect_dma semaphore(%arg18 : memref<!tpu.dma_semaphore, #tpu.memory_space<semaphore_mem>>) src(%dma_wait3A_222 : memref<128xf32, #tpu.memory_space<vmem>>) dst(%dma_wait3A_227 : memref<100352xf32, #tpu.memory_space<vmem_shared>>)
    %dma_wait3A_228 = arith.constant 2 : i32
    %dma_wait3A_229 = arith.constant 7 : i32
    %dma_wait3A_230 = arith.constant 2 : i32
    %dma_wait3A_231 = arith.constant 7 : i32
    %dma_wait3A_232 = arith.constant 0 : i32
    %dma_wait3A_233 = tpu.memref_slice %arg14[%dma_wait3A_228, %dma_wait3A_229, %dma_wait3A_232] : memref<3x8x128xf32, #tpu.memory_space<vmem>> -> memref<1x1x128xf32, #tpu.memory_space<vmem>>
    %dma_wait3A_234 = tpu.memref_squeeze %dma_wait3A_233 : memref<1x1x128xf32, #tpu.memory_space<vmem>> -> memref<128xf32, #tpu.memory_space<vmem>>
    %dma_wait3A_235 = arith.constant 0 : i32
    %dma_wait3A_236 = tpu.memref_slice %arg12[%dma_wait3A_230, %dma_wait3A_231, %dma_wait3A_235] : memref<3x8x128xi32, #tpu.memory_space<vmem>> -> memref<1x1x128xi32, #tpu.memory_space<vmem>>
    %dma_wait3A_237 = tpu.memref_squeeze %dma_wait3A_236 : memref<1x1x128xi32, #tpu.memory_space<vmem>> -> memref<128xi32, #tpu.memory_space<vmem>>
    %dma_wait3A_238 = arith.constant 0 : i32
    %dma_wait3A_239 = tpu.memref_slice %arg16[%dma_wait3A_238] : memref<100352xf32, #tpu.memory_space<vmem_shared>> -> memref<100352xf32, #tpu.memory_space<vmem_shared>>
    tpu.wait_indirect_dma semaphore(%arg18 : memref<!tpu.dma_semaphore, #tpu.memory_space<semaphore_mem>>) src(%dma_wait3A_234 : memref<128xf32, #tpu.memory_space<vmem>>) dst(%dma_wait3A_239 : memref<100352xf32, #tpu.memory_space<vmem_shared>>)
    %dma_wait3A_240 = arith.constant 2 : i32
    %dma_wait3A_241 = arith.constant 7 : i32
    %dma_wait3A_242 = arith.constant 2 : i32
    %dma_wait3A_243 = arith.constant 7 : i32
    %dma_wait3A_244 = arith.constant 0 : i32
    %dma_wait3A_245 = tpu.memref_slice %arg14[%dma_wait3A_240, %dma_wait3A_241, %dma_wait3A_244] : memref<3x8x128xf32, #tpu.memory_space<vmem>> -> memref<1x1x128xf32, #tpu.memory_space<vmem>>
    %dma_wait3A_246 = tpu.memref_squeeze %dma_wait3A_245 : memref<1x1x128xf32, #tpu.memory_space<vmem>> -> memref<128xf32, #tpu.memory_space<vmem>>
    %dma_wait3A_247 = arith.constant 0 : i32
    %dma_wait3A_248 = tpu.memref_slice %arg13[%dma_wait3A_242, %dma_wait3A_243, %dma_wait3A_247] : memref<3x8x128xi32, #tpu.memory_space<vmem>> -> memref<1x1x128xi32, #tpu.memory_space<vmem>>
    %dma_wait3A_249 = tpu.memref_squeeze %dma_wait3A_248 : memref<1x1x128xi32, #tpu.memory_space<vmem>> -> memref<128xi32, #tpu.memory_space<vmem>>
    %dma_wait3A_250 = arith.constant 0 : i32
    %dma_wait3A_251 = tpu.memref_slice %arg16[%dma_wait3A_250] : memref<100352xf32, #tpu.memory_space<vmem_shared>> -> memref<100352xf32, #tpu.memory_space<vmem_shared>>
    tpu.wait_indirect_dma semaphore(%arg18 : memref<!tpu.dma_semaphore, #tpu.memory_space<semaphore_mem>>) src(%dma_wait3A_246 : memref<128xf32, #tpu.memory_space<vmem>>) dst(%dma_wait3A_251 : memref<100352xf32, #tpu.memory_space<vmem_shared>>)
    %dma_wait3A_252 = arith.constant 0 : i32
    %dma_wait3A_253 = arith.constant 0 : i32
    %dma_wait3A_254 = arith.constant 0 : i32
    %dma_wait3A_255 = arith.constant 0 : i32
    %dma_wait3A_256 = arith.constant 0 : i32
    %dma_wait3A_257 = tpu.memref_slice %arg14[%dma_wait3A_252, %dma_wait3A_253, %dma_wait3A_256] : memref<3x8x128xf32, #tpu.memory_space<vmem>> -> memref<1x1x128xf32, #tpu.memory_space<vmem>>
    %dma_wait3A_258 = tpu.memref_squeeze %dma_wait3A_257 : memref<1x1x128xf32, #tpu.memory_space<vmem>> -> memref<128xf32, #tpu.memory_space<vmem>>
    %dma_wait3A_259 = arith.constant 0 : i32
    %dma_wait3A_260 = tpu.memref_slice %arg12[%dma_wait3A_254, %dma_wait3A_255, %dma_wait3A_259] : memref<3x8x128xi32, #tpu.memory_space<vmem>> -> memref<1x1x128xi32, #tpu.memory_space<vmem>>
    %dma_wait3A_261 = tpu.memref_squeeze %dma_wait3A_260 : memref<1x1x128xi32, #tpu.memory_space<vmem>> -> memref<128xi32, #tpu.memory_space<vmem>>
    %dma_wait3A_262 = arith.constant 0 : i32
    %dma_wait3A_263 = tpu.memref_slice %arg16[%dma_wait3A_262] : memref<100352xf32, #tpu.memory_space<vmem_shared>> -> memref<100352xf32, #tpu.memory_space<vmem_shared>>
    tpu.wait_indirect_dma semaphore(%arg18 : memref<!tpu.dma_semaphore, #tpu.memory_space<semaphore_mem>>) src(%dma_wait3A_258 : memref<128xf32, #tpu.memory_space<vmem>>) dst(%dma_wait3A_263 : memref<100352xf32, #tpu.memory_space<vmem_shared>>)
    %dma_wait3A_264 = arith.constant 0 : i32
    %dma_wait3A_265 = arith.constant 0 : i32
    %dma_wait3A_266 = arith.constant 0 : i32
    %dma_wait3A_267 = arith.constant 0 : i32
    %dma_wait3A_268 = arith.constant 0 : i32
    %dma_wait3A_269 = tpu.memref_slice %arg14[%dma_wait3A_264, %dma_wait3A_265, %dma_wait3A_268] : memref<3x8x128xf32, #tpu.memory_space<vmem>> -> memref<1x1x128xf32, #tpu.memory_space<vmem>>
    %dma_wait3A_270 = tpu.memref_squeeze %dma_wait3A_269 : memref<1x1x128xf32, #tpu.memory_space<vmem>> -> memref<128xf32, #tpu.memory_space<vmem>>
    %dma_wait3A_271 = arith.constant 0 : i32
    %dma_wait3A_272 = tpu.memref_slice %arg13[%dma_wait3A_266, %dma_wait3A_267, %dma_wait3A_271] : memref<3x8x128xi32, #tpu.memory_space<vmem>> -> memref<1x1x128xi32, #tpu.memory_space<vmem>>
    %dma_wait3A_273 = tpu.memref_squeeze %dma_wait3A_272 : memref<1x1x128xi32, #tpu.memory_space<vmem>> -> memref<128xi32, #tpu.memory_space<vmem>>
    %dma_wait3A_274 = arith.constant 0 : i32
    %dma_wait3A_275 = tpu.memref_slice %arg16[%dma_wait3A_274] : memref<100352xf32, #tpu.memory_space<vmem_shared>> -> memref<100352xf32, #tpu.memory_space<vmem_shared>>
    tpu.wait_indirect_dma semaphore(%arg18 : memref<!tpu.dma_semaphore, #tpu.memory_space<semaphore_mem>>) src(%dma_wait3A_270 : memref<128xf32, #tpu.memory_space<vmem>>) dst(%dma_wait3A_275 : memref<100352xf32, #tpu.memory_space<vmem_shared>>)
    %dma_wait3A_276 = arith.constant 0 : i32
    %dma_wait3A_277 = arith.constant 1 : i32
    %dma_wait3A_278 = arith.constant 0 : i32
    %dma_wait3A_279 = arith.constant 1 : i32
    %dma_wait3A_280 = arith.constant 0 : i32
    %dma_wait3A_281 = tpu.memref_slice %arg14[%dma_wait3A_276, %dma_wait3A_277, %dma_wait3A_280] : memref<3x8x128xf32, #tpu.memory_space<vmem>> -> memref<1x1x128xf32, #tpu.memory_space<vmem>>
    %dma_wait3A_282 = tpu.memref_squeeze %dma_wait3A_281 : memref<1x1x128xf32, #tpu.memory_space<vmem>> -> memref<128xf32, #tpu.memory_space<vmem>>
    %dma_wait3A_283 = arith.constant 0 : i32
    %dma_wait3A_284 = tpu.memref_slice %arg12[%dma_wait3A_278, %dma_wait3A_279, %dma_wait3A_283] : memref<3x8x128xi32, #tpu.memory_space<vmem>> -> memref<1x1x128xi32, #tpu.memory_space<vmem>>
    %dma_wait3A_285 = tpu.memref_squeeze %dma_wait3A_284 : memref<1x1x128xi32, #tpu.memory_space<vmem>> -> memref<128xi32, #tpu.memory_space<vmem>>
    %dma_wait3A_286 = arith.constant 0 : i32
    %dma_wait3A_287 = tpu.memref_slice %arg16[%dma_wait3A_286] : memref<100352xf32, #tpu.memory_space<vmem_shared>> -> memref<100352xf32, #tpu.memory_space<vmem_shared>>
    tpu.wait_indirect_dma semaphore(%arg18 : memref<!tpu.dma_semaphore, #tpu.memory_space<semaphore_mem>>) src(%dma_wait3A_282 : memref<128xf32, #tpu.memory_space<vmem>>) dst(%dma_wait3A_287 : memref<100352xf32, #tpu.memory_space<vmem_shared>>)
    %dma_wait3A_288 = arith.constant 0 : i32
    %dma_wait3A_289 = arith.constant 1 : i32
    %dma_wait3A_290 = arith.constant 0 : i32
    %dma_wait3A_291 = arith.constant 1 : i32
    %dma_wait3A_292 = arith.constant 0 : i32
    %dma_wait3A_293 = tpu.memref_slice %arg14[%dma_wait3A_288, %dma_wait3A_289, %dma_wait3A_292] : memref<3x8x128xf32, #tpu.memory_space<vmem>> -> memref<1x1x128xf32, #tpu.memory_space<vmem>>
    %dma_wait3A_294 = tpu.memref_squeeze %dma_wait3A_293 : memref<1x1x128xf32, #tpu.memory_space<vmem>> -> memref<128xf32, #tpu.memory_space<vmem>>
    %dma_wait3A_295 = arith.constant 0 : i32
    %dma_wait3A_296 = tpu.memref_slice %arg13[%dma_wait3A_290, %dma_wait3A_291, %dma_wait3A_295] : memref<3x8x128xi32, #tpu.memory_space<vmem>> -> memref<1x1x128xi32, #tpu.memory_space<vmem>>
    %dma_wait3A_297 = tpu.memref_squeeze %dma_wait3A_296 : memref<1x1x128xi32, #tpu.memory_space<vmem>> -> memref<128xi32, #tpu.memory_space<vmem>>
    %dma_wait3A_298 = arith.constant 0 : i32
    %dma_wait3A_299 = tpu.memref_slice %arg16[%dma_wait3A_298] : memref<100352xf32, #tpu.memory_space<vmem_shared>> -> memref<100352xf32, #tpu.memory_space<vmem_shared>>
    tpu.wait_indirect_dma semaphore(%arg18 : memref<!tpu.dma_semaphore, #tpu.memory_space<semaphore_mem>>) src(%dma_wait3A_294 : memref<128xf32, #tpu.memory_space<vmem>>) dst(%dma_wait3A_299 : memref<100352xf32, #tpu.memory_space<vmem_shared>>)
    %dma_wait3A_300 = arith.constant 0 : i32
    %dma_wait3A_301 = arith.constant 2 : i32
    %dma_wait3A_302 = arith.constant 0 : i32
    %dma_wait3A_303 = arith.constant 2 : i32
    %dma_wait3A_304 = arith.constant 0 : i32
    %dma_wait3A_305 = tpu.memref_slice %arg14[%dma_wait3A_300, %dma_wait3A_301, %dma_wait3A_304] : memref<3x8x128xf32, #tpu.memory_space<vmem>> -> memref<1x1x128xf32, #tpu.memory_space<vmem>>
    %dma_wait3A_306 = tpu.memref_squeeze %dma_wait3A_305 : memref<1x1x128xf32, #tpu.memory_space<vmem>> -> memref<128xf32, #tpu.memory_space<vmem>>
    %dma_wait3A_307 = arith.constant 0 : i32
    %dma_wait3A_308 = tpu.memref_slice %arg12[%dma_wait3A_302, %dma_wait3A_303, %dma_wait3A_307] : memref<3x8x128xi32, #tpu.memory_space<vmem>> -> memref<1x1x128xi32, #tpu.memory_space<vmem>>
    %dma_wait3A_309 = tpu.memref_squeeze %dma_wait3A_308 : memref<1x1x128xi32, #tpu.memory_space<vmem>> -> memref<128xi32, #tpu.memory_space<vmem>>
    %dma_wait3A_310 = arith.constant 0 : i32
    %dma_wait3A_311 = tpu.memref_slice %arg16[%dma_wait3A_310] : memref<100352xf32, #tpu.memory_space<vmem_shared>> -> memref<100352xf32, #tpu.memory_space<vmem_shared>>
    tpu.wait_indirect_dma semaphore(%arg18 : memref<!tpu.dma_semaphore, #tpu.memory_space<semaphore_mem>>) src(%dma_wait3A_306 : memref<128xf32, #tpu.memory_space<vmem>>) dst(%dma_wait3A_311 : memref<100352xf32, #tpu.memory_space<vmem_shared>>)
    %dma_wait3A_312 = arith.constant 0 : i32
    %dma_wait3A_313 = arith.constant 2 : i32
    %dma_wait3A_314 = arith.constant 0 : i32
    %dma_wait3A_315 = arith.constant 2 : i32
    %dma_wait3A_316 = arith.constant 0 : i32
    %dma_wait3A_317 = tpu.memref_slice %arg14[%dma_wait3A_312, %dma_wait3A_313, %dma_wait3A_316] : memref<3x8x128xf32, #tpu.memory_space<vmem>> -> memref<1x1x128xf32, #tpu.memory_space<vmem>>
    %dma_wait3A_318 = tpu.memref_squeeze %dma_wait3A_317 : memref<1x1x128xf32, #tpu.memory_space<vmem>> -> memref<128xf32, #tpu.memory_space<vmem>>
    %dma_wait3A_319 = arith.constant 0 : i32
    %dma_wait3A_320 = tpu.memref_slice %arg13[%dma_wait3A_314, %dma_wait3A_315, %dma_wait3A_319] : memref<3x8x128xi32, #tpu.memory_space<vmem>> -> memref<1x1x128xi32, #tpu.memory_space<vmem>>
    %dma_wait3A_321 = tpu.memref_squeeze %dma_wait3A_320 : memref<1x1x128xi32, #tpu.memory_space<vmem>> -> memref<128xi32, #tpu.memory_space<vmem>>
    %dma_wait3A_322 = arith.constant 0 : i32
    %dma_wait3A_323 = tpu.memref_slice %arg16[%dma_wait3A_322] : memref<100352xf32, #tpu.memory_space<vmem_shared>> -> memref<100352xf32, #tpu.memory_space<vmem_shared>>
    tpu.wait_indirect_dma semaphore(%arg18 : memref<!tpu.dma_semaphore, #tpu.memory_space<semaphore_mem>>) src(%dma_wait3A_318 : memref<128xf32, #tpu.memory_space<vmem>>) dst(%dma_wait3A_323 : memref<100352xf32, #tpu.memory_space<vmem_shared>>)
    %dma_wait3A_324 = arith.constant 0 : i32
    %dma_wait3A_325 = arith.constant 3 : i32
    %dma_wait3A_326 = arith.constant 0 : i32
    %dma_wait3A_327 = arith.constant 3 : i32
    %dma_wait3A_328 = arith.constant 0 : i32
    %dma_wait3A_329 = tpu.memref_slice %arg14[%dma_wait3A_324, %dma_wait3A_325, %dma_wait3A_328] : memref<3x8x128xf32, #tpu.memory_space<vmem>> -> memref<1x1x128xf32, #tpu.memory_space<vmem>>
    %dma_wait3A_330 = tpu.memref_squeeze %dma_wait3A_329 : memref<1x1x128xf32, #tpu.memory_space<vmem>> -> memref<128xf32, #tpu.memory_space<vmem>>
    %dma_wait3A_331 = arith.constant 0 : i32
    %dma_wait3A_332 = tpu.memref_slice %arg12[%dma_wait3A_326, %dma_wait3A_327, %dma_wait3A_331] : memref<3x8x128xi32, #tpu.memory_space<vmem>> -> memref<1x1x128xi32, #tpu.memory_space<vmem>>
    %dma_wait3A_333 = tpu.memref_squeeze %dma_wait3A_332 : memref<1x1x128xi32, #tpu.memory_space<vmem>> -> memref<128xi32, #tpu.memory_space<vmem>>
    %dma_wait3A_334 = arith.constant 0 : i32
    %dma_wait3A_335 = tpu.memref_slice %arg16[%dma_wait3A_334] : memref<100352xf32, #tpu.memory_space<vmem_shared>> -> memref<100352xf32, #tpu.memory_space<vmem_shared>>
    tpu.wait_indirect_dma semaphore(%arg18 : memref<!tpu.dma_semaphore, #tpu.memory_space<semaphore_mem>>) src(%dma_wait3A_330 : memref<128xf32, #tpu.memory_space<vmem>>) dst(%dma_wait3A_335 : memref<100352xf32, #tpu.memory_space<vmem_shared>>)
    %dma_wait3A_336 = arith.constant 0 : i32
    %dma_wait3A_337 = arith.constant 3 : i32
    %dma_wait3A_338 = arith.constant 0 : i32
    %dma_wait3A_339 = arith.constant 3 : i32
    %dma_wait3A_340 = arith.constant 0 : i32
    %dma_wait3A_341 = tpu.memref_slice %arg14[%dma_wait3A_336, %dma_wait3A_337, %dma_wait3A_340] : memref<3x8x128xf32, #tpu.memory_space<vmem>> -> memref<1x1x128xf32, #tpu.memory_space<vmem>>
    %dma_wait3A_342 = tpu.memref_squeeze %dma_wait3A_341 : memref<1x1x128xf32, #tpu.memory_space<vmem>> -> memref<128xf32, #tpu.memory_space<vmem>>
    %dma_wait3A_343 = arith.constant 0 : i32
    %dma_wait3A_344 = tpu.memref_slice %arg13[%dma_wait3A_338, %dma_wait3A_339, %dma_wait3A_343] : memref<3x8x128xi32, #tpu.memory_space<vmem>> -> memref<1x1x128xi32, #tpu.memory_space<vmem>>
    %dma_wait3A_345 = tpu.memref_squeeze %dma_wait3A_344 : memref<1x1x128xi32, #tpu.memory_space<vmem>> -> memref<128xi32, #tpu.memory_space<vmem>>
    %dma_wait3A_346 = arith.constant 0 : i32
    %dma_wait3A_347 = tpu.memref_slice %arg16[%dma_wait3A_346] : memref<100352xf32, #tpu.memory_space<vmem_shared>> -> memref<100352xf32, #tpu.memory_space<vmem_shared>>
    tpu.wait_indirect_dma semaphore(%arg18 : memref<!tpu.dma_semaphore, #tpu.memory_space<semaphore_mem>>) src(%dma_wait3A_342 : memref<128xf32, #tpu.memory_space<vmem>>) dst(%dma_wait3A_347 : memref<100352xf32, #tpu.memory_space<vmem_shared>>)
    %dma_wait3A_348 = arith.constant 0 : i32
    %dma_wait3A_349 = arith.constant 4 : i32
    %dma_wait3A_350 = arith.constant 0 : i32
    %dma_wait3A_351 = arith.constant 4 : i32
    %dma_wait3A_352 = arith.constant 0 : i32
    %dma_wait3A_353 = tpu.memref_slice %arg14[%dma_wait3A_348, %dma_wait3A_349, %dma_wait3A_352] : memref<3x8x128xf32, #tpu.memory_space<vmem>> -> memref<1x1x128xf32, #tpu.memory_space<vmem>>
    %dma_wait3A_354 = tpu.memref_squeeze %dma_wait3A_353 : memref<1x1x128xf32, #tpu.memory_space<vmem>> -> memref<128xf32, #tpu.memory_space<vmem>>
    %dma_wait3A_355 = arith.constant 0 : i32
    %dma_wait3A_356 = tpu.memref_slice %arg12[%dma_wait3A_350, %dma_wait3A_351, %dma_wait3A_355] : memref<3x8x128xi32, #tpu.memory_space<vmem>> -> memref<1x1x128xi32, #tpu.memory_space<vmem>>
    %dma_wait3A_357 = tpu.memref_squeeze %dma_wait3A_356 : memref<1x1x128xi32, #tpu.memory_space<vmem>> -> memref<128xi32, #tpu.memory_space<vmem>>
    %dma_wait3A_358 = arith.constant 0 : i32
    %dma_wait3A_359 = tpu.memref_slice %arg16[%dma_wait3A_358] : memref<100352xf32, #tpu.memory_space<vmem_shared>> -> memref<100352xf32, #tpu.memory_space<vmem_shared>>
    tpu.wait_indirect_dma semaphore(%arg18 : memref<!tpu.dma_semaphore, #tpu.memory_space<semaphore_mem>>) src(%dma_wait3A_354 : memref<128xf32, #tpu.memory_space<vmem>>) dst(%dma_wait3A_359 : memref<100352xf32, #tpu.memory_space<vmem_shared>>)
    %dma_wait3A_360 = arith.constant 0 : i32
    %dma_wait3A_361 = arith.constant 4 : i32
    %dma_wait3A_362 = arith.constant 0 : i32
    %dma_wait3A_363 = arith.constant 4 : i32
    %dma_wait3A_364 = arith.constant 0 : i32
    %dma_wait3A_365 = tpu.memref_slice %arg14[%dma_wait3A_360, %dma_wait3A_361, %dma_wait3A_364] : memref<3x8x128xf32, #tpu.memory_space<vmem>> -> memref<1x1x128xf32, #tpu.memory_space<vmem>>
    %dma_wait3A_366 = tpu.memref_squeeze %dma_wait3A_365 : memref<1x1x128xf32, #tpu.memory_space<vmem>> -> memref<128xf32, #tpu.memory_space<vmem>>
    %dma_wait3A_367 = arith.constant 0 : i32
    %dma_wait3A_368 = tpu.memref_slice %arg13[%dma_wait3A_362, %dma_wait3A_363, %dma_wait3A_367] : memref<3x8x128xi32, #tpu.memory_space<vmem>> -> memref<1x1x128xi32, #tpu.memory_space<vmem>>
    %dma_wait3A_369 = tpu.memref_squeeze %dma_wait3A_368 : memref<1x1x128xi32, #tpu.memory_space<vmem>> -> memref<128xi32, #tpu.memory_space<vmem>>
    %dma_wait3A_370 = arith.constant 0 : i32
    %dma_wait3A_371 = tpu.memref_slice %arg16[%dma_wait3A_370] : memref<100352xf32, #tpu.memory_space<vmem_shared>> -> memref<100352xf32, #tpu.memory_space<vmem_shared>>
    tpu.wait_indirect_dma semaphore(%arg18 : memref<!tpu.dma_semaphore, #tpu.memory_space<semaphore_mem>>) src(%dma_wait3A_366 : memref<128xf32, #tpu.memory_space<vmem>>) dst(%dma_wait3A_371 : memref<100352xf32, #tpu.memory_space<vmem_shared>>)
    %dma_wait3A_372 = arith.constant 0 : i32
    %dma_wait3A_373 = arith.constant 5 : i32
    %dma_wait3A_374 = arith.constant 0 : i32
    %dma_wait3A_375 = arith.constant 5 : i32
    %dma_wait3A_376 = arith.constant 0 : i32
    %dma_wait3A_377 = tpu.memref_slice %arg14[%dma_wait3A_372, %dma_wait3A_373, %dma_wait3A_376] : memref<3x8x128xf32, #tpu.memory_space<vmem>> -> memref<1x1x128xf32, #tpu.memory_space<vmem>>
    %dma_wait3A_378 = tpu.memref_squeeze %dma_wait3A_377 : memref<1x1x128xf32, #tpu.memory_space<vmem>> -> memref<128xf32, #tpu.memory_space<vmem>>
    %dma_wait3A_379 = arith.constant 0 : i32
    %dma_wait3A_380 = tpu.memref_slice %arg12[%dma_wait3A_374, %dma_wait3A_375, %dma_wait3A_379] : memref<3x8x128xi32, #tpu.memory_space<vmem>> -> memref<1x1x128xi32, #tpu.memory_space<vmem>>
    %dma_wait3A_381 = tpu.memref_squeeze %dma_wait3A_380 : memref<1x1x128xi32, #tpu.memory_space<vmem>> -> memref<128xi32, #tpu.memory_space<vmem>>
    %dma_wait3A_382 = arith.constant 0 : i32
    %dma_wait3A_383 = tpu.memref_slice %arg16[%dma_wait3A_382] : memref<100352xf32, #tpu.memory_space<vmem_shared>> -> memref<100352xf32, #tpu.memory_space<vmem_shared>>
    tpu.wait_indirect_dma semaphore(%arg18 : memref<!tpu.dma_semaphore, #tpu.memory_space<semaphore_mem>>) src(%dma_wait3A_378 : memref<128xf32, #tpu.memory_space<vmem>>) dst(%dma_wait3A_383 : memref<100352xf32, #tpu.memory_space<vmem_shared>>)
    %dma_wait3A_384 = arith.constant 0 : i32
    %dma_wait3A_385 = arith.constant 5 : i32
    %dma_wait3A_386 = arith.constant 0 : i32
    %dma_wait3A_387 = arith.constant 5 : i32
    %dma_wait3A_388 = arith.constant 0 : i32
    %dma_wait3A_389 = tpu.memref_slice %arg14[%dma_wait3A_384, %dma_wait3A_385, %dma_wait3A_388] : memref<3x8x128xf32, #tpu.memory_space<vmem>> -> memref<1x1x128xf32, #tpu.memory_space<vmem>>
    %dma_wait3A_390 = tpu.memref_squeeze %dma_wait3A_389 : memref<1x1x128xf32, #tpu.memory_space<vmem>> -> memref<128xf32, #tpu.memory_space<vmem>>
    %dma_wait3A_391 = arith.constant 0 : i32
    %dma_wait3A_392 = tpu.memref_slice %arg13[%dma_wait3A_386, %dma_wait3A_387, %dma_wait3A_391] : memref<3x8x128xi32, #tpu.memory_space<vmem>> -> memref<1x1x128xi32, #tpu.memory_space<vmem>>
    %dma_wait3A_393 = tpu.memref_squeeze %dma_wait3A_392 : memref<1x1x128xi32, #tpu.memory_space<vmem>> -> memref<128xi32, #tpu.memory_space<vmem>>
    %dma_wait3A_394 = arith.constant 0 : i32
    %dma_wait3A_395 = tpu.memref_slice %arg16[%dma_wait3A_394] : memref<100352xf32, #tpu.memory_space<vmem_shared>> -> memref<100352xf32, #tpu.memory_space<vmem_shared>>
    tpu.wait_indirect_dma semaphore(%arg18 : memref<!tpu.dma_semaphore, #tpu.memory_space<semaphore_mem>>) src(%dma_wait3A_390 : memref<128xf32, #tpu.memory_space<vmem>>) dst(%dma_wait3A_395 : memref<100352xf32, #tpu.memory_space<vmem_shared>>)
    %dma_wait3A_396 = arith.constant 0 : i32
    %dma_wait3A_397 = arith.constant 6 : i32
    %dma_wait3A_398 = arith.constant 0 : i32
    %dma_wait3A_399 = arith.constant 6 : i32
    %dma_wait3A_400 = arith.constant 0 : i32
    %dma_wait3A_401 = tpu.memref_slice %arg14[%dma_wait3A_396, %dma_wait3A_397, %dma_wait3A_400] : memref<3x8x128xf32, #tpu.memory_space<vmem>> -> memref<1x1x128xf32, #tpu.memory_space<vmem>>
    %dma_wait3A_402 = tpu.memref_squeeze %dma_wait3A_401 : memref<1x1x128xf32, #tpu.memory_space<vmem>> -> memref<128xf32, #tpu.memory_space<vmem>>
    %dma_wait3A_403 = arith.constant 0 : i32
    %dma_wait3A_404 = tpu.memref_slice %arg12[%dma_wait3A_398, %dma_wait3A_399, %dma_wait3A_403] : memref<3x8x128xi32, #tpu.memory_space<vmem>> -> memref<1x1x128xi32, #tpu.memory_space<vmem>>
    %dma_wait3A_405 = tpu.memref_squeeze %dma_wait3A_404 : memref<1x1x128xi32, #tpu.memory_space<vmem>> -> memref<128xi32, #tpu.memory_space<vmem>>
    %dma_wait3A_406 = arith.constant 0 : i32
    %dma_wait3A_407 = tpu.memref_slice %arg16[%dma_wait3A_406] : memref<100352xf32, #tpu.memory_space<vmem_shared>> -> memref<100352xf32, #tpu.memory_space<vmem_shared>>
    tpu.wait_indirect_dma semaphore(%arg18 : memref<!tpu.dma_semaphore, #tpu.memory_space<semaphore_mem>>) src(%dma_wait3A_402 : memref<128xf32, #tpu.memory_space<vmem>>) dst(%dma_wait3A_407 : memref<100352xf32, #tpu.memory_space<vmem_shared>>)
    %dma_wait3A_408 = arith.constant 0 : i32
    %dma_wait3A_409 = arith.constant 6 : i32
    %dma_wait3A_410 = arith.constant 0 : i32
    %dma_wait3A_411 = arith.constant 6 : i32
    %dma_wait3A_412 = arith.constant 0 : i32
    %dma_wait3A_413 = tpu.memref_slice %arg14[%dma_wait3A_408, %dma_wait3A_409, %dma_wait3A_412] : memref<3x8x128xf32, #tpu.memory_space<vmem>> -> memref<1x1x128xf32, #tpu.memory_space<vmem>>
    %dma_wait3A_414 = tpu.memref_squeeze %dma_wait3A_413 : memref<1x1x128xf32, #tpu.memory_space<vmem>> -> memref<128xf32, #tpu.memory_space<vmem>>
    %dma_wait3A_415 = arith.constant 0 : i32
    %dma_wait3A_416 = tpu.memref_slice %arg13[%dma_wait3A_410, %dma_wait3A_411, %dma_wait3A_415] : memref<3x8x128xi32, #tpu.memory_space<vmem>> -> memref<1x1x128xi32, #tpu.memory_space<vmem>>
    %dma_wait3A_417 = tpu.memref_squeeze %dma_wait3A_416 : memref<1x1x128xi32, #tpu.memory_space<vmem>> -> memref<128xi32, #tpu.memory_space<vmem>>
    %dma_wait3A_418 = arith.constant 0 : i32
    %dma_wait3A_419 = tpu.memref_slice %arg16[%dma_wait3A_418] : memref<100352xf32, #tpu.memory_space<vmem_shared>> -> memref<100352xf32, #tpu.memory_space<vmem_shared>>
    tpu.wait_indirect_dma semaphore(%arg18 : memref<!tpu.dma_semaphore, #tpu.memory_space<semaphore_mem>>) src(%dma_wait3A_414 : memref<128xf32, #tpu.memory_space<vmem>>) dst(%dma_wait3A_419 : memref<100352xf32, #tpu.memory_space<vmem_shared>>)
    %dma_wait3A_420 = arith.constant 0 : i32
    %dma_wait3A_421 = arith.constant 7 : i32
    %dma_wait3A_422 = arith.constant 0 : i32
    %dma_wait3A_423 = arith.constant 7 : i32
    %dma_wait3A_424 = arith.constant 0 : i32
    %dma_wait3A_425 = tpu.memref_slice %arg14[%dma_wait3A_420, %dma_wait3A_421, %dma_wait3A_424] : memref<3x8x128xf32, #tpu.memory_space<vmem>> -> memref<1x1x128xf32, #tpu.memory_space<vmem>>
    %dma_wait3A_426 = tpu.memref_squeeze %dma_wait3A_425 : memref<1x1x128xf32, #tpu.memory_space<vmem>> -> memref<128xf32, #tpu.memory_space<vmem>>
    %dma_wait3A_427 = arith.constant 0 : i32
    %dma_wait3A_428 = tpu.memref_slice %arg12[%dma_wait3A_422, %dma_wait3A_423, %dma_wait3A_427] : memref<3x8x128xi32, #tpu.memory_space<vmem>> -> memref<1x1x128xi32, #tpu.memory_space<vmem>>
    %dma_wait3A_429 = tpu.memref_squeeze %dma_wait3A_428 : memref<1x1x128xi32, #tpu.memory_space<vmem>> -> memref<128xi32, #tpu.memory_space<vmem>>
    %dma_wait3A_430 = arith.constant 0 : i32
    %dma_wait3A_431 = tpu.memref_slice %arg16[%dma_wait3A_430] : memref<100352xf32, #tpu.memory_space<vmem_shared>> -> memref<100352xf32, #tpu.memory_space<vmem_shared>>
    tpu.wait_indirect_dma semaphore(%arg18 : memref<!tpu.dma_semaphore, #tpu.memory_space<semaphore_mem>>) src(%dma_wait3A_426 : memref<128xf32, #tpu.memory_space<vmem>>) dst(%dma_wait3A_431 : memref<100352xf32, #tpu.memory_space<vmem_shared>>)
    %dma_wait3A_432 = arith.constant 0 : i32
    %dma_wait3A_433 = arith.constant 7 : i32
    %dma_wait3A_434 = arith.constant 0 : i32
    %dma_wait3A_435 = arith.constant 7 : i32
    %dma_wait3A_436 = arith.constant 0 : i32
    %dma_wait3A_437 = tpu.memref_slice %arg14[%dma_wait3A_432, %dma_wait3A_433, %dma_wait3A_436] : memref<3x8x128xf32, #tpu.memory_space<vmem>> -> memref<1x1x128xf32, #tpu.memory_space<vmem>>
    %dma_wait3A_438 = tpu.memref_squeeze %dma_wait3A_437 : memref<1x1x128xf32, #tpu.memory_space<vmem>> -> memref<128xf32, #tpu.memory_space<vmem>>
    %dma_wait3A_439 = arith.constant 0 : i32
    %dma_wait3A_440 = tpu.memref_slice %arg13[%dma_wait3A_434, %dma_wait3A_435, %dma_wait3A_439] : memref<3x8x128xi32, #tpu.memory_space<vmem>> -> memref<1x1x128xi32, #tpu.memory_space<vmem>>
    %dma_wait3A_441 = tpu.memref_squeeze %dma_wait3A_440 : memref<1x1x128xi32, #tpu.memory_space<vmem>> -> memref<128xi32, #tpu.memory_space<vmem>>
    %dma_wait3A_442 = arith.constant 0 : i32
    %dma_wait3A_443 = tpu.memref_slice %arg16[%dma_wait3A_442] : memref<100352xf32, #tpu.memory_space<vmem_shared>> -> memref<100352xf32, #tpu.memory_space<vmem_shared>>
    tpu.wait_indirect_dma semaphore(%arg18 : memref<!tpu.dma_semaphore, #tpu.memory_space<semaphore_mem>>) src(%dma_wait3A_438 : memref<128xf32, #tpu.memory_space<vmem>>) dst(%dma_wait3A_443 : memref<100352xf32, #tpu.memory_space<vmem_shared>>)
    %barrier3A_444 = arith.constant 0 : index
    tpu.barrier barrier_id(%barrier3A_444)
    %mul3A_445 = arith.constant 6272 : i32
    %mul3A_446 = arith.muli %arg1, %mul3A_445 : i32
    "tpu.region"() ({
      %run_scoped3A = tpu.sem_alloc : memref<!tpu.dma_semaphore, #tpu.memory_space<semaphore_mem>>
      %dma_start3A_449 = arith.constant 0 : i32
      %dma_start3A_450 = tpu.memref_slice %arg9[%dma_start3A_449] : memref<100352xf32, #tpu.memory_space<vmem>> -> memref<6272xf32, #tpu.memory_space<vmem>>
      %dma_start3A_451 = tpu.memref_slice %arg16[%mul3A_446] : memref<100352xf32, #tpu.memory_space<vmem_shared>> -> memref<6272xf32, #tpu.memory_space<vmem_shared>>
      %dma_start3A_452 = arith.constant 0 : i32
      %dma_start3A_453 = tpu.memref_slice %arg9[%dma_start3A_452] : memref<100352xf32, #tpu.memory_space<vmem>> -> memref<6272xf32, #tpu.memory_space<vmem>>
      %dma_start3A_454 = tpu.memref_slice %arg16[%mul3A_446] : memref<100352xf32, #tpu.memory_space<vmem_shared>> -> memref<6272xf32, #tpu.memory_space<vmem_shared>>
      tpu.enqueue_dma source(%dma_start3A_454 : memref<6272xf32, #tpu.memory_space<vmem_shared>>) target(%dma_start3A_453 : memref<6272xf32, #tpu.memory_space<vmem>>) target_semaphore(%run_scoped3A : memref<!tpu.dma_semaphore, #tpu.memory_space<semaphore_mem>>)
      %dma_wait3A_455 = arith.constant 0 : i32
      %dma_wait3A_456 = tpu.memref_slice %arg9[%dma_wait3A_455] : memref<100352xf32, #tpu.memory_space<vmem>> -> memref<6272xf32, #tpu.memory_space<vmem>>
      %dma_wait3A_457 = tpu.memref_slice %arg16[%mul3A_446] : memref<100352xf32, #tpu.memory_space<vmem_shared>> -> memref<6272xf32, #tpu.memory_space<vmem_shared>>
      %dma_wait3A_458 = arith.constant 0 : i32
      %dma_wait3A_459 = tpu.memref_slice %arg9[%dma_wait3A_458] : memref<100352xf32, #tpu.memory_space<vmem>> -> memref<6272xf32, #tpu.memory_space<vmem>>
      %dma_wait3A_460 = tpu.memref_slice %arg16[%mul3A_446] : memref<100352xf32, #tpu.memory_space<vmem_shared>> -> memref<6272xf32, #tpu.memory_space<vmem_shared>>
      tpu.wait_dma2 semaphore(%run_scoped3A : memref<!tpu.dma_semaphore, #tpu.memory_space<semaphore_mem>>) src(%dma_wait3A_460 : memref<6272xf32, #tpu.memory_space<vmem_shared>>) dst(%dma_wait3A_459 : memref<6272xf32, #tpu.memory_space<vmem>>)
      tpu.yield
    }) : () -> ()
    %mul3A_447 = arith.constant 6272 : i32
    %mul3A_448 = arith.muli %arg1, %mul3A_447 : i32
    "tpu.region"() ({
      %run_scoped3A = tpu.sem_alloc : memref<!tpu.dma_semaphore, #tpu.memory_space<semaphore_mem>>
      %dma_start3A_449 = arith.constant 0 : i32
      %dma_start3A_450 = tpu.memref_slice %arg9[%dma_start3A_449] : memref<100352xf32, #tpu.memory_space<vmem>> -> memref<6272xf32, #tpu.memory_space<vmem>>
      %dma_start3A_451 = tpu.memref_slice %arg8[%arg0, %mul3A_448] : memref<2x100352xf32, #tpu.memory_space<hbm>> -> memref<1x6272xf32, #tpu.memory_space<hbm>>
      %dma_start3A_452 = tpu.memref_squeeze %dma_start3A_451 : memref<1x6272xf32, #tpu.memory_space<hbm>> -> memref<6272xf32, #tpu.memory_space<hbm>>
      %dma_start3A_453 = tpu.memref_slice %arg8[%arg0, %mul3A_448] : memref<2x100352xf32, #tpu.memory_space<hbm>> -> memref<1x6272xf32, #tpu.memory_space<hbm>>
      %dma_start3A_454 = tpu.memref_squeeze %dma_start3A_453 : memref<1x6272xf32, #tpu.memory_space<hbm>> -> memref<6272xf32, #tpu.memory_space<hbm>>
      %dma_start3A_455 = arith.constant 0 : i32
      %dma_start3A_456 = tpu.memref_slice %arg9[%dma_start3A_455] : memref<100352xf32, #tpu.memory_space<vmem>> -> memref<6272xf32, #tpu.memory_space<vmem>>
      tpu.enqueue_dma source(%dma_start3A_456 : memref<6272xf32, #tpu.memory_space<vmem>>) target(%dma_start3A_454 : memref<6272xf32, #tpu.memory_space<hbm>>) target_semaphore(%run_scoped3A : memref<!tpu.dma_semaphore, #tpu.memory_space<semaphore_mem>>)
      %dma_wait3A_457 = arith.constant 0 : i32
      %dma_wait3A_458 = tpu.memref_slice %arg9[%dma_wait3A_457] : memref<100352xf32, #tpu.memory_space<vmem>> -> memref<6272xf32, #tpu.memory_space<vmem>>
      %dma_wait3A_459 = tpu.memref_slice %arg8[%arg0, %mul3A_448] : memref<2x100352xf32, #tpu.memory_space<hbm>> -> memref<1x6272xf32, #tpu.memory_space<hbm>>
      %dma_wait3A_460 = tpu.memref_squeeze %dma_wait3A_459 : memref<1x6272xf32, #tpu.memory_space<hbm>> -> memref<6272xf32, #tpu.memory_space<hbm>>
      %dma_wait3A_461 = tpu.memref_slice %arg8[%arg0, %mul3A_448] : memref<2x100352xf32, #tpu.memory_space<hbm>> -> memref<1x6272xf32, #tpu.memory_space<hbm>>
      %dma_wait3A_462 = tpu.memref_squeeze %dma_wait3A_461 : memref<1x6272xf32, #tpu.memory_space<hbm>> -> memref<6272xf32, #tpu.memory_space<hbm>>
      %dma_wait3A_463 = arith.constant 0 : i32
      %dma_wait3A_464 = tpu.memref_slice %arg9[%dma_wait3A_463] : memref<100352xf32, #tpu.memory_space<vmem>> -> memref<6272xf32, #tpu.memory_space<vmem>>
      tpu.wait_dma2 semaphore(%run_scoped3A : memref<!tpu.dma_semaphore, #tpu.memory_space<semaphore_mem>>) src(%dma_wait3A_464 : memref<6272xf32, #tpu.memory_space<vmem>>) dst(%dma_wait3A_462 : memref<6272xf32, #tpu.memory_space<hbm>>)
      tpu.yield
    }) : () -> ()
    return
  }
}

module attributes {stable_mosaic.version = 14 : i64} {
  func.func @_table_body(%arg0: memref<10x100352xf32, #tpu.memory_space<vmem>>, %arg1: memref<10x1xf32, #tpu.memory_space<vmem>>, %arg2: memref<100352xf32, #tpu.memory_space<vmem>>, %arg3: memref<512xf32, #tpu.memory_space<vmem>>) attributes {dimension_semantics = [], scalar_prefetch = 0 : i64, scratch_operands = 0 : i64, tpu.core_type = #tpu.core_type<tc>} {
    %get3A = arith.constant 0 : index
    %get3A_0 = arith.constant 0 : index
    %get3A_1 = vector.load %arg0[%get3A, %get3A_0] : memref<10x100352xf32, #tpu.memory_space<vmem>>, vector<10x100352xf32>
    %get3A_2 = arith.constant 0 : index
    %get3A_3 = arith.constant 0 : index
    %get3A_4 = vector.load %arg1[%get3A_2, %get3A_3] : memref<10x1xf32, #tpu.memory_space<vmem>>, vector<10x1xf32>
    %mul3A = vector.broadcast %get3A_4 : vector<10x1xf32> to vector<10x100352xf32>
    %mul3A_5 = arith.mulf %get3A_1, %mul3A : vector<10x100352xf32>
    %reduce_sum3A = arith.constant dense<0.000000e+00> : vector<100352xf32>
    %reduce_sum3A_6 = vector.multi_reduction <add>, %mul3A_5, %reduce_sum3A [0] : vector<10x100352xf32> to vector<100352xf32>
    %log3A = math.log %reduce_sum3A_6 : vector<100352xf32>
    %mul3A_7 = arith.constant 2.300000e-01 : f32
    %mul3A_8 = vector.broadcast %mul3A_7 : f32 to vector<100352xf32>
    %mul3A_9 = arith.mulf %mul3A_8, %log3A : vector<100352xf32>
    %exp3A = math.exp %mul3A_9 : vector<100352xf32>
    %convert_element_type3A = arith.truncf %reduce_sum3A_6 : vector<100352xf32> to vector<100352xbf16>
    %bitcast_convert_type3A = tpu.bitcast %convert_element_type3A : vector<100352xbf16> -> vector<100352xi16>
    %convert_element_type3A_10 = arith.truncf %exp3A : vector<100352xf32> to vector<100352xbf16>
    %bitcast_convert_type3A_11 = tpu.bitcast %convert_element_type3A_10 : vector<100352xbf16> -> vector<100352xi16>
    %convert_element_type3A_12 = arith.extui %bitcast_convert_type3A : vector<100352xi16> to vector<100352xi32>
    %shift_left3A = arith.constant 16 : i32
    %shift_left3A_13 = vector.broadcast %shift_left3A : i32 to vector<100352xi32>
    %shift_left3A_14 = arith.shli %convert_element_type3A_12, %shift_left3A_13 : vector<100352xi32>
    %convert_element_type3A_15 = arith.extui %bitcast_convert_type3A_11 : vector<100352xi16> to vector<100352xi32>
    %or3A = arith.ori %shift_left3A_14, %convert_element_type3A_15 : vector<100352xi32>
    %bitcast_convert_type3A_16 = tpu.bitcast %or3A : vector<100352xi32> -> vector<100352xf32>
    %swap3A = arith.constant 0 : index
    %swap3A_17 = vector.load %arg2[%swap3A] : memref<100352xf32, #tpu.memory_space<vmem>>, vector<100352xf32>
    tpu.vector_store %arg2[%swap3A], %bitcast_convert_type3A_16 {strides = array<i32>} : memref<100352xf32, #tpu.memory_space<vmem>>, vector<100352xf32>,
    %iota3A = tpu.iota {dimensions = array<i32: 1>} : vector<1x513xi32>
    %iota3A_18 = vector.shape_cast %iota3A : vector<1x513xi32> to vector<513xi32>
    %convert_element_type3A_19 = arith.sitofp %iota3A_18 : vector<513xi32> to vector<513xf32>
    %mul3A_20 = arith.constant 3.125000e-02 : f32
    %mul3A_21 = vector.broadcast %mul3A_20 : f32 to vector<513xf32>
    %mul3A_22 = arith.mulf %convert_element_type3A_19, %mul3A_21 : vector<513xf32>
    %mul3A_23 = arith.constant -3.200000e+00 : f32
    %mul3A_24 = vector.broadcast %mul3A_23 : f32 to vector<513xf32>
    %mul3A_25 = arith.mulf %mul3A_24, %mul3A_22 : vector<513xf32>
    %exp3A_26 = math.exp %mul3A_25 : vector<513xf32>
    %mul3A_27 = arith.constant 1.818000e-01 : f32
    %mul3A_28 = vector.broadcast %mul3A_27 : f32 to vector<513xf32>
    %mul3A_29 = arith.mulf %mul3A_28, %exp3A_26 : vector<513xf32>
    %mul3A_30 = arith.constant -9.423000e-01 : f32
    %mul3A_31 = vector.broadcast %mul3A_30 : f32 to vector<513xf32>
    %mul3A_32 = arith.mulf %mul3A_31, %mul3A_22 : vector<513xf32>
    %exp3A_33 = math.exp %mul3A_32 : vector<513xf32>
    %mul3A_34 = arith.constant 5.099000e-01 : f32
    %mul3A_35 = vector.broadcast %mul3A_34 : f32 to vector<513xf32>
    %mul3A_36 = arith.mulf %mul3A_35, %exp3A_33 : vector<513xf32>
    %add3A = arith.addf %mul3A_29, %mul3A_36 : vector<513xf32>
    %mul3A_37 = arith.constant -4.029000e-01 : f32
    %mul3A_38 = vector.broadcast %mul3A_37 : f32 to vector<513xf32>
    %mul3A_39 = arith.mulf %mul3A_38, %mul3A_22 : vector<513xf32>
    %exp3A_40 = math.exp %mul3A_39 : vector<513xf32>
    %mul3A_41 = arith.constant 2.802000e-01 : f32
    %mul3A_42 = vector.broadcast %mul3A_41 : f32 to vector<513xf32>
    %mul3A_43 = arith.mulf %mul3A_42, %exp3A_40 : vector<513xf32>
    %add3A_44 = arith.addf %add3A, %mul3A_43 : vector<513xf32>
    %mul3A_45 = arith.constant -2.016000e-01 : f32
    %mul3A_46 = vector.broadcast %mul3A_45 : f32 to vector<513xf32>
    %mul3A_47 = arith.mulf %mul3A_46, %mul3A_22 : vector<513xf32>
    %exp3A_48 = math.exp %mul3A_47 : vector<513xf32>
    %mul3A_49 = arith.constant 2.817000e-02 : f32
    %mul3A_50 = vector.broadcast %mul3A_49 : f32 to vector<513xf32>
    %mul3A_51 = arith.mulf %mul3A_50, %exp3A_48 : vector<513xf32>
    %add3A_52 = arith.addf %add3A_44, %mul3A_51 : vector<513xf32>
    %slice3A = vector.extract_strided_slice %add3A_52 {offsets = [0], sizes = [512], strides = [1]} : vector<513xf32> to vector<512xf32>
    %slice3A_53 = vector.extract_strided_slice %add3A_52 {offsets = [1], sizes = [512], strides = [1]} : vector<513xf32> to vector<512xf32>
    %slice3A_54 = vector.extract_strided_slice %add3A_52 {offsets = [0], sizes = [512], strides = [1]} : vector<513xf32> to vector<512xf32>
    %sub3A = arith.subf %slice3A_53, %slice3A_54 : vector<512xf32>
    %convert_element_type3A_55 = arith.truncf %slice3A : vector<512xf32> to vector<512xbf16>
    %bitcast_convert_type3A_56 = tpu.bitcast %convert_element_type3A_55 : vector<512xbf16> -> vector<512xi16>
    %convert_element_type3A_57 = arith.truncf %sub3A : vector<512xf32> to vector<512xbf16>
    %bitcast_convert_type3A_58 = tpu.bitcast %convert_element_type3A_57 : vector<512xbf16> -> vector<512xi16>
    %convert_element_type3A_59 = arith.extui %bitcast_convert_type3A_56 : vector<512xi16> to vector<512xi32>
    %shift_left3A_60 = arith.constant 16 : i32
    %shift_left3A_61 = vector.broadcast %shift_left3A_60 : i32 to vector<512xi32>
    %shift_left3A_62 = arith.shli %convert_element_type3A_59, %shift_left3A_61 : vector<512xi32>
    %convert_element_type3A_63 = arith.extui %bitcast_convert_type3A_58 : vector<512xi16> to vector<512xi32>
    %or3A_64 = arith.ori %shift_left3A_62, %convert_element_type3A_63 : vector<512xi32>
    %bitcast_convert_type3A_65 = tpu.bitcast %or3A_64 : vector<512xi32> -> vector<512xf32>
    %swap3A_66 = arith.constant 0 : index
    %swap3A_67 = vector.load %arg3[%swap3A_66] : memref<512xf32, #tpu.memory_space<vmem>>, vector<512xf32>
    tpu.vector_store %arg3[%swap3A_66], %bitcast_convert_type3A_65 {strides = array<i32>} : memref<512xf32, #tpu.memory_space<vmem>>, vector<512xf32>,
    return
  }
}

module attributes {stable_mosaic.version = 14 : i64} {
  func.func @_merge_body(%arg0: memref<2x100352xf32, #tpu.memory_space<vmem>>, %arg1: memref<100352xf32, #tpu.memory_space<vmem>>) attributes {dimension_semantics = [], scalar_prefetch = 0 : i64, scratch_operands = 0 : i64, tpu.core_type = #tpu.core_type<tc>} {
    %get3A = arith.constant 0 : index
    %get3A_0 = arith.constant 0 : index
    %get3A_1 = vector.load %arg0[%get3A, %get3A_0] : memref<2x100352xf32, #tpu.memory_space<vmem>>, vector<2x100352xf32>
    %slice3A = vector.extract_strided_slice %get3A_1 {offsets = [0, 0], sizes = [1, 100352], strides = [1, 1]} : vector<2x100352xf32> to vector<1x100352xf32>
    %squeeze3A = vector.shape_cast %slice3A : vector<1x100352xf32> to vector<100352xf32>
    %slice3A_2 = vector.extract_strided_slice %get3A_1 {offsets = [1, 0], sizes = [1, 100352], strides = [1, 1]} : vector<2x100352xf32> to vector<1x100352xf32>
    %squeeze3A_3 = vector.shape_cast %slice3A_2 : vector<1x100352xf32> to vector<100352xf32>
    %add3A = arith.addf %squeeze3A, %squeeze3A_3 : vector<100352xf32>
    %swap3A = arith.constant 0 : index
    %swap3A_4 = vector.load %arg1[%swap3A] : memref<100352xf32, #tpu.memory_space<vmem>>, vector<100352xf32>
    tpu.vector_store %arg1[%swap3A], %add3A {strides = array<i32>} : memref<100352xf32, #tpu.memory_space<vmem>>, vector<100352xf32>,
    return
  }
}

</mosaic_0001>

<sc_bundles>
// kernel: kernel.5.cloned.1.call-start
scs
__scs_entry_jumppad:
0x0: {  	(pc) =	sbr.rel $0x88, $3  }
0x1: {  	(tag) =	ssettag $0x0;
	lr =	simm.s32 $0x1  }
0x2: {  	[smem:$0x3F9C] =	sst lr;
	_ =	strace $0xD0000000  }
0x3: {  	_ = 	snop  }
0x4: {  	_ = 	snop  }
0x5: {  	_ = 	snop  }
0x6: {  	_ = 	snop  }
0x7: {  	_ = 	snop  }
__scs_overlays_trampoline_lowered:
0x8: {  	[smem:$0x3FAB] =	sst s0  }
0x9: {  	[smem:$0x3FAC] =	sst s1  }
0xa: {  	[smem:$0x3FAD] =	sst s2  }
0xb: {  	[smem:$0x3FAE] =	sst s3  }
0xc: {  	[smem:$0x3FAF] =	sst s4  }
0xd: {  	[smem:$0x3FB0] =	sst s5  }
0xe: {  	[smem:$0x3FB1] =	sst s6  }
0xf: {  	[smem:$0x3FB2] =	sst s7  }
0x10: {  	[smem:$0x3FB3] =	sst s8  }
0x11: {  	[smem:$0x3FB4] =	sst s9;
	s0 =	simm.s32 @!p0 $0x0  }
0x12: {  	s1 =	sld [smem:$0x3F9A];
	s0 =	simm.s32 @p0 $0x1  }
0x13: {  	[smem:$0x3FB5] =	sst s0;
	s0 =	simm.s32 @!p1 $0x0  }
0x14: {  	s2 =	sld [smem:$0x3F99];
	s0 =	simm.s32 @p1 $0x1  }
0x15: {  	[smem:$0x3FB6] =	sst s0;
	s0 =	simm.s32 @!p2 $0x0  }
0x16: {  	s3 =	sld [smem:$0x3FDB];
	s0 =	simm.s32 @p2 $0x1  }
0x17: {  	s4 =	simm.s32 $0x1BF5;
	[smem:$0x3FB8] =	sst s0  }
0x18: {  	s0 =	sld [smem:$0x3F9B];
	_ =	swait.ge [sflag:s4], $0x0  }
0x19: {  	s7 =	sld [smem:$0x3F9C]  }
0x1a: {  	s8 =	sadd.s32 $0xFFFFE003, lr  }
0x1b: {  	s9 =	sadd.s32 $0xFFFFFEF7, lr;
	s5 =	simm.s32 $0xFFFFFFFF;
	p2 =	slt.u32 s8, $0xFFFFF086  }
0x1c: {  	p1 =	slt.u32 s9, $0xF7A;
	s5 =	simm.s32 @!p2 $0x0  }
0x1d: {  	s5 =	simm.s32 @p1 $0x1;
	p0 =	seq.s32 s7, s2  }
0x1e: {  	s7 =	smul.u32 @!p0 $0xF7A, s2;
	p2 =	seq.s32 @!p0 s5, $0x0  }
0x1f: {  	s9 =	smul.u32 $0xF7A, s1;
	s8 =	simm.s32 @!p0 $0x1BF5;
	p2 =	por !p2, p0  }
0x20: {  	[sflag:s8] =	ssyncset.s32 @!p0 $0xFFFFF086;
	s6 =	sadd.s32 @!p0 s3, s7;
	s7 =	simm.s32 @!p0 $0x108  }
0x21: {  	s3 =	sadd.s32 s3, s9;
	s6 =	sadd.s32 @!p0 $0x88, s6;
	s7 =	simm.s32 @p2 $0x1082  }
0x22: {  	[simem:s7], [sflag:s8] =	dma.local @!p0 [hbm:s6], $0xF7A  }
0x23: {  	s9 =	sor.u32 $0xD0000000, s2;
	s6 =	simm.s32 $0x108;
	_ =	swait.ge @!p0 [sflag:s8], $0x0  }
0x24: {  	s3 =	sadd.s32 $0x88, s3;
	s6 =	simm.s32 @!p1 $0x1082;
	[sflag:s4] =	ssyncset.s32 $0xFFFFF086  }
0x25: {  	[simem:s6], [sflag:s4] =	dma.local [hbm:s3], $0xF7A  }
0x26: {  	[smem:$0x3F9C] =	sst s1;
	(tag) =	ssettag s2;
	_ =	strace s9  }
0x27: {  	s1 =	sld [smem:$0x3FAC]  }
0x28: {  	s2 =	sld [smem:$0x3FAD]  }
0x29: {  	s4 =	sld [smem:$0x3FAF]  }
0x2a: {  	p0 =	seq.s32 s5, $0x0;
	s5 =	sld [smem:$0x3FB0]  }
0x2b: {  	s6 =	sld [smem:$0x3FB1]  }
0x2c: {  	s7 =	sld [smem:$0x3FB2]  }
0x2d: {  	s3 =	simm.s32 $0x108;
	s8 =	sld [smem:$0x3FB3]  }
0x2e: {  	s3 =	simm.s32 @!p0 $0x1082;
	s9 =	sld [smem:$0x3FB4]  }
0x2f: {  	lr =	sadd.s32 s0, s3;
	s0 =	sld [smem:$0x3FAB]  }
0x30: {  	s3 =	sld [smem:$0x3FAE]  }
0x31: {  	[smem:$0x3FB7] =	sst s10  }
0x32: {  	s10 =	sld [smem:$0x3FB5];
	_ =	sdelay $0x3  }
0x33: {  	p0 =	seq.s32 s10, $0x1;
	s10 =	sld [smem:$0x3FB7];
	_ =	sdelay $0x3  }
0x34: {  	[smem:$0x3FB7] =	sst s10  }
0x35: {  	s10 =	sld [smem:$0x3FB6];
	_ =	sdelay $0x3  }
0x36: {  	p1 =	seq.s32 s10, $0x1;
	s10 =	sld [smem:$0x3FB7];
	_ =	sdelay $0x3  }
0x37: {  	[smem:$0x3FB7] =	sst s10  }
0x38: {  	s10 =	sld [smem:$0x3FB8]  }
0x39: {  	_ = 	snop;
	(pc) =	sbr.ind lr, $3  }
0x3a: {  	_ = 	snop  }
0x3b: {  	_ = 	snop  }
0x3c: {  	p2 =	seq.s32 s10, $0x1;
	s10 =	sld [smem:$0x3FB7]  }
0x3d: {  	_ =	shalt  }
0x3e: {  	_ =	shalt  }
0x3f: {  	_ =	shalt  }
0x40: {  	_ =	shalt  }
0x41: {  	_ =	shalt  }
0x42: {  	_ =	shalt  }
0x43: {  	_ =	shalt  }
0x44: {  	_ =	shalt  }
0x45: {  	_ =	shalt  }
0x46: {  	_ =	shalt  }
0x47: {  	_ =	shalt  }
0x48: {  	_ =	shalt  }
0x49: {  	_ =	shalt  }
0x4a: {  	_ =	shalt  }
0x4b: {  	_ =	shalt  }
0x4c: {  	_ =	shalt  }
0x4d: {  	_ =	shalt  }
0x4e: {  	_ =	shalt  }
0x4f: {  	_ =	shalt  }
0x50: {  	_ =	shalt  }
0x51: {  	_ =	shalt  }
0x52: {  	_ =	shalt  }
0x53: {  	_ =	shalt  }
0x54: {  	_ =	shalt  }
0x55: {  	_ =	shalt  }
0x56: {  	_ =	shalt  }
0x57: {  	_ =	shalt  }
0x58: {  	_ =	shalt  }
0x59: {  	_ =	shalt  }
0x5a: {  	_ =	shalt  }
0x5b: {  	_ =	shalt  }
0x5c: {  	_ =	shalt  }
0x5d: {  	_ =	shalt  }
0x5e: {  	_ =	shalt  }
0x5f: {  	_ =	shalt  }
0x60: {  	_ =	shalt  }
0x61: {  	_ =	shalt  }
0x62: {  	_ =	shalt  }
0x63: {  	_ =	shalt  }
0x64: {  	_ =	shalt  }
0x65: {  	_ =	shalt  }
0x66: {  	_ =	shalt  }
0x67: {  	_ =	shalt  }
0x68: {  	_ =	shalt  }
0x69: {  	_ =	shalt  }
0x6a: {  	_ =	shalt  }
0x6b: {  	_ =	shalt  }
0x6c: {  	_ =	shalt  }
0x6d: {  	_ =	shalt  }
0x6e: {  	_ =	shalt  }
0x6f: {  	_ =	shalt  }
0x70: {  	_ =	shalt  }
0x71: {  	_ =	shalt  }
0x72: {  	_ =	shalt  }
0x73: {  	_ =	shalt  }
0x74: {  	_ =	shalt  }
0x75: {  	_ =	shalt  }
0x76: {  	_ =	shalt  }
0x77: {  	_ =	shalt  }
0x78: {  	_ =	shalt  }
0x79: {  	_ =	shalt  }
0x7a: {  	_ =	shalt  }
0x7b: {  	_ =	shalt  }
0x7c: {  	_ =	shalt  }
0x7d: {  	_ =	shalt  }
0x7e: {  	_ =	shalt  }
0x7f: {  	_ =	shalt  }
0x80: {  	_ =	shalt  }
0x81: {  	_ =	shalt  }
0x82: {  	_ =	shalt  }
0x83: {  	_ =	shalt  }
0x84: {  	_ =	shalt  }
0x85: {  	_ =	shalt  }
0x86: {  	_ =	shalt  }
0x87: {  	_ =	shalt  }
.Lfunc_end0:
.L_simem_size_0:
called_computation_lowered:
.L_overlay_start_0:
0x88: {  	s2 =	sld [smem:$0x3FD9]  }
0x89: {  	s3 =	sld [smem:$0x3FFE];
	_ =	sdelay $0x1  }
0x8a: {  	s1 =	srdreg.scid  }
0x8b: {  	s0 =	sand.u32 $0x1, s1  }
0x8c: {  	s17 =	sshll.u32 s0, $0xA;
	s2 =	sadd.s32 s3, s2  }
0x8d: {  	s2 =	sadd.s32 s2, s17  }
0x8e: {  	[smem:$0x3FC3] =	sst s2  }
0x8f: {  	_ = 	snop  }
0x90: {  	s2 =	sld [smem:$0x3FD0];
	(tm) =	ssettm $0x1  }
0x91: {  	s18 =	sld [smem:$0x3FFB];
	_ =	sdelay $0x3  }
0x92: {  	_ =	strace s18  }
0x93: {  	s3 =	sld [smem:$0x3FFC];
	_ =	sdelay $0x3  }
0x94: {  	_ =	strace s3  }
0x95: {  	s3 =	sld [smem:$0x3FFD];
	_ =	sdelay $0x3  }
0x96: {  	_ =	strace s3  }
0x97: {  	_ =	strace $0x8FFFFFFF  }
0x98: {  	s19 =	sld [smem:$0x3FDB];
	_ =	sdelay $0x1  }
0x99: {  	s4 =	simm.s32 $_scs_section_size  }
0x9a: {  	s5 =	simm.s32 $_size__tile_overlayer_lowered;
	s6 =	simm.s32 $_tile_overlayer_lowered  }
0x9b: {  	s22 =	simm.s32 $0x1BFF;
	s21 =	sshll.u32 s6, $0x1;
	s3 =	sadd.s32 s4, s19  }
0x9c: {  	s7 =	simm.s32 $0x0;
	s20 =	sshll.u32 s5, $0x1;
	s5 =	sadd.s32 s21, s3  }
0x9d: {  	[timem:s7], [sflag:s22] =	dma.local [hbm:s5], s20  }
0x9e: {  	_ =	swait.ge [sflag:s22], s20  }
0x9f: {  	s4 =	ssub.s32 $0x0, s20;
	[sflag:s22] =	ssyncset.done $0x0  }
0xa0: {  	[sflag:s22] =	ssyncadd.s32 s4;
	_ =	sdelay $0x1  }
0xa1: {  	s23 =	simm.s32 $0x1B8B  }
0xa2: {  	_ =	swait.ge [sflag:s23], $0x1  }
0xa3: {  	[sflag:s23] =	ssyncset.done $0x0  }
0xa4: {  	s25 =	simm.s32 $0x1B8E;
	s24 =	sld [smem:$0x3FFE];
	[sflag:s23] =	ssyncadd.s32 $0xFFFFFFFF  }
0xa5: {  	s26 =	simm.s32 $execute0_lowered;
	[smem:$0x3FD2] =	sst s25  }
0xa6: {  	s5 =	sshll.u32 s26, $0x1;
	_ =	strace $0x80000046;
	[dreg:$0x1] =	wrdreg $0xFFFFFFFF  }
0xa7: {  	s28 =	simm.s32 $_size_execute0_lowered;
	s3 =	sadd.s32 s3, s5;
	[dreg:$0x0] =	wrdreg $0x0  }
0xa8: {  	s5 =	sshll.u32 s28, $0x1;
	[dreg:$0x2] =	wrdreg s3  }
0xa9: {  	[dreg:$0x3] =	wrdreg s5  }
0xaa: {  	[dreg:$0x4] =	wrdreg $0xC0  }
0xab: {  	_ =	task [dreg:s7], $0x5FFFF  }
0xac: {  	[dreg:$0x1] =	wrdreg $0xFFFFFFFF  }
0xad: {  	[dreg:$0x0] =	wrdreg $0x60  }
0xae: {  	[dreg:$0x2] =	wrdreg s2  }
0xaf: {  	[dreg:$0x3] =	wrdreg s24  }
0xb0: {  	[dreg:$0x4] =	wrdreg $0x1BA800  }
0xb1: {  	[dreg:$0x5] =	wrdreg $0x9  }
0xb2: {  	_ =	task.clear_ibuf [dreg:s7], $0x6FFFF;
	_ =	strace $0x90000046  }
0xb3: {  	s29 =	simm.s32 $0x9;
	_ =	strace $0x80000048  }
0xb4: {  	_ =	swait.ge [sflag:s29], $0x1  }
0xb5: {  	[sflag:s29] =	ssyncadd.s32 $0xFFFFFFFF  }
0xb6: {  	_ =	strace $0x90000048  }
0xb7: {  	_ =	sfence  }
0xb8: {  	s30 =	sld [smem:$0x0];
	_ =	sdelay $0x2  }
0xb9: {  	s31 =	sshll.u32 s1, $0xD;
	s1 =	sshrl.u32 s1, $0x2  }
0xba: {  	s3 =	sand.u32 $0x4000, s31;
	s1 =	sadd.s32 s1, s30  }
0xbb: {  	s0 =	sor.u32 s3, s0;
	s1 =	sshll.u32 s1, $0x11  }
0xbc: {  	s0 =	sor.u32 s1, s0  }
0xbd: {  	s0 =	sadd.s32 $0x8F2B, s0  }
0xbe: {  	[sflag:s0] =	ssyncadd.remote.s32 $0x1  }
0xbf: {  	_ =	sfence.sel $0xFFFF  }
0xc0: {  	[dreg:$0x0] =	wrdreg $0xFFFFFFFF;
	(pc) =	sbr.abs _section_cstart, $3  }
0xc1: {  	[dreg:$0x1] =	wrdreg $0xFFFFFFFF  }
0xc2: {  	_ =	task.clear_ibuf [dreg:s7], $0x2FFFF;
	_ =	strace $0x9FFFFFFF  }
0xc3: {  	(tm) =	ssettm $0x7FFFFFFF  }
tec
execute0_lowered:
.L_overlay_start_1:
0x0: {  	(tag) =	ssettag $0x1  }
0x1: {  	s0 =	rddreg [dreg:$0x1]  }
0x2: {  	s2 =	rddreg [dreg:$0x2];
	s3 =	simm.s32 $0x0;
	s4 =	srdreg.scid  }
0x3: {  	s1 =	stileid.u32;
	s17 =	simm.s32 $0x3;
	s18 =	simm.s32 $0x18800  }
0x4: {  	s20 =	simm.s32 $0x1;
	s21 =	simm.s32 $0x80;
	s22 =	simm.s32 $0x2  }
0x5: {  	s23 =	simm.s32 $0x100;
	s24 =	simm.s32 $0x0;
	[smem:$0x7FF] =	sst s3  }
0x6: {  	s5 =	sadd.s32 $0x1200, s0;
	s6 =	sadd.s32 $0xC4800, s0;
	s10 =	smul.u32 $0x3100, s1  }
0x7: {  	s4 =	sand.u32 $0x1, s4;
	s7 =	sadd.s32 $0x24CA00, s0;
	s8 =	sadd.s32 $0x188A00, s0  }
0x8: {  	s9 =	sadd.s32 $0x1400, s0;
	s30 =	smul.u32 $0x6200, s1;
	_ =	strace $0x80000047  }
0x9: {  	s11 =	sshll.u32 s4, $0x7;
	s29 =	sshll.u32 s4, $0x4;
	s4 =	ssub.s32 $0x2, s4  }
0xa: {  	s10 =	sor.u32 s11, s10;
	s14 =	sor.u32 s1, s29;
	s12 =	sshrl.u32 s4, $0x1  }
0xb: {  	s31 =	sshrl.u32 s30, $0x2;
	s10 =	sshrl.u32 s10, $0x3;
	s13 =	smul.u32 $0x6200, s14  }
0xc: {  	s4 =	ssub.s32 s4, s12;
	s14 =	smul.u32 $0xC4, s14;
	s0 =	sadd.s32 s10, s0  }
0xd: {  	s10 =	sadd.s32 s31, s2;
	s16 =	smax.u32 s4, $0x1;
	s11 =	sadd.s32 s6, s13  }
0xe: {  	v0 =	vimm.f32 $0.0e+00;
	s12 =	sadd.s32 s7, s13;
	s13 =	sadd.s32 s8, s13;
	s15 =	sadd.s32 $0x1600, s0  }
.LBB2_1:
0xf: {  	s0 =	simm.s32 $0x40;
	s4 =	simm.s32 $0x0  }
.LBB2_2:
0x10: {  	p0 =	sne.s32 s0, $0x61C0;
	[tilespmem:s4+$0x0] =	vst v0;
	s4 =	smov.u32 s0;
	s0 =	sadd.s32 $0x40, s0  }
.Ltmp0:
0x11: {  	(pc) =	sbr.rel @p0 .LBB2_2-.Ltmp0, $2  }
0x12: {  	_ =	sdelay $0x2  }
0x13: {  	s4 =	sshra.s32 s4, $0x2  }
0x14: {  	[tilespmem:s4+$0x0] =	vst v0;
	s0 =	simm.s32 $0x0  }
0x15: {  	[spmem:s10] =	stream.linear.scatter [tilespmem:s0], [sflag:$0x3], $0x1880, $0x38;
	[tilespmem:$0x1D300] =	vst v63  }
0x16: {  	_ =	swait.ge [sflag:s17], $0x1880  }
0x17: {  	[sflag:s17] =	ssyncset.done $0x0  }
0x18: {  	[sflag:s17] =	ssyncadd.s32 $0xFFFFE780  }
0x19: {  	s1 =	rddreg [dreg:$0x0]  }
0x1a: {  	[tilespmem:s0], [sflag:$0x3] =	stream.linear.gather [hbm4b:s1+s0], $0x18800, $0x38;
	[tilespmem:$0x1D300] =	vst v63  }
0x1b: {  	_ =	swait.ge [sflag:s17], $0x18800  }
0x1c: {  	[sflag:s17] =	ssyncset.done $0x0  }
0x1d: {  	[sflag:s17] =	ssyncadd.s32 $0xFFFE7800  }
0x1e: {  	[tilespmem:s18], [sflag:$0x3] =	stream.linear.gather [hbm4b:s5+s0], $0x200, $0x38;
	[tilespmem:$0x1D300] =	vst v63  }
0x1f: {  	_ =	swait.ge [sflag:s17], $0x200  }
0x20: {  	[sflag:s17] =	ssyncset.done $0x0  }
0x21: {  	s31 =	simm.s32 $0x1BA00;
	[sflag:s17] =	ssyncadd.s32 $0xFFFFFE00  }
0x22: {  	[tilespmem:s31], [sflag:$0x3] =	stream.linear.gather [hbm4b:s9+s0], $0x80, $0x38;
	[tilespmem:$0x1D300] =	vst v63  }
0x23: {  	_ =	swait.ge [sflag:s17], $0x80  }
0x24: {  	[sflag:s17] =	ssyncset.done $0x0  }
0x25: {  	[sflag:s17] =	ssyncadd.s32 $0xFFFFFF80  }
0x26: {  	[bflag:$0x0] =	sbarrier.arrive $0xFFFF  }
0x27: {  	v1 =	vld [tilespmem:$0x1BA00];
	_ =	sdelay $0x4  }
0x28: {  	(erf) = vrcp.f32 v1;
	_ =	sdelay $0x3  }
0x29: {  	s25 =	simm.s32 $0x18A00  }
0x2a: {  	[tilespmem:s25], [sflag:$0x1] =	stream.linear.gather [hbm4b:s11+s0], $0x400, $0x38;
	[tilespmem:$0x1D300] =	vst v63  }
0x2b: {  	s26 =	simm.s32 $0x19600  }
0x2c: {  	[tilespmem:s26], [sflag:$0x1] =	stream.linear.gather [hbm4b:s12+s0], $0x400, $0x38;
	[tilespmem:$0x1D300] =	vst v63  }
0x2d: {  	s28 =	simm.s32 $0x1A200;
	s29 =	simm.s32 $0x1AE00  }
0x2e: {  	[tilespmem:s28], [sflag:$0x1] =	stream.linear.gather [hbm4b:s13+s0], $0x400, $0x38;
	v1 =	vpop (erf);
	[tilespmem:$0x1D300] =	vst v63  }
.LBB2_4:
0x2f: {  	_ =	swait.ge [sflag:s20], $0x400  }
0x30: {  	[sflag:s20] =	ssyncset.done $0x0  }
0x31: {  	[sflag:s20] =	ssyncadd.s32 $0xFFFFFC00  }
0x32: {  	_ =	swait.ge [sflag:s20], $0x400  }
0x33: {  	[sflag:s20] =	ssyncset.done $0x0  }
0x34: {  	[sflag:s20] =	ssyncadd.s32 $0xFFFFFC00  }
0x35: {  	_ =	swait.ge [sflag:s20], $0x400  }
0x36: {  	p0 =	slt.u32 s0, $0x2;
	[sflag:s20] =	ssyncset.done $0x0  }
0x37: {  	s4 =	simm.s32 @!p0 $0x2;
	[sflag:s20] =	ssyncadd.s32 $0xFFFFFC00  }
0x38: {  	_ =	swait.ge @!p0 [sflag:s4], $0x80  }
0x39: {  	[sflag:s4] =	ssyncset.done @!p0 $0x0  }
0x3a: {  	[sflag:s4] =	ssyncadd.s32 @!p0 $0xFFFFFF80  }
0x3b: {  	_ =	swait.ge @!p0 [sflag:s4], $0x80  }
0x3c: {  	[sflag:s4] =	ssyncset.done @!p0 $0x0  }
0x3d: {  	[sflag:s4] =	ssyncadd.s32 @!p0 $0xFFFFFF80  }
0x3e: {  	_ =	swait.ge @!p0 [sflag:s4], $0x80  }
0x3f: {  	[sflag:s4] =	ssyncset.done @!p0 $0x0  }
0x40: {  	[sflag:s4] =	ssyncadd.s32 @!p0 $0xFFFFFF80  }
0x41: {  	_ =	swait.ge @!p0 [sflag:s4], $0x80  }
0x42: {  	[sflag:s4] =	ssyncset.done @!p0 $0x0  }
0x43: {  	[sflag:s4] =	ssyncadd.s32 @!p0 $0xFFFFFF80  }
0x44: {  	_ =	swait.ge @!p0 [sflag:s4], $0x80  }
0x45: {  	[sflag:s4] =	ssyncset.done @!p0 $0x0  }
0x46: {  	[sflag:s4] =	ssyncadd.s32 @!p0 $0xFFFFFF80  }
0x47: {  	_ =	swait.ge @!p0 [sflag:s4], $0x80  }
0x48: {  	[sflag:s4] =	ssyncset.done @!p0 $0x0  }
0x49: {  	[sflag:s4] =	ssyncadd.s32 @!p0 $0xFFFFFF80  }
0x4a: {  	_ =	swait.ge @!p0 [sflag:s4], $0x80  }
0x4b: {  	[sflag:s4] =	ssyncset.done @!p0 $0x0  }
0x4c: {  	[sflag:s4] =	ssyncadd.s32 @!p0 $0xFFFFFF80  }
0x4d: {  	_ =	swait.ge @!p0 [sflag:s4], $0x80  }
0x4e: {  	[sflag:s4] =	ssyncset.done @!p0 $0x0  }
0x4f: {  	[sflag:s4] =	ssyncadd.s32 @!p0 $0xFFFFFF80  }
0x50: {  	_ =	swait.ge @!p0 [sflag:s4], $0x80  }
0x51: {  	[sflag:s4] =	ssyncset.done @!p0 $0x0  }
0x52: {  	[sflag:s4] =	ssyncadd.s32 @!p0 $0xFFFFFF80  }
0x53: {  	_ =	swait.ge @!p0 [sflag:s4], $0x80  }
0x54: {  	[sflag:s4] =	ssyncset.done @!p0 $0x0  }
0x55: {  	[sflag:s4] =	ssyncadd.s32 @!p0 $0xFFFFFF80  }
0x56: {  	_ =	swait.ge @!p0 [sflag:s4], $0x80  }
0x57: {  	[sflag:s4] =	ssyncset.done @!p0 $0x0  }
0x58: {  	[sflag:s4] =	ssyncadd.s32 @!p0 $0xFFFFFF80  }
0x59: {  	_ =	swait.ge @!p0 [sflag:s4], $0x80  }
0x5a: {  	[sflag:s4] =	ssyncset.done @!p0 $0x0  }
0x5b: {  	[sflag:s4] =	ssyncadd.s32 @!p0 $0xFFFFFF80  }
0x5c: {  	_ =	swait.ge @!p0 [sflag:s4], $0x80  }
0x5d: {  	[sflag:s4] =	ssyncset.done @!p0 $0x0  }
0x5e: {  	[sflag:s4] =	ssyncadd.s32 @!p0 $0xFFFFFF80  }
0x5f: {  	_ =	swait.ge @!p0 [sflag:s4], $0x80  }
0x60: {  	[sflag:s4] =	ssyncset.done @!p0 $0x0  }
0x61: {  	[sflag:s4] =	ssyncadd.s32 @!p0 $0xFFFFFF80  }
0x62: {  	_ =	swait.ge @!p0 [sflag:s4], $0x80  }
0x63: {  	[sflag:s4] =	ssyncset.done @!p0 $0x0  }
0x64: {  	[sflag:s4] =	ssyncadd.s32 @!p0 $0xFFFFFF80  }
0x65: {  	p1 =	seq.s32 @!p0 s0, $0xC3;
	_ =	swait.ge @!p0 [sflag:s4], $0x80  }
0x66: {  	s30 =	sadd.s32 $0x1, s0;
	p1 =	por p0, !p1;
	[sflag:s4] =	ssyncset.done @!p0 $0x0  }
0x67: {  	[sflag:s4] =	ssyncadd.s32 @!p0 $0xFFFFFF80;
	s4 =	sand.u32 @p1 $0xFF, s30  }
0x68: {  	s4 =	smul.u32 @p1 $0xAB, s4;
	_ =	sdelay $0x1  }
0x69: {  	s4 =	sshrl.u32 @p1 s4, $0x9  }
0x6a: {  	s4 =	smul.u32 @p1 $0x3, s4;
	_ =	sdelay $0x1  }
0x6b: {  	s31 =	sadd.s32 @p1 s14, s30;
	s4 =	ssub.s32 @p1 s30, s4  }
0x6c: {  	s31 =	sshll.u32 @p1 s31, $0x7;
	s4 =	sand.u32 @p1 $0xFF, s4  }
0x6d: {  	s31 =	sand.u32 @p1 $0x1FFFFF80, s31;
	s4 =	sshll.u32 @p1 s4, $0xA  }
0x6e: {  	s19 =	sadd.s32 @p1 s6, s31;
	s1 =	sadd.s32 @p1 $0x18A00, s4  }
0x6f: {  	[tilespmem:s1], [sflag:$0x1] =	stream.linear.gather @p1 [hbm4b:s19+s3], $0x400, $0x38;
	[tilespmem:$0x1D300] =	vst v63  }
0x70: {  	s1 =	sadd.s32 @p1 $0x19600, s4;
	s19 =	sadd.s32 @p1 s7, s31  }
0x71: {  	[tilespmem:s1], [sflag:$0x1] =	stream.linear.gather @p1 [hbm4b:s19+s3], $0x400, $0x38;
	[tilespmem:$0x1D300] =	vst v63  }
0x72: {  	s1 =	sadd.s32 @p1 $0x1A200, s4;
	s4 =	sadd.s32 @p1 s8, s31;
	s19 =	smul.u32 $0xAB, s0  }
0x73: {  	[tilespmem:s1], [sflag:$0x1] =	stream.linear.gather @p1 [hbm4b:s4+s3], $0x400, $0x38;
	[tilespmem:$0x1D300] =	vst v63  }
0x74: {  	s4 =	smulhi.u32 $0xAAAAAAAB, s0;
	_ =	sdelay $0x1  }
0x75: {  	s1 =	sshrl.u32 s4, $0x1;
	s4 =	sshrl.u32 s19, $0x9  }
0x76: {  	s1 =	smul.u32 $0xFFFFD000, s1;
	s4 =	sand.u32 $0x7F, s4  }
0x77: {  	s4 =	smul.u32 $0x3, s4  }
0x78: {  	s1 =	sshra.s32 s1, $0x2  }
0x79: {  	s0 =	ssub.s32 s0, s4;
	s4 =	sadd.s32 s1, s26  }
0x7a: {  	s19 =	sadd.s32 s1, s29;
	s31 =	sadd.s32 s1, s25;
	s1 =	sadd.s32 s1, s28;
	v3 =	vmov s4  }
0x7b: {  	v4 =	vmov s1  }
0x7c: {  	s0 =	sand.u32 $0xFF, s0  }
0x7d: {  	v2 =	vmov s31;
	v5 =	vmov s19;
	s31 =	sshll.u32 s0, $0xA;
	s0 =	simm.s32 $0x0  }
.LBB2_5:
0x7e: {  	s4 =	sshra.s32 s0, $0x2  }
0x7f: {  	v6 =	vld.idx.msk [tilespmem:v3+s4+$0x0 ss:$0x1], $0xffff  }
0x80: {  	v7 =	vld.idx.msk [tilespmem:v4+s4+$0x0 ss:$0x1], $0xffff;
	_ =	sdelay $0x6  }
0x81: {  	v6 =	vld.idx.msk [tilespmem:v6+s3+$0x0], $0xffff  }
0x82: {  	v7 =	vld.idx.msk [tilespmem:v7+s3+$0x0], $0xffff;
	_ =	sdelay $0x1  }
0x83: {  	v8 =	vld.idx.msk [tilespmem:v2+s4+$0x0 ss:$0x1], $0xffff;
	_ =	sdelay $0x2  }
0x84: {  	v9 =	vshll.u32 v6, $0x10;
	v10 =	vshll.u32 v7, $0x10  }
0x85: {  	v9 =	vadd.f32 v10, v9  }
0x86: {  	v8 =	vmax.f32 v8, $2.000000030e-01  }
0x87: {  	v9 =	vmul.f32 v9, v8;
	_ =	sdelay $0x1  }
0x88: {  	v9 =	vmul.f32 $6.830284110e+01, v9;
	_ =	sdelay $0x1  }
0x89: {  	v19 =	vmin.f32 v9, $5.100000000e+02  }
0x8a: {  	v10 =	vtrunc.f32 v19  }
0x8b: {  	(erf) = vrcp.f32 v8;
	v10 =	vcvt.f32.s32 v10;
	_ =	sdelay $0x5  }
0x8c: {  	v20 =	vmul.f32 v8, v1;
	v8 =	vsub.f32 $8.000000110e-01, v8;
	v11 =	vcvt.s32.f32 v10;
	v10 =	vld.idx.msk [tilespmem:v10+s18+$0x0], $0xffff;
	_ =	sdelay $0x1  }
0x8d: {  	v8 =	vmul.f32 $1.000000000e+01, v8;
	v9 =	vsub.f32 v9, v11;
	v11 =	vmin.f32 v20, $1.000000000e+00  }
0x8e: {  	v6 =	vand.u32 $0xFFFF0000, v6;
	v7 =	vand.u32 $0xFFFF0000, v7;
	v21 =	vpop (erf);
	v11 =	vsub.f32 $1.000000000e+00, v11  }
0x8f: {  	v6 =	vmul.f32 v7, v6;
	v13 =	vmul.f32 v21, v21;
	v8 =	vmax.f32 v8, $0.0e+00  }
0x90: {  	v9 =	vmin.f32 v9, $1.000000000e+00;
	v11 =	vmul.f32 v11, v11;
	v12 =	vshll.u32 v10, $0x10  }
0x91: {  	v22 =	vmul.f32 v13, v13;
	v8 =	vmin.f32 v8, $1.000000000e+00;
	v9 =	vmul.f32 v12, v9  }
0x92: {  	v14 =	vadd.f32 v8, v8;
	v23 =	vmul.f32 v11, v11;
	v10 =	vand.u32 $0xFFFF0000, v10  }
0x93: {  	v6 =	vmul.f32 $1.439964580e+01, v6;
	v13 =	vmul.f32 v22, v22;
	v7 =	vadd.f32 v10, v9  }
0x94: {  	v8 =	vmul.f32 v8, v8;
	v24 =	vsub.f32 $3.000000000e+00, v14;
	v10 =	vmul.f32 v23, v11  }
0x95: {  	v6 =	vmul.f32 v7, v6;
	v7 =	vmul.f32 v13, v22  }
0x96: {  	v8 =	vmul.f32 v24, v8  }
0x97: {  	v6 =	vmul.f32 v6, v21;
	v7 =	vmul.f32 v10, v7;
	_ =	sdelay $0x1  }
0x98: {  	v6 =	vmul.f32 v6, v10;
	v7 =	vmul.f32 v8, v7;
	_ =	sdelay $0x1  }
0x99: {  	v6 =	vadd.f32 v6, v7;
	_ =	sdelay $0x1  }
0x9a: {  	v6 =	vmul.f32 $2.500000000e-01, v6;
	_ =	sdelay $0x1  }
0x9b: {  	[tilespmem:v5+s4+$0x0 ss:$0x1] =	vst.idx.msk $0xffff, v6  }
0x9c: {  	v6 =	vld.idx.msk [tilespmem:v3+s4+$0x10 ss:$0x1], $0xffff  }
0x9d: {  	v7 =	vld.idx.msk [tilespmem:v4+s4+$0x10 ss:$0x1], $0xffff;
	_ =	sdelay $0x6  }
0x9e: {  	v6 =	vld.idx.msk [tilespmem:v6+s3+$0x0], $0xffff  }
0x9f: {  	v7 =	vld.idx.msk [tilespmem:v7+s3+$0x0], $0xffff;
	_ =	sdelay $0x1  }
0xa0: {  	v25 =	vld.idx.msk [tilespmem:v2+s4+$0x10 ss:$0x1], $0xffff;
	_ =	sdelay $0x2  }
0xa1: {  	v26 =	vshll.u32 v6, $0x10;
	v27 =	vshll.u32 v7, $0x10  }
0xa2: {  	v9 =	vadd.f32 v27, v26  }
0xa3: {  	v8 =	vmax.f32 v25, $2.000000030e-01  }
0xa4: {  	v9 =	vmul.f32 v9, v8;
	_ =	sdelay $0x1  }
0xa5: {  	v9 =	vmul.f32 $6.830284110e+01, v9;
	_ =	sdelay $0x1  }
0xa6: {  	v28 =	vmin.f32 v9, $5.100000000e+02  }
0xa7: {  	v10 =	vtrunc.f32 v28  }
0xa8: {  	(erf) = vrcp.f32 v8;
	v10 =	vcvt.f32.s32 v10;
	_ =	sdelay $0x2  }
0xa9: {  	v30 =	vmul.f32 v8, v1;
	_ =	sdelay $0x1  }
0xaa: {  	v11 =	vmin.f32 v30, $1.000000000e+00  }
0xab: {  	v11 =	vsub.f32 $1.000000000e+00, v11;
	v29 =	vcvt.s32.f32 v10;
	v10 =	vld.idx.msk [tilespmem:v10+s18+$0x0], $0xffff  }
0xac: {  	v8 =	vsub.f32 $8.000000110e-01, v8  }
0xad: {  	v11 =	vmul.f32 v11, v11;
	v6 =	vand.u32 $0xFFFF0000, v6  }
0xae: {  	v7 =	vand.u32 $0xFFFF0000, v7;
	v32 =	vpop (erf);
	v8 =	vmul.f32 $1.000000000e+01, v8;
	v9 =	vsub.f32 v9, v29  }
0xaf: {  	v6 =	vmul.f32 v7, v6;
	v33 =	vmul.f32 v32, v32  }
0xb0: {  	v8 =	vmax.f32 v8, $0.0e+00;
	v9 =	vmin.f32 v9, $1.000000000e+00;
	v31 =	vshll.u32 v10, $0x10  }
0xb1: {  	v34 =	vmul.f32 v33, v33;
	v8 =	vmin.f32 v8, $1.000000000e+00;
	v9 =	vmul.f32 v31, v9  }
0xb2: {  	v35 =	vmul.f32 v11, v11;
	v36 =	vadd.f32 v8, v8;
	v10 =	vand.u32 $0xFFFF0000, v10  }
0xb3: {  	v6 =	vmul.f32 $1.439964580e+01, v6;
	v13 =	vmul.f32 v34, v34;
	v7 =	vadd.f32 v10, v9  }
0xb4: {  	v8 =	vmul.f32 v8, v8;
	v37 =	vsub.f32 $3.000000000e+00, v36;
	v10 =	vmul.f32 v35, v11  }
0xb5: {  	v6 =	vmul.f32 v7, v6;
	v7 =	vmul.f32 v13, v34  }
0xb6: {  	v8 =	vmul.f32 v37, v8  }
0xb7: {  	v6 =	vmul.f32 v6, v32;
	v7 =	vmul.f32 v10, v7;
	_ =	sdelay $0x1  }
0xb8: {  	v6 =	vmul.f32 v6, v10;
	v7 =	vmul.f32 v8, v7;
	_ =	sdelay $0x1  }
0xb9: {  	v6 =	vadd.f32 v6, v7;
	_ =	sdelay $0x1  }
0xba: {  	v6 =	vmul.f32 $2.500000000e-01, v6;
	_ =	sdelay $0x1  }
0xbb: {  	[tilespmem:v5+s4+$0x10 ss:$0x1] =	vst.idx.msk $0xffff, v6  }
0xbc: {  	v6 =	vld.idx.msk [tilespmem:v3+s4+$0x20 ss:$0x1], $0xffff  }
0xbd: {  	v7 =	vld.idx.msk [tilespmem:v4+s4+$0x20 ss:$0x1], $0xffff;
	_ =	sdelay $0x6  }
0xbe: {  	v6 =	vld.idx.msk [tilespmem:v6+s3+$0x0], $0xffff  }
0xbf: {  	v7 =	vld.idx.msk [tilespmem:v7+s3+$0x0], $0xffff;
	_ =	sdelay $0x1  }
0xc0: {  	v38 =	vld.idx.msk [tilespmem:v2+s4+$0x20 ss:$0x1], $0xffff;
	_ =	sdelay $0x2  }
0xc1: {  	v39 =	vshll.u32 v6, $0x10;
	v40 =	vshll.u32 v7, $0x10  }
0xc2: {  	v9 =	vadd.f32 v40, v39  }
0xc3: {  	v8 =	vmax.f32 v38, $2.000000030e-01  }
0xc4: {  	v9 =	vmul.f32 v9, v8;
	_ =	sdelay $0x1  }
0xc5: {  	v9 =	vmul.f32 $6.830284110e+01, v9;
	_ =	sdelay $0x1  }
0xc6: {  	v41 =	vmin.f32 v9, $5.100000000e+02  }
0xc7: {  	v10 =	vtrunc.f32 v41  }
0xc8: {  	(erf) = vrcp.f32 v8;
	v10 =	vcvt.f32.s32 v10;
	_ =	sdelay $0x2  }
0xc9: {  	v43 =	vmul.f32 v8, v1;
	_ =	sdelay $0x1  }
0xca: {  	v11 =	vmin.f32 v43, $1.000000000e+00  }
0xcb: {  	v11 =	vsub.f32 $1.000000000e+00, v11;
	v42 =	vcvt.s32.f32 v10;
	v10 =	vld.idx.msk [tilespmem:v10+s18+$0x0], $0xffff  }
0xcc: {  	v8 =	vsub.f32 $8.000000110e-01, v8  }
0xcd: {  	v11 =	vmul.f32 v11, v11;
	v6 =	vand.u32 $0xFFFF0000, v6  }
0xce: {  	v7 =	vand.u32 $0xFFFF0000, v7;
	v45 =	vpop (erf);
	v8 =	vmul.f32 $1.000000000e+01, v8;
	v9 =	vsub.f32 v9, v42  }
0xcf: {  	v6 =	vmul.f32 v7, v6;
	v46 =	vmul.f32 v45, v45  }
0xd0: {  	v8 =	vmax.f32 v8, $0.0e+00;
	v9 =	vmin.f32 v9, $1.000000000e+00;
	v44 =	vshll.u32 v10, $0x10  }
0xd1: {  	v47 =	vmul.f32 v46, v46;
	v8 =	vmin.f32 v8, $1.000000000e+00;
	v9 =	vmul.f32 v44, v9  }
0xd2: {  	v48 =	vmul.f32 v11, v11;
	v49 =	vadd.f32 v8, v8;
	v10 =	vand.u32 $0xFFFF0000, v10  }
0xd3: {  	v6 =	vmul.f32 $1.439964580e+01, v6;
	v13 =	vmul.f32 v47, v47;
	v7 =	vadd.f32 v10, v9  }
0xd4: {  	v8 =	vmul.f32 v8, v8;
	v50 =	vsub.f32 $3.000000000e+00, v49;
	v10 =	vmul.f32 v48, v11  }
0xd5: {  	v6 =	vmul.f32 v7, v6;
	v7 =	vmul.f32 v13, v47  }
0xd6: {  	v8 =	vmul.f32 v50, v8  }
0xd7: {  	v6 =	vmul.f32 v6, v45;
	v7 =	vmul.f32 v10, v7;
	_ =	sdelay $0x1  }
0xd8: {  	v6 =	vmul.f32 v6, v10;
	v7 =	vmul.f32 v8, v7;
	_ =	sdelay $0x1  }
0xd9: {  	v6 =	vadd.f32 v6, v7;
	_ =	sdelay $0x1  }
0xda: {  	v6 =	vmul.f32 $2.500000000e-01, v6;
	_ =	sdelay $0x1  }
0xdb: {  	[tilespmem:v5+s4+$0x20 ss:$0x1] =	vst.idx.msk $0xffff, v6  }
0xdc: {  	v6 =	vld.idx.msk [tilespmem:v3+s4+$0x30 ss:$0x1], $0xffff  }
0xdd: {  	v7 =	vld.idx.msk [tilespmem:v4+s4+$0x30 ss:$0x1], $0xffff;
	_ =	sdelay $0x6  }
0xde: {  	v6 =	vld.idx.msk [tilespmem:v6+s3+$0x0], $0xffff  }
0xdf: {  	v7 =	vld.idx.msk [tilespmem:v7+s3+$0x0], $0xffff;
	_ =	sdelay $0x1  }
0xe0: {  	v51 =	vld.idx.msk [tilespmem:v2+s4+$0x30 ss:$0x1], $0xffff;
	_ =	sdelay $0x2  }
0xe1: {  	v52 =	vshll.u32 v6, $0x10;
	v53 =	vshll.u32 v7, $0x10  }
0xe2: {  	v9 =	vadd.f32 v53, v52  }
0xe3: {  	v8 =	vmax.f32 v51, $2.000000030e-01  }
0xe4: {  	v9 =	vmul.f32 v9, v8;
	_ =	sdelay $0x1  }
0xe5: {  	v9 =	vmul.f32 $6.830284110e+01, v9;
	_ =	sdelay $0x1  }
0xe6: {  	v54 =	vmin.f32 v9, $5.100000000e+02  }
0xe7: {  	v10 =	vtrunc.f32 v54  }
0xe8: {  	(erf) = vrcp.f32 v8;
	v10 =	vcvt.f32.s32 v10;
	_ =	sdelay $0x2  }
0xe9: {  	v56 =	vmul.f32 v8, v1;
	_ =	sdelay $0x1  }
0xea: {  	v11 =	vmin.f32 v56, $1.000000000e+00  }
0xeb: {  	v11 =	vsub.f32 $1.000000000e+00, v11;
	v55 =	vcvt.s32.f32 v10;
	v10 =	vld.idx.msk [tilespmem:v10+s18+$0x0], $0xffff  }
0xec: {  	v8 =	vsub.f32 $8.000000110e-01, v8  }
0xed: {  	v11 =	vmul.f32 v11, v11;
	v6 =	vand.u32 $0xFFFF0000, v6  }
0xee: {  	v7 =	vand.u32 $0xFFFF0000, v7;
	v58 =	vpop (erf);
	v8 =	vmul.f32 $1.000000000e+01, v8;
	v9 =	vsub.f32 v9, v55  }
0xef: {  	v6 =	vmul.f32 v7, v6;
	v59 =	vmul.f32 v58, v58  }
0xf0: {  	v8 =	vmax.f32 v8, $0.0e+00;
	v9 =	vmin.f32 v9, $1.000000000e+00;
	v57 =	vshll.u32 v10, $0x10  }
0xf1: {  	v60 =	vmul.f32 v59, v59;
	v8 =	vmin.f32 v8, $1.000000000e+00;
	v9 =	vmul.f32 v57, v9  }
0xf2: {  	v61 =	vmul.f32 v11, v11;
	v62 =	vadd.f32 v8, v8;
	v10 =	vand.u32 $0xFFFF0000, v10  }
0xf3: {  	v6 =	vmul.f32 $1.439964580e+01, v6;
	v13 =	vmul.f32 v60, v60;
	v7 =	vadd.f32 v10, v9  }
0xf4: {  	v8 =	vmul.f32 v8, v8;
	v63 =	vsub.f32 $3.000000000e+00, v62;
	v10 =	vmul.f32 v61, v11  }
0xf5: {  	v6 =	vmul.f32 v7, v6;
	v7 =	vmul.f32 v13, v60  }
0xf6: {  	v8 =	vmul.f32 v63, v8  }
0xf7: {  	v6 =	vmul.f32 v6, v58;
	v7 =	vmul.f32 v10, v7;
	_ =	sdelay $0x1  }
0xf8: {  	v6 =	vmul.f32 v6, v10;
	v7 =	vmul.f32 v8, v7;
	_ =	sdelay $0x1  }
0xf9: {  	v6 =	vadd.f32 v6, v7;
	_ =	sdelay $0x1  }
0xfa: {  	v6 =	vmul.f32 $2.500000000e-01, v6;
	_ =	sdelay $0x1  }
0xfb: {  	[tilespmem:v5+s4+$0x30 ss:$0x1] =	vst.idx.msk $0xffff, v6  }
0xfc: {  	v6 =	vld.idx.msk [tilespmem:v3+s4+$0x40 ss:$0x1], $0xffff  }
0xfd: {  	v7 =	vld.idx.msk [tilespmem:v4+s4+$0x40 ss:$0x1], $0xffff;
	_ =	sdelay $0x6  }
0xfe: {  	v6 =	vld.idx.msk [tilespmem:v6+s3+$0x0], $0xffff  }
0xff: {  	v7 =	vld.idx.msk [tilespmem:v7+s3+$0x0], $0xffff;
	_ =	sdelay $0x1  }
0x100: {  	v12 =	vld.idx.msk [tilespmem:v2+s4+$0x40 ss:$0x1], $0xffff;
	_ =	sdelay $0x2  }
0x101: {  	v13 =	vshll.u32 v6, $0x10;
	v14 =	vshll.u32 v7, $0x10  }
0x102: {  	v9 =	vadd.f32 v14, v13  }
0x103: {  	v8 =	vmax.f32 v12, $2.000000030e-01  }
0x104: {  	v9 =	vmul.f32 v9, v8;
	_ =	sdelay $0x1  }
0x105: {  	v9 =	vmul.f32 $6.830284110e+01, v9;
	_ =	sdelay $0x1  }
0x106: {  	v15 =	vmin.f32 v9, $5.100000000e+02  }
0x107: {  	v10 =	vtrunc.f32 v15  }
0x108: {  	(erf) = vrcp.f32 v8;
	v10 =	vcvt.f32.s32 v10;
	_ =	sdelay $0x2  }
0x109: {  	v17 =	vmul.f32 v8, v1;
	_ =	sdelay $0x1  }
0x10a: {  	v11 =	vmin.f32 v17, $1.000000000e+00  }
0x10b: {  	v11 =	vsub.f32 $1.000000000e+00, v11;
	v16 =	vcvt.s32.f32 v10;
	v10 =	vld.idx.msk [tilespmem:v10+s18+$0x0], $0xffff  }
0x10c: {  	v8 =	vsub.f32 $8.000000110e-01, v8  }
0x10d: {  	v11 =	vmul.f32 v11, v11;
	v6 =	vand.u32 $0xFFFF0000, v6  }
0x10e: {  	v7 =	vand.u32 $0xFFFF0000, v7;
	v19 =	vpop (erf);
	v8 =	vmul.f32 $1.000000000e+01, v8;
	v9 =	vsub.f32 v9, v16  }
0x10f: {  	v6 =	vmul.f32 v7, v6;
	v20 =	vmul.f32 v19, v19  }
0x110: {  	v8 =	vmax.f32 v8, $0.0e+00;
	v9 =	vmin.f32 v9, $1.000000000e+00;
	v18 =	vshll.u32 v10, $0x10  }
0x111: {  	v21 =	vmul.f32 v20, v20;
	v8 =	vmin.f32 v8, $1.000000000e+00;
	v9 =	vmul.f32 v18, v9  }
0x112: {  	v22 =	vmul.f32 v11, v11;
	v23 =	vadd.f32 v8, v8;
	v10 =	vand.u32 $0xFFFF0000, v10  }
0x113: {  	v6 =	vmul.f32 $1.439964580e+01, v6;
	v13 =	vmul.f32 v21, v21;
	v7 =	vadd.f32 v10, v9  }
0x114: {  	v8 =	vmul.f32 v8, v8;
	v24 =	vsub.f32 $3.000000000e+00, v23;
	v10 =	vmul.f32 v22, v11  }
0x115: {  	v6 =	vmul.f32 v7, v6;
	v7 =	vmul.f32 v13, v21  }
0x116: {  	v8 =	vmul.f32 v24, v8  }
0x117: {  	v6 =	vmul.f32 v6, v19;
	v7 =	vmul.f32 v10, v7;
	_ =	sdelay $0x1  }
0x118: {  	v6 =	vmul.f32 v6, v10;
	v7 =	vmul.f32 v8, v7;
	_ =	sdelay $0x1  }
0x119: {  	v6 =	vadd.f32 v6, v7;
	_ =	sdelay $0x1  }
0x11a: {  	v6 =	vmul.f32 $2.500000000e-01, v6;
	_ =	sdelay $0x1  }
0x11b: {  	[tilespmem:v5+s4+$0x40 ss:$0x1] =	vst.idx.msk $0xffff, v6  }
0x11c: {  	v6 =	vld.idx.msk [tilespmem:v3+s4+$0x50 ss:$0x1], $0xffff  }
0x11d: {  	v7 =	vld.idx.msk [tilespmem:v4+s4+$0x50 ss:$0x1], $0xffff;
	_ =	sdelay $0x6  }
0x11e: {  	v6 =	vld.idx.msk [tilespmem:v6+s3+$0x0], $0xffff  }
0x11f: {  	v7 =	vld.idx.msk [tilespmem:v7+s3+$0x0], $0xffff;
	_ =	sdelay $0x1  }
0x120: {  	v25 =	vld.idx.msk [tilespmem:v2+s4+$0x50 ss:$0x1], $0xffff;
	_ =	sdelay $0x2  }
0x121: {  	v26 =	vshll.u32 v6, $0x10;
	v27 =	vshll.u32 v7, $0x10  }
0x122: {  	v9 =	vadd.f32 v27, v26  }
0x123: {  	v8 =	vmax.f32 v25, $2.000000030e-01  }
0x124: {  	v9 =	vmul.f32 v9, v8;
	_ =	sdelay $0x1  }
0x125: {  	v9 =	vmul.f32 $6.830284110e+01, v9;
	_ =	sdelay $0x1  }
0x126: {  	v28 =	vmin.f32 v9, $5.100000000e+02  }
0x127: {  	v10 =	vtrunc.f32 v28  }
0x128: {  	(erf) = vrcp.f32 v8;
	v10 =	vcvt.f32.s32 v10;
	_ =	sdelay $0x2  }
0x129: {  	v30 =	vmul.f32 v8, v1;
	_ =	sdelay $0x1  }
0x12a: {  	v11 =	vmin.f32 v30, $1.000000000e+00  }
0x12b: {  	v11 =	vsub.f32 $1.000000000e+00, v11;
	v29 =	vcvt.s32.f32 v10;
	v10 =	vld.idx.msk [tilespmem:v10+s18+$0x0], $0xffff  }
0x12c: {  	v8 =	vsub.f32 $8.000000110e-01, v8  }
0x12d: {  	v11 =	vmul.f32 v11, v11;
	v6 =	vand.u32 $0xFFFF0000, v6  }
0x12e: {  	v7 =	vand.u32 $0xFFFF0000, v7;
	v32 =	vpop (erf);
	v8 =	vmul.f32 $1.000000000e+01, v8;
	v9 =	vsub.f32 v9, v29  }
0x12f: {  	v6 =	vmul.f32 v7, v6;
	v33 =	vmul.f32 v32, v32  }
0x130: {  	v8 =	vmax.f32 v8, $0.0e+00;
	v9 =	vmin.f32 v9, $1.000000000e+00;
	v31 =	vshll.u32 v10, $0x10  }
0x131: {  	v34 =	vmul.f32 v33, v33;
	v8 =	vmin.f32 v8, $1.000000000e+00;
	v9 =	vmul.f32 v31, v9  }
0x132: {  	v35 =	vmul.f32 v11, v11;
	v36 =	vadd.f32 v8, v8;
	v10 =	vand.u32 $0xFFFF0000, v10  }
0x133: {  	v6 =	vmul.f32 $1.439964580e+01, v6;
	v13 =	vmul.f32 v34, v34;
	v7 =	vadd.f32 v10, v9  }
0x134: {  	v8 =	vmul.f32 v8, v8;
	v37 =	vsub.f32 $3.000000000e+00, v36;
	v10 =	vmul.f32 v35, v11  }
0x135: {  	v6 =	vmul.f32 v7, v6;
	v7 =	vmul.f32 v13, v34  }
0x136: {  	v8 =	vmul.f32 v37, v8  }
0x137: {  	v6 =	vmul.f32 v6, v32;
	v7 =	vmul.f32 v10, v7;
	_ =	sdelay $0x1  }
0x138: {  	v6 =	vmul.f32 v6, v10;
	v7 =	vmul.f32 v8, v7;
	_ =	sdelay $0x1  }
0x139: {  	v6 =	vadd.f32 v6, v7;
	_ =	sdelay $0x1  }
0x13a: {  	v6 =	vmul.f32 $2.500000000e-01, v6;
	_ =	sdelay $0x1  }
0x13b: {  	[tilespmem:v5+s4+$0x50 ss:$0x1] =	vst.idx.msk $0xffff, v6  }
0x13c: {  	v6 =	vld.idx.msk [tilespmem:v3+s4+$0x60 ss:$0x1], $0xffff  }
0x13d: {  	v7 =	vld.idx.msk [tilespmem:v4+s4+$0x60 ss:$0x1], $0xffff;
	_ =	sdelay $0x6  }
0x13e: {  	v6 =	vld.idx.msk [tilespmem:v6+s3+$0x0], $0xffff  }
0x13f: {  	v7 =	vld.idx.msk [tilespmem:v7+s3+$0x0], $0xffff;
	_ =	sdelay $0x1  }
0x140: {  	v38 =	vld.idx.msk [tilespmem:v2+s4+$0x60 ss:$0x1], $0xffff;
	_ =	sdelay $0x2  }
0x141: {  	v39 =	vshll.u32 v6, $0x10;
	v40 =	vshll.u32 v7, $0x10  }
0x142: {  	v9 =	vadd.f32 v40, v39  }
0x143: {  	v8 =	vmax.f32 v38, $2.000000030e-01  }
0x144: {  	v9 =	vmul.f32 v9, v8;
	_ =	sdelay $0x1  }
0x145: {  	v9 =	vmul.f32 $6.830284110e+01, v9;
	_ =	sdelay $0x1  }
0x146: {  	v41 =	vmin.f32 v9, $5.100000000e+02  }
0x147: {  	v10 =	vtrunc.f32 v41  }
0x148: {  	(erf) = vrcp.f32 v8;
	v10 =	vcvt.f32.s32 v10;
	_ =	sdelay $0x2  }
0x149: {  	v43 =	vmul.f32 v8, v1;
	_ =	sdelay $0x1  }
0x14a: {  	v11 =	vmin.f32 v43, $1.000000000e+00  }
0x14b: {  	v11 =	vsub.f32 $1.000000000e+00, v11;
	v42 =	vcvt.s32.f32 v10;
	v10 =	vld.idx.msk [tilespmem:v10+s18+$0x0], $0xffff  }
0x14c: {  	v8 =	vsub.f32 $8.000000110e-01, v8  }
0x14d: {  	v11 =	vmul.f32 v11, v11;
	v6 =	vand.u32 $0xFFFF0000, v6  }
0x14e: {  	v7 =	vand.u32 $0xFFFF0000, v7;
	v45 =	vpop (erf);
	v8 =	vmul.f32 $1.000000000e+01, v8;
	v9 =	vsub.f32 v9, v42  }
0x14f: {  	v6 =	vmul.f32 v7, v6;
	v46 =	vmul.f32 v45, v45  }
0x150: {  	v8 =	vmax.f32 v8, $0.0e+00;
	v9 =	vmin.f32 v9, $1.000000000e+00;
	v44 =	vshll.u32 v10, $0x10  }
0x151: {  	v47 =	vmul.f32 v46, v46;
	v8 =	vmin.f32 v8, $1.000000000e+00;
	v9 =	vmul.f32 v44, v9  }
0x152: {  	v48 =	vmul.f32 v11, v11;
	v49 =	vadd.f32 v8, v8;
	v10 =	vand.u32 $0xFFFF0000, v10  }
0x153: {  	v6 =	vmul.f32 $1.439964580e+01, v6;
	v13 =	vmul.f32 v47, v47;
	v7 =	vadd.f32 v10, v9  }
0x154: {  	v8 =	vmul.f32 v8, v8;
	v50 =	vsub.f32 $3.000000000e+00, v49;
	v10 =	vmul.f32 v48, v11  }
0x155: {  	v6 =	vmul.f32 v7, v6;
	v7 =	vmul.f32 v13, v47  }
0x156: {  	v8 =	vmul.f32 v50, v8  }
0x157: {  	v6 =	vmul.f32 v6, v45;
	v7 =	vmul.f32 v10, v7;
	_ =	sdelay $0x1  }
0x158: {  	v6 =	vmul.f32 v6, v10;
	v7 =	vmul.f32 v8, v7;
	_ =	sdelay $0x1  }
0x159: {  	v6 =	vadd.f32 v6, v7;
	_ =	sdelay $0x1  }
0x15a: {  	v6 =	vmul.f32 $2.500000000e-01, v6;
	_ =	sdelay $0x1  }
0x15b: {  	[tilespmem:v5+s4+$0x60 ss:$0x1] =	vst.idx.msk $0xffff, v6  }
0x15c: {  	v6 =	vld.idx.msk [tilespmem:v3+s4+$0x70 ss:$0x1], $0xffff  }
0x15d: {  	v7 =	vld.idx.msk [tilespmem:v4+s4+$0x70 ss:$0x1], $0xffff;
	_ =	sdelay $0x6  }
0x15e: {  	v6 =	vld.idx.msk [tilespmem:v6+s3+$0x0], $0xffff  }
0x15f: {  	v7 =	vld.idx.msk [tilespmem:v7+s3+$0x0], $0xffff;
	_ =	sdelay $0x1  }
0x160: {  	v51 =	vld.idx.msk [tilespmem:v2+s4+$0x70 ss:$0x1], $0xffff;
	_ =	sdelay $0x2  }
0x161: {  	v52 =	vshll.u32 v6, $0x10;
	v53 =	vshll.u32 v7, $0x10  }
0x162: {  	v9 =	vadd.f32 v53, v52  }
0x163: {  	v8 =	vmax.f32 v51, $2.000000030e-01  }
0x164: {  	v9 =	vmul.f32 v9, v8;
	_ =	sdelay $0x1  }
0x165: {  	v9 =	vmul.f32 $6.830284110e+01, v9;
	_ =	sdelay $0x1  }
0x166: {  	v54 =	vmin.f32 v9, $5.100000000e+02  }
0x167: {  	v10 =	vtrunc.f32 v54  }
0x168: {  	(erf) = vrcp.f32 v8;
	v10 =	vcvt.f32.s32 v10;
	_ =	sdelay $0x2  }
0x169: {  	v56 =	vmul.f32 v8, v1;
	_ =	sdelay $0x1  }
0x16a: {  	v11 =	vmin.f32 v56, $1.000000000e+00  }
0x16b: {  	v11 =	vsub.f32 $1.000000000e+00, v11;
	v55 =	vcvt.s32.f32 v10;
	v10 =	vld.idx.msk [tilespmem:v10+s18+$0x0], $0xffff  }
0x16c: {  	v8 =	vsub.f32 $8.000000110e-01, v8  }
0x16d: {  	v11 =	vmul.f32 v11, v11;
	v6 =	vand.u32 $0xFFFF0000, v6  }
0x16e: {  	v7 =	vand.u32 $0xFFFF0000, v7;
	v58 =	vpop (erf);
	v8 =	vmul.f32 $1.000000000e+01, v8;
	v9 =	vsub.f32 v9, v55  }
0x16f: {  	v6 =	vmul.f32 v7, v6;
	v59 =	vmul.f32 v58, v58  }
0x170: {  	v8 =	vmax.f32 v8, $0.0e+00;
	v9 =	vmin.f32 v9, $1.000000000e+00;
	v57 =	vshll.u32 v10, $0x10  }
0x171: {  	v60 =	vmul.f32 v59, v59;
	v8 =	vmin.f32 v8, $1.000000000e+00;
	v9 =	vmul.f32 v57, v9  }
0x172: {  	v61 =	vmul.f32 v11, v11;
	v62 =	vadd.f32 v8, v8;
	v10 =	vand.u32 $0xFFFF0000, v10  }
0x173: {  	v6 =	vmul.f32 $1.439964580e+01, v6;
	v13 =	vmul.f32 v60, v60;
	v7 =	vadd.f32 v10, v9  }
0x174: {  	v8 =	vmul.f32 v8, v8;
	v63 =	vsub.f32 $3.000000000e+00, v62;
	v10 =	vmul.f32 v61, v11  }
0x175: {  	v6 =	vmul.f32 v7, v6;
	v7 =	vmul.f32 v13, v60  }
0x176: {  	v8 =	vmul.f32 v63, v8  }
0x177: {  	v6 =	vmul.f32 v6, v58;
	v7 =	vmul.f32 v10, v7;
	_ =	sdelay $0x1  }
0x178: {  	v6 =	vmul.f32 v6, v10;
	v7 =	vmul.f32 v8, v7  }
0x179: {  	p0 =	sne.s32 s0, $0xE00  }
.Ltmp1:
0x17a: {  	v6 =	vadd.f32 v6, v7;
	(pc) =	sbr.rel @p0 .LBB2_5-.Ltmp1, $3  }
0x17b: {  	_ = 	snop  }
0x17c: {  	v6 =	vmul.f32 $2.500000000e-01, v6;
	_ =	sdelay $0x1  }
0x17d: {  	s0 =	sadd.s32 $0x200, s0;
	[tilespmem:v5+s4+$0x70 ss:$0x1] =	vst.idx.msk $0xffff, v6  }
0x17e: {  	s0 =	sadd.s32 $0x1AE00, s31;
	s1 =	sadd.s32 $0x19600, s31  }
0x17f: {  	[spmem:s2] =	stream.indirect.scatter.add.f32 [tilespmem:s0], [sflag:$0x2], $0x1, s1, s21, $0xb8;
	[tilespmem:$0x1D300] =	vst v63  }
0x180: {  	s19 =	sadd.s32 $0x1A200, s31  }
0x181: {  	[spmem:s2] =	stream.indirect.scatter.add.f32 [tilespmem:s0], [sflag:$0x2], $0x1, s19, s21, $0xb8;
	[tilespmem:$0x1D300] =	vst v63  }
0x182: {  	s4 =	sadd.s32 $0x19680, s31;
	s0 =	sadd.s32 $0x1AE80, s31  }
0x183: {  	[spmem:s2] =	stream.indirect.scatter.add.f32 [tilespmem:s0], [sflag:$0x2], $0x1, s4, s21, $0xb8;
	[tilespmem:$0x1D300] =	vst v63  }
0x184: {  	s19 =	sadd.s32 $0x1A280, s31  }
0x185: {  	[spmem:s2] =	stream.indirect.scatter.add.f32 [tilespmem:s0], [sflag:$0x2], $0x1, s19, s21, $0xb8;
	[tilespmem:$0x1D300] =	vst v63  }
0x186: {  	s4 =	sadd.s32 $0x19700, s31;
	s0 =	sadd.s32 $0x1AF00, s31  }
0x187: {  	[spmem:s2] =	stream.indirect.scatter.add.f32 [tilespmem:s0], [sflag:$0x2], $0x1, s4, s21, $0xb8;
	[tilespmem:$0x1D300] =	vst v63  }
0x188: {  	s19 =	sadd.s32 $0x1A300, s31  }
0x189: {  	[spmem:s2] =	stream.indirect.scatter.add.f32 [tilespmem:s0], [sflag:$0x2], $0x1, s19, s21, $0xb8;
	[tilespmem:$0x1D300] =	vst v63  }
0x18a: {  	s4 =	sadd.s32 $0x19780, s31;
	s0 =	sadd.s32 $0x1AF80, s31  }
0x18b: {  	[spmem:s2] =	stream.indirect.scatter.add.f32 [tilespmem:s0], [sflag:$0x2], $0x1, s4, s21, $0xb8;
	[tilespmem:$0x1D300] =	vst v63  }
0x18c: {  	s19 =	sadd.s32 $0x1A380, s31  }
0x18d: {  	[spmem:s2] =	stream.indirect.scatter.add.f32 [tilespmem:s0], [sflag:$0x2], $0x1, s19, s21, $0xb8;
	[tilespmem:$0x1D300] =	vst v63  }
0x18e: {  	s4 =	sadd.s32 $0x19800, s31;
	s0 =	sadd.s32 $0x1B000, s31  }
0x18f: {  	[spmem:s2] =	stream.indirect.scatter.add.f32 [tilespmem:s0], [sflag:$0x2], $0x1, s4, s21, $0xb8;
	[tilespmem:$0x1D300] =	vst v63  }
0x190: {  	s19 =	sadd.s32 $0x1A400, s31  }
0x191: {  	[spmem:s2] =	stream.indirect.scatter.add.f32 [tilespmem:s0], [sflag:$0x2], $0x1, s19, s21, $0xb8;
	[tilespmem:$0x1D300] =	vst v63  }
0x192: {  	s4 =	sadd.s32 $0x19880, s31;
	s0 =	sadd.s32 $0x1B080, s31  }
0x193: {  	[spmem:s2] =	stream.indirect.scatter.add.f32 [tilespmem:s0], [sflag:$0x2], $0x1, s4, s21, $0xb8;
	[tilespmem:$0x1D300] =	vst v63  }
0x194: {  	s19 =	sadd.s32 $0x1A480, s31  }
0x195: {  	[spmem:s2] =	stream.indirect.scatter.add.f32 [tilespmem:s0], [sflag:$0x2], $0x1, s19, s21, $0xb8;
	[tilespmem:$0x1D300] =	vst v63  }
0x196: {  	s4 =	sadd.s32 $0x19900, s31;
	s0 =	sadd.s32 $0x1B100, s31  }
0x197: {  	[spmem:s2] =	stream.indirect.scatter.add.f32 [tilespmem:s0], [sflag:$0x2], $0x1, s4, s21, $0xb8;
	[tilespmem:$0x1D300] =	vst v63  }
0x198: {  	p0 =	sne.s32 s30, $0xC4;
	s19 =	sadd.s32 $0x1A500, s31  }
0x199: {  	[spmem:s2] =	stream.indirect.scatter.add.f32 [tilespmem:s0], [sflag:$0x2], $0x1, s19, s21, $0xb8;
	[tilespmem:$0x1D300] =	vst v63  }
.Ltmp2:
0x19a: {  	s29 =	sadd.s32 $0x400, s29;
	s26 =	sadd.s32 $0x400, s26;
	(pc) =	sbr.rel @p0 .LBB2_4-.Ltmp2, $4  }
0x19b: {  	s28 =	sadd.s32 $0x400, s28;
	s4 =	sadd.s32 $0x1B180, s31;
	s19 =	sadd.s32 $0x19980, s31  }
0x19c: {  	[spmem:s2] =	stream.indirect.scatter.add.f32 [tilespmem:s4], [sflag:$0x2], $0x1, s19, s21, $0xb8;
	[tilespmem:$0x1D300] =	vst v63  }
0x19d: {  	s25 =	sadd.s32 $0x400, s25;
	s31 =	sadd.s32 $0x1A580, s31;
	s0 =	smov.u32 s30  }
0x19e: {  	[spmem:s2] =	stream.indirect.scatter.add.f32 [tilespmem:s4], [sflag:$0x2], $0x1, s31, s21, $0xb8;
	[tilespmem:$0x1D300] =	vst v63  }
0x19f: {  	_ =	swait.ge [sflag:s22], $0x80  }
0x1a0: {  	[sflag:s22] =	ssyncset.done $0x0  }
0x1a1: {  	[sflag:s22] =	ssyncadd.s32 $0xFFFFFF80  }
0x1a2: {  	_ =	swait.ge [sflag:s22], $0x80  }
0x1a3: {  	[sflag:s22] =	ssyncset.done $0x0  }
0x1a4: {  	[sflag:s22] =	ssyncadd.s32 $0xFFFFFF80  }
0x1a5: {  	_ =	swait.ge [sflag:s22], $0x80  }
0x1a6: {  	[sflag:s22] =	ssyncset.done $0x0  }
0x1a7: {  	[sflag:s22] =	ssyncadd.s32 $0xFFFFFF80  }
0x1a8: {  	_ =	swait.ge [sflag:s22], $0x80  }
0x1a9: {  	[sflag:s22] =	ssyncset.done $0x0  }
0x1aa: {  	[sflag:s22] =	ssyncadd.s32 $0xFFFFFF80  }
0x1ab: {  	_ =	swait.ge [sflag:s22], $0x80  }
0x1ac: {  	[sflag:s22] =	ssyncset.done $0x0  }
0x1ad: {  	[sflag:s22] =	ssyncadd.s32 $0xFFFFFF80  }
0x1ae: {  	_ =	swait.ge [sflag:s22], $0x80  }
0x1af: {  	[sflag:s22] =	ssyncset.done $0x0  }
0x1b0: {  	[sflag:s22] =	ssyncadd.s32 $0xFFFFFF80  }
0x1b1: {  	_ =	swait.ge [sflag:s22], $0x80  }
0x1b2: {  	[sflag:s22] =	ssyncset.done $0x0  }
0x1b3: {  	[sflag:s22] =	ssyncadd.s32 $0xFFFFFF80  }
0x1b4: {  	_ =	swait.ge [sflag:s22], $0x80  }
0x1b5: {  	[sflag:s22] =	ssyncset.done $0x0  }
0x1b6: {  	[sflag:s22] =	ssyncadd.s32 $0xFFFFFF80  }
0x1b7: {  	_ =	swait.ge [sflag:s22], $0x80  }
0x1b8: {  	[sflag:s22] =	ssyncset.done $0x0  }
0x1b9: {  	[sflag:s22] =	ssyncadd.s32 $0xFFFFFF80  }
0x1ba: {  	_ =	swait.ge [sflag:s22], $0x80  }
0x1bb: {  	[sflag:s22] =	ssyncset.done $0x0  }
0x1bc: {  	[sflag:s22] =	ssyncadd.s32 $0xFFFFFF80  }
0x1bd: {  	_ =	swait.ge [sflag:s22], $0x80  }
0x1be: {  	[sflag:s22] =	ssyncset.done $0x0  }
0x1bf: {  	[sflag:s22] =	ssyncadd.s32 $0xFFFFFF80  }
0x1c0: {  	_ =	swait.ge [sflag:s22], $0x80  }
0x1c1: {  	[sflag:s22] =	ssyncset.done $0x0  }
0x1c2: {  	[sflag:s22] =	ssyncadd.s32 $0xFFFFFF80  }
0x1c3: {  	_ =	swait.ge [sflag:s22], $0x80  }
0x1c4: {  	[sflag:s22] =	ssyncset.done $0x0  }
0x1c5: {  	[sflag:s22] =	ssyncadd.s32 $0xFFFFFF80  }
0x1c6: {  	_ =	swait.ge [sflag:s22], $0x80  }
0x1c7: {  	[sflag:s22] =	ssyncset.done $0x0  }
0x1c8: {  	[sflag:s22] =	ssyncadd.s32 $0xFFFFFF80  }
0x1c9: {  	_ =	swait.ge [sflag:s22], $0x80  }
0x1ca: {  	[sflag:s22] =	ssyncset.done $0x0  }
0x1cb: {  	[sflag:s22] =	ssyncadd.s32 $0xFFFFFF80  }
0x1cc: {  	_ =	swait.ge [sflag:s22], $0x80  }
0x1cd: {  	[sflag:s22] =	ssyncset.done $0x0  }
0x1ce: {  	[sflag:s22] =	ssyncadd.s32 $0xFFFFFF80  }
0x1cf: {  	_ =	swait.ge [sflag:s22], $0x80  }
0x1d0: {  	[sflag:s22] =	ssyncset.done $0x0  }
0x1d1: {  	[sflag:s22] =	ssyncadd.s32 $0xFFFFFF80  }
0x1d2: {  	_ =	swait.ge [sflag:s22], $0x80  }
0x1d3: {  	[sflag:s22] =	ssyncset.done $0x0  }
0x1d4: {  	[sflag:s22] =	ssyncadd.s32 $0xFFFFFF80  }
0x1d5: {  	_ =	swait.ge [sflag:s22], $0x80  }
0x1d6: {  	[sflag:s22] =	ssyncset.done $0x0  }
0x1d7: {  	[sflag:s22] =	ssyncadd.s32 $0xFFFFFF80  }
0x1d8: {  	_ =	swait.ge [sflag:s22], $0x80  }
0x1d9: {  	[sflag:s22] =	ssyncset.done $0x0  }
0x1da: {  	[sflag:s22] =	ssyncadd.s32 $0xFFFFFF80  }
0x1db: {  	_ =	swait.ge [sflag:s22], $0x80  }
0x1dc: {  	[sflag:s22] =	ssyncset.done $0x0  }
0x1dd: {  	[sflag:s22] =	ssyncadd.s32 $0xFFFFFF80  }
0x1de: {  	_ =	swait.ge [sflag:s22], $0x80  }
0x1df: {  	[sflag:s22] =	ssyncset.done $0x0  }
0x1e0: {  	[sflag:s22] =	ssyncadd.s32 $0xFFFFFF80  }
0x1e1: {  	_ =	swait.ge [sflag:s22], $0x80  }
0x1e2: {  	[sflag:s22] =	ssyncset.done $0x0  }
0x1e3: {  	[sflag:s22] =	ssyncadd.s32 $0xFFFFFF80  }
0x1e4: {  	_ =	swait.ge [sflag:s22], $0x80  }
0x1e5: {  	[sflag:s22] =	ssyncset.done $0x0  }
0x1e6: {  	[sflag:s22] =	ssyncadd.s32 $0xFFFFFF80  }
0x1e7: {  	_ =	swait.ge [sflag:s22], $0x80  }
0x1e8: {  	[sflag:s22] =	ssyncset.done $0x0  }
0x1e9: {  	[sflag:s22] =	ssyncadd.s32 $0xFFFFFF80  }
0x1ea: {  	_ =	swait.ge [sflag:s22], $0x80  }
0x1eb: {  	[sflag:s22] =	ssyncset.done $0x0  }
0x1ec: {  	[sflag:s22] =	ssyncadd.s32 $0xFFFFFF80  }
0x1ed: {  	_ =	swait.ge [sflag:s22], $0x80  }
0x1ee: {  	[sflag:s22] =	ssyncset.done $0x0  }
0x1ef: {  	[sflag:s22] =	ssyncadd.s32 $0xFFFFFF80  }
0x1f0: {  	_ =	swait.ge [sflag:s22], $0x80  }
0x1f1: {  	[sflag:s22] =	ssyncset.done $0x0  }
0x1f2: {  	[sflag:s22] =	ssyncadd.s32 $0xFFFFFF80  }
0x1f3: {  	_ =	swait.ge [sflag:s22], $0x80  }
0x1f4: {  	[sflag:s22] =	ssyncset.done $0x0  }
0x1f5: {  	[sflag:s22] =	ssyncadd.s32 $0xFFFFFF80  }
0x1f6: {  	_ =	swait.ge [sflag:s22], $0x80  }
0x1f7: {  	[sflag:s22] =	ssyncset.done $0x0  }
0x1f8: {  	[sflag:s22] =	ssyncadd.s32 $0xFFFFFF80  }
0x1f9: {  	_ =	swait.ge [sflag:s22], $0x80  }
0x1fa: {  	[sflag:s22] =	ssyncset.done $0x0  }
0x1fb: {  	[sflag:s22] =	ssyncadd.s32 $0xFFFFFF80  }
0x1fc: {  	_ =	swait.ge [sflag:s22], $0x80  }
0x1fd: {  	[sflag:s22] =	ssyncset.done $0x0  }
0x1fe: {  	[sflag:s22] =	ssyncadd.s32 $0xFFFFFF80  }
0x1ff: {  	[bflag:$0x0] =	sbarrier.arrive $0xFFFF  }
0x200: {  	[tilespmem:s3], [sflag:$0x3] =	stream.linear.gather [spmem:s10], $0x1880, $0x38;
	[tilespmem:$0x1D300] =	vst v63  }
0x201: {  	s24 =	sadd.s32 $0x1, s24;
	_ =	swait.ge [sflag:s17], $0x1880  }
0x202: {  	p0 =	sne.s32 s24, s16;
	[sflag:s17] =	ssyncset.done $0x0  }
.Ltmp3:
0x203: {  	[sflag:s17] =	ssyncadd.s32 $0xFFFFE780;
	(pc) =	sbr.rel @p0 .LBB2_1-.Ltmp3, $4  }
0x204: {  	[hbm4b:s15+s21] =	stream.strided.scatter [tilespmem:s3], [sflag:$0x3], $0x1880, s23, s21, $0x38;
	[tilespmem:$0x1D300] =	vst v63  }
0x205: {  	_ =	swait.ge [sflag:s17], $0x1880  }
0x206: {  	[sflag:s17] =	ssyncset.done $0x0  }
0x207: {  	[sflag:s17] =	ssyncadd.s32 $0xFFFFE780  }
0x208: {  	_ =	sfence.sel $0x180000  }
0x209: {  	[bflag:$0x0] =	sbarrier.arrive $0xFFFF  }
0x20a: {  	_ =	strace $0x90000047  }
0x20b: {  	s0 =	stileid.u32;
	[bflag:$0x2] =	sbarrier.arrive $0xFFFF  }
0x20c: {  	p0 =	sne.s32 s0, $0x0;
	s0 =	rddreg [dreg:$0x3]  }
0x20d: {  	s0 =	sadd.s32 @!p0 $0x100000, s0  }
0x20e: {  	[sflag:s0] =	ssyncadd.tile.s32 @!p0 $0x1;
	_ =	shalt  }
.Lfunc_end2:
_tile_overlayer_lowered:
.L_overlay_start_2:
0x20f: {  	(tag) =	ssettag $0x2  }
0x210: {  	s0 =	rddreg [dreg:$0x0];
	s2 =	stileid.u32  }
0x211: {  	s1 =	rddreg [dreg:$0x1];
	p0 =	sne.s32 s2, $0x0  }
0x212: {  	s3 =	rddreg [dreg:$0x2];
	[bflag:$0x3] =	sbarrier.arrive $0xFFFF;
	s2 =	simm.s32 @!p0 $0x1C03  }
0x213: {  	[timem:s3], [sflag:s2] =	dma.local @!p0 [hbm:s0], s1  }
0x214: {  	s0 =	simm.s32 @!p0 $0x3  }
0x215: {  	_ =	swait.ge @!p0 [sflag:s0], s1  }
0x216: {  	s1 =	ssub.s32 @!p0 $0x0, s1;
	[sflag:s0] =	ssyncset.done @!p0 $0x0  }
0x217: {  	[sflag:s0] =	ssyncadd.s32 @!p0 s1  }
0x218: {  	[bflag:$0x3] =	sbarrier.arrive $0xFFFF  }
0x219: {  	_ =	shalt  }

</sc_bundles>
